<compile_context>
chip_gen: v7x
topology: tpu7x:2x2x1
jax: 0.10.2.dev20260603
libtpu: 0.0.44.dev20260713+nightly
codegen_flags: <defaults>
</compile_context>

<pallas_src>
import jax
import jax.numpy as jnp
from jax import lax
from jax.experimental import pallas as pl
from jax.experimental.pallas import tpu as pltpu
from jax.experimental.pallas import tpu_sc as plsc

VOCAB = 100000
D = 1024
B = 4
S = 2048
TOT = B * S

NC = 2
NS = 16
NW = NC * NS
PPW = S // NW
CC = 16
NSUB = PPW // CC
NCHUNK = NSUB * B
NB = 5
GAHEAD = 3
LANES = 16
VPR = D // LANES
AUNROLL = 4


def _body(tok_hbm, idx_hbm, pos_hbm, out_hbm,
          idx_v, p0, p1, t0, t1, t2, t3, t4,
          sp0, sp1, si0, si1, si2, si3, si4, so0, so1, so2, so3, so4):
    w = lax.axis_index("s") * NC + lax.axis_index("c")
    pbase = w * PPW

    pbufs = (p0, p1)
    tbufs = (t0, t1, t2, t3, t4)
    psems = (sp0, sp1)
    isems = (si0, si1, si2, si3, si4)
    osems = (so0, so1, so2, so3, so4)


    def start_pos(sub):
        pltpu.async_copy(pos_hbm.at[pl.ds(pbase + sub * CC, CC)],
                         pbufs[sub % 2], psems[sub % 2])

    def wait_pos(sub):
        pltpu.make_async_copy(pos_hbm.at[pl.ds(0, CC)], pbufs[sub % 2],
                              psems[sub % 2]).wait()

    def start_gather(c):
        sub, b = divmod(c, B)
        pltpu.async_copy(tok_hbm.at[idx_v.at[b, pl.ds(sub * CC, CC)]],
                         tbufs[c % NB], isems[c % NB])

    def wait_gather(c):
        pltpu.make_async_copy(tok_hbm.at[pl.ds(0, CC)], tbufs[c % NB],
                              isems[c % NB]).wait()

    def start_flush(c):
        sub, b = divmod(c, B)
        rbase = b * S + pbase + sub * CC
        pltpu.async_copy(tbufs[c % NB], out_hbm.at[pl.ds(rbase, CC)],
                         osems[c % NB])

    def wait_flush(c):
        pltpu.make_async_copy(tbufs[c % NB], out_hbm.at[pl.ds(0, CC)],
                              osems[c % NB]).wait()

    start_pos(0)
    start_pos(1)
    for b in range(B):
        pltpu.async_copy(idx_hbm.at[b, pl.ds(pbase, PPW)], idx_v.at[b],
                         isems[b])
    for b in range(B):
        pltpu.make_async_copy(idx_hbm.at[b, pl.ds(pbase, PPW)],
                              idx_v.at[b], isems[b]).wait()
    for c in range(GAHEAD):
        start_gather(c)

    for c in range(NCHUNK):
        sub, b = divmod(c, B)
        if c + GAHEAD < NCHUNK:
            if c + GAHEAD >= NB:
                wait_flush(c + GAHEAD - NB)
            start_gather(c + GAHEAD)
        wait_gather(c)
        if b == 0:
            wait_pos(sub)

        tb, pb = tbufs[c % NB], pbufs[sub % 2]

        @plsc.parallel_loop(0, CC * VPR, step=1, unroll=AUNROLL)
        def _(i, _tb=tb, _pb=pb):
            r = i // VPR
            sl = pl.ds(lax.rem(i, VPR) * LANES, LANES)
            plsc.addupdate(_tb.at[r, sl], _pb[r, sl])

        if b == B - 1 and sub + 2 < NSUB:
            start_pos(sub + 2)
        start_flush(c)

    for c in range(NCHUNK - NB, NCHUNK):
        wait_flush(c)


@jax.jit
def _emb(tok_table, x2d, pos_table):
    mesh = plsc.VectorSubcoreMesh(core_axis_name="c", subcore_axis_name="s")
    return pl.kernel(
        _body,
        out_type=jax.ShapeDtypeStruct((TOT, D), jnp.float32),
        mesh=mesh,
        scratch_types=[
            pltpu.VMEM((B, PPW), jnp.int32),
            pltpu.VMEM((CC, D), jnp.float32),
            pltpu.VMEM((CC, D), jnp.float32),
            pltpu.VMEM((CC, D), jnp.float32),
            pltpu.VMEM((CC, D), jnp.float32),
            pltpu.VMEM((CC, D), jnp.float32),
            pltpu.VMEM((CC, D), jnp.float32),
            pltpu.VMEM((CC, D), jnp.float32),
            pltpu.SemaphoreType.DMA,
            pltpu.SemaphoreType.DMA,
            pltpu.SemaphoreType.DMA,
            pltpu.SemaphoreType.DMA,
            pltpu.SemaphoreType.DMA,
            pltpu.SemaphoreType.DMA,
            pltpu.SemaphoreType.DMA,
            pltpu.SemaphoreType.DMA,
            pltpu.SemaphoreType.DMA,
            pltpu.SemaphoreType.DMA,
            pltpu.SemaphoreType.DMA,
            pltpu.SemaphoreType.DMA,
        ],
    )(tok_table, x2d, pos_table)


def kernel(x, tok_table, pos_table):
    out = _emb(tok_table, x.astype(jnp.int32), pos_table)
    return out.reshape(B, S, D)

# --- scband reference (transcript-rebuilt; emitter-appended) ---
"""Pipeline reference for scband-embedding-69277822484855 (READ-ONLY COPY).

The authoritative reference and input builder live on the scoring server;
editing this copy changes nothing except your own understanding.
"""

import jax, jax.numpy as jnp
import numpy as np

VOCAB = 100000
N_EMBD = 1024
MAX_LEN = 2048
BATCH = 4
SEQ = 2048


def setup_inputs(seed: int = 0) -> dict:
    key = jax.random.key(seed)
    k1, k2, k3 = jax.random.split(key, 3)
    x = jax.random.randint(k1, (BATCH, SEQ), 0, VOCAB, dtype=jnp.int64 if jax.config.jax_enable_x64 else jnp.int32)
    tok_table = jax.random.normal(k2, (VOCAB, N_EMBD), dtype=jnp.float32) * 0.02
    pos_table = jax.random.normal(k3, (MAX_LEN, N_EMBD), dtype=jnp.float32) * 0.02
    return {"x": x, "tok_table": tok_table, "pos_table": pos_table}


def reference(x, tok_table, pos_table):
    # TokenEmbedding: standard embedding lookup (gather rows of the token table)
    tok_embd = jnp.take(tok_table, x, axis=0)  # [B, S, D]
    # PositionalEmbedding: learned positional table indexed by position ids
    seq_len = x.shape[1]
    pos_ids = jnp.arange(seq_len)
    pos_embd = jnp.take(pos_table, pos_ids, axis=0)  # [S, D]
    out = tok_embd + pos_embd[None, :, :]
    # Dropout is identity at inference (eval mode)
    return out

if __name__ == "__main__":
    import jax
    _d = setup_inputs()
    print(jax.jit(kernel)(*tuple(_d.values())))

</pallas_src>

<mosaic_0001>
#map = affine_map<(d0, d1) -> (0, 0)>
module attributes {stable_mosaic.version = 14 : i64} {
  func.func @_body(%arg0: i32, %arg1: i32, %arg2: memref<100000x1024xf32, #tpu.memory_space<hbm>>, %arg3: memref<4x2048xi32, #tpu.memory_space<hbm>>, %arg4: memref<2048x1024xf32, #tpu.memory_space<hbm>>, %arg5: memref<8192x1024xf32, #tpu.memory_space<hbm>>, %arg6: memref<4x64xi32, #tpu.memory_space<vmem>>, %arg7: memref<16x1024xf32, #tpu.memory_space<vmem>>, %arg8: memref<16x1024xf32, #tpu.memory_space<vmem>>, %arg9: memref<16x1024xf32, #tpu.memory_space<vmem>>, %arg10: memref<16x1024xf32, #tpu.memory_space<vmem>>, %arg11: memref<16x1024xf32, #tpu.memory_space<vmem>>, %arg12: memref<16x1024xf32, #tpu.memory_space<vmem>>, %arg13: memref<16x1024xf32, #tpu.memory_space<vmem>>, %arg14: memref<!tpu.dma_semaphore, #tpu.memory_space<semaphore_mem>>, %arg15: memref<!tpu.dma_semaphore, #tpu.memory_space<semaphore_mem>>, %arg16: memref<!tpu.dma_semaphore, #tpu.memory_space<semaphore_mem>>, %arg17: memref<!tpu.dma_semaphore, #tpu.memory_space<semaphore_mem>>, %arg18: memref<!tpu.dma_semaphore, #tpu.memory_space<semaphore_mem>>, %arg19: memref<!tpu.dma_semaphore, #tpu.memory_space<semaphore_mem>>, %arg20: memref<!tpu.dma_semaphore, #tpu.memory_space<semaphore_mem>>, %arg21: memref<!tpu.dma_semaphore, #tpu.memory_space<semaphore_mem>>, %arg22: memref<!tpu.dma_semaphore, #tpu.memory_space<semaphore_mem>>, %arg23: memref<!tpu.dma_semaphore, #tpu.memory_space<semaphore_mem>>, %arg24: memref<!tpu.dma_semaphore, #tpu.memory_space<semaphore_mem>>, %arg25: memref<!tpu.dma_semaphore, #tpu.memory_space<semaphore_mem>>) attributes {dimension_semantics = [#tpu.dimension_semantics<core_parallel>, #tpu.dimension_semantics<subcore_parallel>], iteration_bounds = array<i64: 2, 16>, scalar_prefetch = 0 : i64, scratch_operands = 20 : i64, tpu.core_type = #tpu.core_type<sc_vector_subcore>, window_params = [{transform_indices = #map}, {transform_indices = #map}, {transform_indices = #map}, {transform_indices = #map}]} {
    %mul3A = arith.constant 2 : i32
    %mul3A_0 = arith.muli %arg1, %mul3A : i32
    %add3A = arith.addi %mul3A_0, %arg0 : i32
    %mul3A_1 = arith.constant 64 : i32
    %mul3A_2 = arith.muli %add3A, %mul3A_1 : i32
    %add3A_3 = arith.constant 0 : i32
    %add3A_4 = arith.addi %mul3A_2, %add3A_3 : i32
    %dma_start3A = arith.constant 0 : i32
    %dma_start3A_5 = tpu.memref_slice %arg4[%add3A_4, %dma_start3A] : memref<2048x1024xf32, #tpu.memory_space<hbm>> -> memref<16x1024xf32, #tpu.memory_space<hbm>>
    %dma_start3A_6 = arith.constant 0 : i32
    %dma_start3A_7 = tpu.memref_slice %arg4[%add3A_4, %dma_start3A_6] : memref<2048x1024xf32, #tpu.memory_space<hbm>> -> memref<16x1024xf32, #tpu.memory_space<hbm>>
    tpu.enqueue_dma source(%dma_start3A_7 : memref<16x1024xf32, #tpu.memory_space<hbm>>) target(%arg7 : memref<16x1024xf32, #tpu.memory_space<vmem>>) target_semaphore(%arg14 : memref<!tpu.dma_semaphore, #tpu.memory_space<semaphore_mem>>)
    %add3A_8 = arith.constant 16 : i32
    %add3A_9 = arith.addi %mul3A_2, %add3A_8 : i32
    %dma_start3A_10 = arith.constant 0 : i32
    %dma_start3A_11 = tpu.memref_slice %arg4[%add3A_9, %dma_start3A_10] : memref<2048x1024xf32, #tpu.memory_space<hbm>> -> memref<16x1024xf32, #tpu.memory_space<hbm>>
    %dma_start3A_12 = arith.constant 0 : i32
    %dma_start3A_13 = tpu.memref_slice %arg4[%add3A_9, %dma_start3A_12] : memref<2048x1024xf32, #tpu.memory_space<hbm>> -> memref<16x1024xf32, #tpu.memory_space<hbm>>
    tpu.enqueue_dma source(%dma_start3A_13 : memref<16x1024xf32, #tpu.memory_space<hbm>>) target(%arg8 : memref<16x1024xf32, #tpu.memory_space<vmem>>) target_semaphore(%arg15 : memref<!tpu.dma_semaphore, #tpu.memory_space<semaphore_mem>>)
    %dma_start3A_14 = arith.constant 0 : i32
    %dma_start3A_15 = arith.constant 0 : i32
    %dma_start3A_16 = arith.constant 0 : i32
    %dma_start3A_17 = tpu.memref_slice %arg6[%dma_start3A_15, %dma_start3A_16] : memref<4x64xi32, #tpu.memory_space<vmem>> -> memref<1x64xi32, #tpu.memory_space<vmem>>
    %dma_start3A_18 = tpu.memref_squeeze %dma_start3A_17 : memref<1x64xi32, #tpu.memory_space<vmem>> -> memref<64xi32, #tpu.memory_space<vmem>>
    %dma_start3A_19 = tpu.memref_slice %arg3[%dma_start3A_14, %mul3A_2] : memref<4x2048xi32, #tpu.memory_space<hbm>> -> memref<1x64xi32, #tpu.memory_space<hbm>>
    %dma_start3A_20 = tpu.memref_squeeze %dma_start3A_19 : memref<1x64xi32, #tpu.memory_space<hbm>> -> memref<64xi32, #tpu.memory_space<hbm>>
    %dma_start3A_21 = arith.constant 0 : i32
    %dma_start3A_22 = tpu.memref_slice %arg6[%dma_start3A_15, %dma_start3A_21] : memref<4x64xi32, #tpu.memory_space<vmem>> -> memref<1x64xi32, #tpu.memory_space<vmem>>
    %dma_start3A_23 = tpu.memref_squeeze %dma_start3A_22 : memref<1x64xi32, #tpu.memory_space<vmem>> -> memref<64xi32, #tpu.memory_space<vmem>>
    %dma_start3A_24 = tpu.memref_slice %arg3[%dma_start3A_14, %mul3A_2] : memref<4x2048xi32, #tpu.memory_space<hbm>> -> memref<1x64xi32, #tpu.memory_space<hbm>>
    %dma_start3A_25 = tpu.memref_squeeze %dma_start3A_24 : memref<1x64xi32, #tpu.memory_space<hbm>> -> memref<64xi32, #tpu.memory_space<hbm>>
    tpu.enqueue_dma source(%dma_start3A_25 : memref<64xi32, #tpu.memory_space<hbm>>) target(%dma_start3A_23 : memref<64xi32, #tpu.memory_space<vmem>>) target_semaphore(%arg16 : memref<!tpu.dma_semaphore, #tpu.memory_space<semaphore_mem>>)
    %dma_start3A_26 = arith.constant 1 : i32
    %dma_start3A_27 = arith.constant 1 : i32
    %dma_start3A_28 = arith.constant 0 : i32
    %dma_start3A_29 = tpu.memref_slice %arg6[%dma_start3A_27, %dma_start3A_28] : memref<4x64xi32, #tpu.memory_space<vmem>> -> memref<1x64xi32, #tpu.memory_space<vmem>>
    %dma_start3A_30 = tpu.memref_squeeze %dma_start3A_29 : memref<1x64xi32, #tpu.memory_space<vmem>> -> memref<64xi32, #tpu.memory_space<vmem>>
    %dma_start3A_31 = tpu.memref_slice %arg3[%dma_start3A_26, %mul3A_2] : memref<4x2048xi32, #tpu.memory_space<hbm>> -> memref<1x64xi32, #tpu.memory_space<hbm>>
    %dma_start3A_32 = tpu.memref_squeeze %dma_start3A_31 : memref<1x64xi32, #tpu.memory_space<hbm>> -> memref<64xi32, #tpu.memory_space<hbm>>
    %dma_start3A_33 = arith.constant 0 : i32
    %dma_start3A_34 = tpu.memref_slice %arg6[%dma_start3A_27, %dma_start3A_33] : memref<4x64xi32, #tpu.memory_space<vmem>> -> memref<1x64xi32, #tpu.memory_space<vmem>>
    %dma_start3A_35 = tpu.memref_squeeze %dma_start3A_34 : memref<1x64xi32, #tpu.memory_space<vmem>> -> memref<64xi32, #tpu.memory_space<vmem>>
    %dma_start3A_36 = tpu.memref_slice %arg3[%dma_start3A_26, %mul3A_2] : memref<4x2048xi32, #tpu.memory_space<hbm>> -> memref<1x64xi32, #tpu.memory_space<hbm>>
    %dma_start3A_37 = tpu.memref_squeeze %dma_start3A_36 : memref<1x64xi32, #tpu.memory_space<hbm>> -> memref<64xi32, #tpu.memory_space<hbm>>
    tpu.enqueue_dma source(%dma_start3A_37 : memref<64xi32, #tpu.memory_space<hbm>>) target(%dma_start3A_35 : memref<64xi32, #tpu.memory_space<vmem>>) target_semaphore(%arg17 : memref<!tpu.dma_semaphore, #tpu.memory_space<semaphore_mem>>)
    %dma_start3A_38 = arith.constant 2 : i32
    %dma_start3A_39 = arith.constant 2 : i32
    %dma_start3A_40 = arith.constant 0 : i32
    %dma_start3A_41 = tpu.memref_slice %arg6[%dma_start3A_39, %dma_start3A_40] : memref<4x64xi32, #tpu.memory_space<vmem>> -> memref<1x64xi32, #tpu.memory_space<vmem>>
    %dma_start3A_42 = tpu.memref_squeeze %dma_start3A_41 : memref<1x64xi32, #tpu.memory_space<vmem>> -> memref<64xi32, #tpu.memory_space<vmem>>
    %dma_start3A_43 = tpu.memref_slice %arg3[%dma_start3A_38, %mul3A_2] : memref<4x2048xi32, #tpu.memory_space<hbm>> -> memref<1x64xi32, #tpu.memory_space<hbm>>
    %dma_start3A_44 = tpu.memref_squeeze %dma_start3A_43 : memref<1x64xi32, #tpu.memory_space<hbm>> -> memref<64xi32, #tpu.memory_space<hbm>>
    %dma_start3A_45 = arith.constant 0 : i32
    %dma_start3A_46 = tpu.memref_slice %arg6[%dma_start3A_39, %dma_start3A_45] : memref<4x64xi32, #tpu.memory_space<vmem>> -> memref<1x64xi32, #tpu.memory_space<vmem>>
    %dma_start3A_47 = tpu.memref_squeeze %dma_start3A_46 : memref<1x64xi32, #tpu.memory_space<vmem>> -> memref<64xi32, #tpu.memory_space<vmem>>
    %dma_start3A_48 = tpu.memref_slice %arg3[%dma_start3A_38, %mul3A_2] : memref<4x2048xi32, #tpu.memory_space<hbm>> -> memref<1x64xi32, #tpu.memory_space<hbm>>
    %dma_start3A_49 = tpu.memref_squeeze %dma_start3A_48 : memref<1x64xi32, #tpu.memory_space<hbm>> -> memref<64xi32, #tpu.memory_space<hbm>>
    tpu.enqueue_dma source(%dma_start3A_49 : memref<64xi32, #tpu.memory_space<hbm>>) target(%dma_start3A_47 : memref<64xi32, #tpu.memory_space<vmem>>) target_semaphore(%arg18 : memref<!tpu.dma_semaphore, #tpu.memory_space<semaphore_mem>>)
    %dma_start3A_50 = arith.constant 3 : i32
    %dma_start3A_51 = arith.constant 3 : i32
    %dma_start3A_52 = arith.constant 0 : i32
    %dma_start3A_53 = tpu.memref_slice %arg6[%dma_start3A_51, %dma_start3A_52] : memref<4x64xi32, #tpu.memory_space<vmem>> -> memref<1x64xi32, #tpu.memory_space<vmem>>
    %dma_start3A_54 = tpu.memref_squeeze %dma_start3A_53 : memref<1x64xi32, #tpu.memory_space<vmem>> -> memref<64xi32, #tpu.memory_space<vmem>>
    %dma_start3A_55 = tpu.memref_slice %arg3[%dma_start3A_50, %mul3A_2] : memref<4x2048xi32, #tpu.memory_space<hbm>> -> memref<1x64xi32, #tpu.memory_space<hbm>>
    %dma_start3A_56 = tpu.memref_squeeze %dma_start3A_55 : memref<1x64xi32, #tpu.memory_space<hbm>> -> memref<64xi32, #tpu.memory_space<hbm>>
    %dma_start3A_57 = arith.constant 0 : i32
    %dma_start3A_58 = tpu.memref_slice %arg6[%dma_start3A_51, %dma_start3A_57] : memref<4x64xi32, #tpu.memory_space<vmem>> -> memref<1x64xi32, #tpu.memory_space<vmem>>
    %dma_start3A_59 = tpu.memref_squeeze %dma_start3A_58 : memref<1x64xi32, #tpu.memory_space<vmem>> -> memref<64xi32, #tpu.memory_space<vmem>>
    %dma_start3A_60 = tpu.memref_slice %arg3[%dma_start3A_50, %mul3A_2] : memref<4x2048xi32, #tpu.memory_space<hbm>> -> memref<1x64xi32, #tpu.memory_space<hbm>>
    %dma_start3A_61 = tpu.memref_squeeze %dma_start3A_60 : memref<1x64xi32, #tpu.memory_space<hbm>> -> memref<64xi32, #tpu.memory_space<hbm>>
    tpu.enqueue_dma source(%dma_start3A_61 : memref<64xi32, #tpu.memory_space<hbm>>) target(%dma_start3A_59 : memref<64xi32, #tpu.memory_space<vmem>>) target_semaphore(%arg19 : memref<!tpu.dma_semaphore, #tpu.memory_space<semaphore_mem>>)
    %dma_wait3A = arith.constant 0 : i32
    %dma_wait3A_62 = arith.constant 0 : i32
    %dma_wait3A_63 = arith.constant 0 : i32
    %dma_wait3A_64 = tpu.memref_slice %arg6[%dma_wait3A_62, %dma_wait3A_63] : memref<4x64xi32, #tpu.memory_space<vmem>> -> memref<1x64xi32, #tpu.memory_space<vmem>>
    %dma_wait3A_65 = tpu.memref_squeeze %dma_wait3A_64 : memref<1x64xi32, #tpu.memory_space<vmem>> -> memref<64xi32, #tpu.memory_space<vmem>>
    %dma_wait3A_66 = tpu.memref_slice %arg3[%dma_wait3A, %mul3A_2] : memref<4x2048xi32, #tpu.memory_space<hbm>> -> memref<1x64xi32, #tpu.memory_space<hbm>>
    %dma_wait3A_67 = tpu.memref_squeeze %dma_wait3A_66 : memref<1x64xi32, #tpu.memory_space<hbm>> -> memref<64xi32, #tpu.memory_space<hbm>>
    %dma_wait3A_68 = arith.constant 0 : i32
    %dma_wait3A_69 = tpu.memref_slice %arg6[%dma_wait3A_62, %dma_wait3A_68] : memref<4x64xi32, #tpu.memory_space<vmem>> -> memref<1x64xi32, #tpu.memory_space<vmem>>
    %dma_wait3A_70 = tpu.memref_squeeze %dma_wait3A_69 : memref<1x64xi32, #tpu.memory_space<vmem>> -> memref<64xi32, #tpu.memory_space<vmem>>
    %dma_wait3A_71 = tpu.memref_slice %arg3[%dma_wait3A, %mul3A_2] : memref<4x2048xi32, #tpu.memory_space<hbm>> -> memref<1x64xi32, #tpu.memory_space<hbm>>
    %dma_wait3A_72 = tpu.memref_squeeze %dma_wait3A_71 : memref<1x64xi32, #tpu.memory_space<hbm>> -> memref<64xi32, #tpu.memory_space<hbm>>
    tpu.wait_dma2 semaphore(%arg16 : memref<!tpu.dma_semaphore, #tpu.memory_space<semaphore_mem>>) src(%dma_wait3A_72 : memref<64xi32, #tpu.memory_space<hbm>>) dst(%dma_wait3A_70 : memref<64xi32, #tpu.memory_space<vmem>>)
    %dma_wait3A_73 = arith.constant 1 : i32
    %dma_wait3A_74 = arith.constant 1 : i32
    %dma_wait3A_75 = arith.constant 0 : i32
    %dma_wait3A_76 = tpu.memref_slice %arg6[%dma_wait3A_74, %dma_wait3A_75] : memref<4x64xi32, #tpu.memory_space<vmem>> -> memref<1x64xi32, #tpu.memory_space<vmem>>
    %dma_wait3A_77 = tpu.memref_squeeze %dma_wait3A_76 : memref<1x64xi32, #tpu.memory_space<vmem>> -> memref<64xi32, #tpu.memory_space<vmem>>
    %dma_wait3A_78 = tpu.memref_slice %arg3[%dma_wait3A_73, %mul3A_2] : memref<4x2048xi32, #tpu.memory_space<hbm>> -> memref<1x64xi32, #tpu.memory_space<hbm>>
    %dma_wait3A_79 = tpu.memref_squeeze %dma_wait3A_78 : memref<1x64xi32, #tpu.memory_space<hbm>> -> memref<64xi32, #tpu.memory_space<hbm>>
    %dma_wait3A_80 = arith.constant 0 : i32
    %dma_wait3A_81 = tpu.memref_slice %arg6[%dma_wait3A_74, %dma_wait3A_80] : memref<4x64xi32, #tpu.memory_space<vmem>> -> memref<1x64xi32, #tpu.memory_space<vmem>>
    %dma_wait3A_82 = tpu.memref_squeeze %dma_wait3A_81 : memref<1x64xi32, #tpu.memory_space<vmem>> -> memref<64xi32, #tpu.memory_space<vmem>>
    %dma_wait3A_83 = tpu.memref_slice %arg3[%dma_wait3A_73, %mul3A_2] : memref<4x2048xi32, #tpu.memory_space<hbm>> -> memref<1x64xi32, #tpu.memory_space<hbm>>
    %dma_wait3A_84 = tpu.memref_squeeze %dma_wait3A_83 : memref<1x64xi32, #tpu.memory_space<hbm>> -> memref<64xi32, #tpu.memory_space<hbm>>
    tpu.wait_dma2 semaphore(%arg17 : memref<!tpu.dma_semaphore, #tpu.memory_space<semaphore_mem>>) src(%dma_wait3A_84 : memref<64xi32, #tpu.memory_space<hbm>>) dst(%dma_wait3A_82 : memref<64xi32, #tpu.memory_space<vmem>>)
    %dma_wait3A_85 = arith.constant 2 : i32
    %dma_wait3A_86 = arith.constant 2 : i32
    %dma_wait3A_87 = arith.constant 0 : i32
    %dma_wait3A_88 = tpu.memref_slice %arg6[%dma_wait3A_86, %dma_wait3A_87] : memref<4x64xi32, #tpu.memory_space<vmem>> -> memref<1x64xi32, #tpu.memory_space<vmem>>
    %dma_wait3A_89 = tpu.memref_squeeze %dma_wait3A_88 : memref<1x64xi32, #tpu.memory_space<vmem>> -> memref<64xi32, #tpu.memory_space<vmem>>
    %dma_wait3A_90 = tpu.memref_slice %arg3[%dma_wait3A_85, %mul3A_2] : memref<4x2048xi32, #tpu.memory_space<hbm>> -> memref<1x64xi32, #tpu.memory_space<hbm>>
    %dma_wait3A_91 = tpu.memref_squeeze %dma_wait3A_90 : memref<1x64xi32, #tpu.memory_space<hbm>> -> memref<64xi32, #tpu.memory_space<hbm>>
    %dma_wait3A_92 = arith.constant 0 : i32
    %dma_wait3A_93 = tpu.memref_slice %arg6[%dma_wait3A_86, %dma_wait3A_92] : memref<4x64xi32, #tpu.memory_space<vmem>> -> memref<1x64xi32, #tpu.memory_space<vmem>>
    %dma_wait3A_94 = tpu.memref_squeeze %dma_wait3A_93 : memref<1x64xi32, #tpu.memory_space<vmem>> -> memref<64xi32, #tpu.memory_space<vmem>>
    %dma_wait3A_95 = tpu.memref_slice %arg3[%dma_wait3A_85, %mul3A_2] : memref<4x2048xi32, #tpu.memory_space<hbm>> -> memref<1x64xi32, #tpu.memory_space<hbm>>
    %dma_wait3A_96 = tpu.memref_squeeze %dma_wait3A_95 : memref<1x64xi32, #tpu.memory_space<hbm>> -> memref<64xi32, #tpu.memory_space<hbm>>
    tpu.wait_dma2 semaphore(%arg18 : memref<!tpu.dma_semaphore, #tpu.memory_space<semaphore_mem>>) src(%dma_wait3A_96 : memref<64xi32, #tpu.memory_space<hbm>>) dst(%dma_wait3A_94 : memref<64xi32, #tpu.memory_space<vmem>>)
    %dma_wait3A_97 = arith.constant 3 : i32
    %dma_wait3A_98 = arith.constant 3 : i32
    %dma_wait3A_99 = arith.constant 0 : i32
    %dma_wait3A_100 = tpu.memref_slice %arg6[%dma_wait3A_98, %dma_wait3A_99] : memref<4x64xi32, #tpu.memory_space<vmem>> -> memref<1x64xi32, #tpu.memory_space<vmem>>
    %dma_wait3A_101 = tpu.memref_squeeze %dma_wait3A_100 : memref<1x64xi32, #tpu.memory_space<vmem>> -> memref<64xi32, #tpu.memory_space<vmem>>
    %dma_wait3A_102 = tpu.memref_slice %arg3[%dma_wait3A_97, %mul3A_2] : memref<4x2048xi32, #tpu.memory_space<hbm>> -> memref<1x64xi32, #tpu.memory_space<hbm>>
    %dma_wait3A_103 = tpu.memref_squeeze %dma_wait3A_102 : memref<1x64xi32, #tpu.memory_space<hbm>> -> memref<64xi32, #tpu.memory_space<hbm>>
    %dma_wait3A_104 = arith.constant 0 : i32
    %dma_wait3A_105 = tpu.memref_slice %arg6[%dma_wait3A_98, %dma_wait3A_104] : memref<4x64xi32, #tpu.memory_space<vmem>> -> memref<1x64xi32, #tpu.memory_space<vmem>>
    %dma_wait3A_106 = tpu.memref_squeeze %dma_wait3A_105 : memref<1x64xi32, #tpu.memory_space<vmem>> -> memref<64xi32, #tpu.memory_space<vmem>>
    %dma_wait3A_107 = tpu.memref_slice %arg3[%dma_wait3A_97, %mul3A_2] : memref<4x2048xi32, #tpu.memory_space<hbm>> -> memref<1x64xi32, #tpu.memory_space<hbm>>
    %dma_wait3A_108 = tpu.memref_squeeze %dma_wait3A_107 : memref<1x64xi32, #tpu.memory_space<hbm>> -> memref<64xi32, #tpu.memory_space<hbm>>
    tpu.wait_dma2 semaphore(%arg19 : memref<!tpu.dma_semaphore, #tpu.memory_space<semaphore_mem>>) src(%dma_wait3A_108 : memref<64xi32, #tpu.memory_space<hbm>>) dst(%dma_wait3A_106 : memref<64xi32, #tpu.memory_space<vmem>>)
    %dma_start3A_109 = arith.constant 0 : i32
    %dma_start3A_110 = arith.constant 0 : i32
    %dma_start3A_111 = tpu.memref_slice %arg6[%dma_start3A_109, %dma_start3A_110] : memref<4x64xi32, #tpu.memory_space<vmem>> -> memref<1x16xi32, #tpu.memory_space<vmem>>
    %dma_start3A_112 = tpu.memref_squeeze %dma_start3A_111 : memref<1x16xi32, #tpu.memory_space<vmem>> -> memref<16xi32, #tpu.memory_space<vmem>>
    %dma_start3A_113 = arith.constant 0 : i32
    %dma_start3A_114 = arith.constant 0 : i32
    %dma_start3A_115 = tpu.memref_slice %arg2[%dma_start3A_113, %dma_start3A_114] : memref<100000x1024xf32, #tpu.memory_space<hbm>> -> memref<100000x1024xf32, #tpu.memory_space<hbm>>
    tpu.enqueue_indirect_dma source(%dma_start3A_115 : memref<100000x1024xf32, #tpu.memory_space<hbm>>) target(%arg9 : memref<16x1024xf32, #tpu.memory_space<vmem>>) offsets(%dma_start3A_112 : memref<16xi32, #tpu.memory_space<vmem>>) semaphore(%arg16 : memref<!tpu.dma_semaphore, #tpu.memory_space<semaphore_mem>>)
    %dma_start3A_116 = arith.constant 1 : i32
    %dma_start3A_117 = arith.constant 0 : i32
    %dma_start3A_118 = tpu.memref_slice %arg6[%dma_start3A_116, %dma_start3A_117] : memref<4x64xi32, #tpu.memory_space<vmem>> -> memref<1x16xi32, #tpu.memory_space<vmem>>
    %dma_start3A_119 = tpu.memref_squeeze %dma_start3A_118 : memref<1x16xi32, #tpu.memory_space<vmem>> -> memref<16xi32, #tpu.memory_space<vmem>>
    %dma_start3A_120 = arith.constant 0 : i32
    %dma_start3A_121 = arith.constant 0 : i32
    %dma_start3A_122 = tpu.memref_slice %arg2[%dma_start3A_120, %dma_start3A_121] : memref<100000x1024xf32, #tpu.memory_space<hbm>> -> memref<100000x1024xf32, #tpu.memory_space<hbm>>
    tpu.enqueue_indirect_dma source(%dma_start3A_122 : memref<100000x1024xf32, #tpu.memory_space<hbm>>) target(%arg10 : memref<16x1024xf32, #tpu.memory_space<vmem>>) offsets(%dma_start3A_119 : memref<16xi32, #tpu.memory_space<vmem>>) semaphore(%arg17 : memref<!tpu.dma_semaphore, #tpu.memory_space<semaphore_mem>>)
    %dma_start3A_123 = arith.constant 2 : i32
    %dma_start3A_124 = arith.constant 0 : i32
    %dma_start3A_125 = tpu.memref_slice %arg6[%dma_start3A_123, %dma_start3A_124] : memref<4x64xi32, #tpu.memory_space<vmem>> -> memref<1x16xi32, #tpu.memory_space<vmem>>
    %dma_start3A_126 = tpu.memref_squeeze %dma_start3A_125 : memref<1x16xi32, #tpu.memory_space<vmem>> -> memref<16xi32, #tpu.memory_space<vmem>>
    %dma_start3A_127 = arith.constant 0 : i32
    %dma_start3A_128 = arith.constant 0 : i32
    %dma_start3A_129 = tpu.memref_slice %arg2[%dma_start3A_127, %dma_start3A_128] : memref<100000x1024xf32, #tpu.memory_space<hbm>> -> memref<100000x1024xf32, #tpu.memory_space<hbm>>
    tpu.enqueue_indirect_dma source(%dma_start3A_129 : memref<100000x1024xf32, #tpu.memory_space<hbm>>) target(%arg11 : memref<16x1024xf32, #tpu.memory_space<vmem>>) offsets(%dma_start3A_126 : memref<16xi32, #tpu.memory_space<vmem>>) semaphore(%arg18 : memref<!tpu.dma_semaphore, #tpu.memory_space<semaphore_mem>>)
    %dma_start3A_130 = arith.constant 3 : i32
    %dma_start3A_131 = arith.constant 0 : i32
    %dma_start3A_132 = tpu.memref_slice %arg6[%dma_start3A_130, %dma_start3A_131] : memref<4x64xi32, #tpu.memory_space<vmem>> -> memref<1x16xi32, #tpu.memory_space<vmem>>
    %dma_start3A_133 = tpu.memref_squeeze %dma_start3A_132 : memref<1x16xi32, #tpu.memory_space<vmem>> -> memref<16xi32, #tpu.memory_space<vmem>>
    %dma_start3A_134 = arith.constant 0 : i32
    %dma_start3A_135 = arith.constant 0 : i32
    %dma_start3A_136 = tpu.memref_slice %arg2[%dma_start3A_134, %dma_start3A_135] : memref<100000x1024xf32, #tpu.memory_space<hbm>> -> memref<100000x1024xf32, #tpu.memory_space<hbm>>
    tpu.enqueue_indirect_dma source(%dma_start3A_136 : memref<100000x1024xf32, #tpu.memory_space<hbm>>) target(%arg12 : memref<16x1024xf32, #tpu.memory_space<vmem>>) offsets(%dma_start3A_133 : memref<16xi32, #tpu.memory_space<vmem>>) semaphore(%arg19 : memref<!tpu.dma_semaphore, #tpu.memory_space<semaphore_mem>>)
    %dma_wait3A_137 = arith.constant 0 : i32
    %dma_wait3A_138 = arith.constant 0 : i32
    %dma_wait3A_139 = tpu.memref_slice %arg2[%dma_wait3A_137, %dma_wait3A_138] : memref<100000x1024xf32, #tpu.memory_space<hbm>> -> memref<16x1024xf32, #tpu.memory_space<hbm>>
    %dma_wait3A_140 = arith.constant 0 : i32
    %dma_wait3A_141 = arith.constant 0 : i32
    %dma_wait3A_142 = tpu.memref_slice %arg2[%dma_wait3A_140, %dma_wait3A_141] : memref<100000x1024xf32, #tpu.memory_space<hbm>> -> memref<16x1024xf32, #tpu.memory_space<hbm>>
    tpu.wait_dma2 semaphore(%arg16 : memref<!tpu.dma_semaphore, #tpu.memory_space<semaphore_mem>>) src(%dma_wait3A_142 : memref<16x1024xf32, #tpu.memory_space<hbm>>) dst(%arg9 : memref<16x1024xf32, #tpu.memory_space<vmem>>)
    %dma_wait3A_143 = arith.constant 0 : i32
    %dma_wait3A_144 = arith.constant 0 : i32
    %dma_wait3A_145 = tpu.memref_slice %arg4[%dma_wait3A_143, %dma_wait3A_144] : memref<2048x1024xf32, #tpu.memory_space<hbm>> -> memref<16x1024xf32, #tpu.memory_space<hbm>>
    %dma_wait3A_146 = arith.constant 0 : i32
    %dma_wait3A_147 = arith.constant 0 : i32
    %dma_wait3A_148 = tpu.memref_slice %arg4[%dma_wait3A_146, %dma_wait3A_147] : memref<2048x1024xf32, #tpu.memory_space<hbm>> -> memref<16x1024xf32, #tpu.memory_space<hbm>>
    tpu.wait_dma2 semaphore(%arg14 : memref<!tpu.dma_semaphore, #tpu.memory_space<semaphore_mem>>) src(%dma_wait3A_148 : memref<16x1024xf32, #tpu.memory_space<hbm>>) dst(%arg7 : memref<16x1024xf32, #tpu.memory_space<vmem>>)
    %parallel_loop3A = arith.constant 0 : i32
    %parallel_loop3A_149 = arith.constant 1024 : i32
    %parallel_loop3A_150 = arith.constant 1 : i32
    scf.for %parallel_loop3A_624 = %parallel_loop3A to %parallel_loop3A_149 step %parallel_loop3A_150  : i32 {
      %parallel_loop3A_625 = arith.constant 64 : i32
      %parallel_loop3A_626 = arith.divsi %parallel_loop3A_624, %parallel_loop3A_625 : i32
      %parallel_loop3A_627 = arith.constant 0 : i32
      %parallel_loop3A_628 = arith.cmpi sgt, %parallel_loop3A_624, %parallel_loop3A_627 : i32
      %parallel_loop3A_629 = arith.extui %parallel_loop3A_628 : i1 to i32
      %parallel_loop3A_630 = arith.constant 0 : i32
      %parallel_loop3A_631 = arith.cmpi slt, %parallel_loop3A_624, %parallel_loop3A_630 : i32
      %parallel_loop3A_632 = arith.extui %parallel_loop3A_631 : i1 to i32
      %parallel_loop3A_633 = arith.subi %parallel_loop3A_629, %parallel_loop3A_632 : i32
      %parallel_loop3A_634 = arith.constant 0 : i32
      %parallel_loop3A_635 = arith.cmpi sgt, %parallel_loop3A_625, %parallel_loop3A_634 : i32
      %parallel_loop3A_636 = arith.extui %parallel_loop3A_635 : i1 to i32
      %parallel_loop3A_637 = arith.constant 0 : i32
      %parallel_loop3A_638 = arith.cmpi slt, %parallel_loop3A_625, %parallel_loop3A_637 : i32
      %parallel_loop3A_639 = arith.extui %parallel_loop3A_638 : i1 to i32
      %parallel_loop3A_640 = arith.subi %parallel_loop3A_636, %parallel_loop3A_639 : i32
      %parallel_loop3A_641 = arith.cmpi ne, %parallel_loop3A_633, %parallel_loop3A_640 : i32
      %parallel_loop3A_642 = arith.remsi %parallel_loop3A_624, %parallel_loop3A_625 : i32
      %parallel_loop3A_643 = arith.constant 0 : i32
      %parallel_loop3A_644 = arith.cmpi ne, %parallel_loop3A_642, %parallel_loop3A_643 : i32
      %parallel_loop3A_645 = arith.andi %parallel_loop3A_641, %parallel_loop3A_644 : i1
      %parallel_loop3A_646 = arith.constant 1 : i32
      %parallel_loop3A_647 = arith.subi %parallel_loop3A_626, %parallel_loop3A_646 : i32
      %parallel_loop3A_648 = arith.select %parallel_loop3A_645, %parallel_loop3A_647, %parallel_loop3A_626 : i32
      %parallel_loop3A_649 = arith.constant 64 : i32
      %parallel_loop3A_650 = arith.remsi %parallel_loop3A_624, %parallel_loop3A_649 : i32
      %parallel_loop3A_651 = arith.constant 16 : i32
      %parallel_loop3A_652 = arith.muli %parallel_loop3A_650, %parallel_loop3A_651 : i32
      %parallel_loop3A_653 = arith.index_cast %parallel_loop3A_648 : i32 to index
      %parallel_loop3A_654 = arith.index_cast %parallel_loop3A_652 : i32 to index
      %parallel_loop3A_655 = tpu.vector_load %arg7[%parallel_loop3A_653, %parallel_loop3A_654] {strides = array<i32>} : memref<16x1024xf32, #tpu.memory_space<vmem>>, vector<1x16xf32>,
      %parallel_loop3A_656 = vector.shape_cast %parallel_loop3A_655 : vector<1x16xf32> to vector<16xf32>
      %parallel_loop3A_657 = arith.index_cast %parallel_loop3A_648 : i32 to index
      %parallel_loop3A_658 = arith.index_cast %parallel_loop3A_652 : i32 to index
      %parallel_loop3A_659 = tpu.vector_load %arg9[%parallel_loop3A_657, %parallel_loop3A_658] {strides = array<i32>} : memref<16x1024xf32, #tpu.memory_space<vmem>>, vector<1x16xf32>,
      %parallel_loop3A_660 = vector.shape_cast %parallel_loop3A_659 : vector<1x16xf32> to vector<16xf32>
      %parallel_loop3A_661 = vector.shape_cast %parallel_loop3A_656 : vector<16xf32> to vector<1x16xf32>
      tpu.vector_store %arg9[%parallel_loop3A_657, %parallel_loop3A_658], %parallel_loop3A_661 {add = true, strides = array<i32>} : memref<16x1024xf32, #tpu.memory_space<vmem>>, vector<1x16xf32>,
    } {sc.loop_unroll_factor = 4 : i64, sc.parallel_access}
    %add3A_151 = arith.constant 0 : i32
    %add3A_152 = arith.addi %add3A_151, %mul3A_2 : i32
    %add3A_153 = arith.constant 0 : i32
    %add3A_154 = arith.addi %add3A_152, %add3A_153 : i32
    %dma_start3A_155 = arith.constant 0 : i32
    %dma_start3A_156 = tpu.memref_slice %arg5[%add3A_154, %dma_start3A_155] : memref<8192x1024xf32, #tpu.memory_space<hbm>> -> memref<16x1024xf32, #tpu.memory_space<hbm>>
    %dma_start3A_157 = arith.constant 0 : i32
    %dma_start3A_158 = tpu.memref_slice %arg5[%add3A_154, %dma_start3A_157] : memref<8192x1024xf32, #tpu.memory_space<hbm>> -> memref<16x1024xf32, #tpu.memory_space<hbm>>
    tpu.enqueue_dma source(%arg9 : memref<16x1024xf32, #tpu.memory_space<vmem>>) target(%dma_start3A_158 : memref<16x1024xf32, #tpu.memory_space<hbm>>) target_semaphore(%arg21 : memref<!tpu.dma_semaphore, #tpu.memory_space<semaphore_mem>>)
    %dma_start3A_159 = arith.constant 0 : i32
    %dma_start3A_160 = arith.constant 16 : i32
    %dma_start3A_161 = tpu.memref_slice %arg6[%dma_start3A_159, %dma_start3A_160] : memref<4x64xi32, #tpu.memory_space<vmem>> -> memref<1x16xi32, #tpu.memory_space<vmem>>
    %dma_start3A_162 = tpu.memref_squeeze %dma_start3A_161 : memref<1x16xi32, #tpu.memory_space<vmem>> -> memref<16xi32, #tpu.memory_space<vmem>>
    %dma_start3A_163 = arith.constant 0 : i32
    %dma_start3A_164 = arith.constant 0 : i32
    %dma_start3A_165 = tpu.memref_slice %arg2[%dma_start3A_163, %dma_start3A_164] : memref<100000x1024xf32, #tpu.memory_space<hbm>> -> memref<100000x1024xf32, #tpu.memory_space<hbm>>
    tpu.enqueue_indirect_dma source(%dma_start3A_165 : memref<100000x1024xf32, #tpu.memory_space<hbm>>) target(%arg13 : memref<16x1024xf32, #tpu.memory_space<vmem>>) offsets(%dma_start3A_162 : memref<16xi32, #tpu.memory_space<vmem>>) semaphore(%arg20 : memref<!tpu.dma_semaphore, #tpu.memory_space<semaphore_mem>>)
    %dma_wait3A_166 = arith.constant 0 : i32
    %dma_wait3A_167 = arith.constant 0 : i32
    %dma_wait3A_168 = tpu.memref_slice %arg2[%dma_wait3A_166, %dma_wait3A_167] : memref<100000x1024xf32, #tpu.memory_space<hbm>> -> memref<16x1024xf32, #tpu.memory_space<hbm>>
    %dma_wait3A_169 = arith.constant 0 : i32
    %dma_wait3A_170 = arith.constant 0 : i32
    %dma_wait3A_171 = tpu.memref_slice %arg2[%dma_wait3A_169, %dma_wait3A_170] : memref<100000x1024xf32, #tpu.memory_space<hbm>> -> memref<16x1024xf32, #tpu.memory_space<hbm>>
    tpu.wait_dma2 semaphore(%arg17 : memref<!tpu.dma_semaphore, #tpu.memory_space<semaphore_mem>>) src(%dma_wait3A_171 : memref<16x1024xf32, #tpu.memory_space<hbm>>) dst(%arg10 : memref<16x1024xf32, #tpu.memory_space<vmem>>)
    %parallel_loop3A_172 = arith.constant 0 : i32
    %parallel_loop3A_173 = arith.constant 1024 : i32
    %parallel_loop3A_174 = arith.constant 1 : i32
    scf.for %parallel_loop3A_624 = %parallel_loop3A_172 to %parallel_loop3A_173 step %parallel_loop3A_174  : i32 {
      %parallel_loop3A_625 = arith.constant 64 : i32
      %parallel_loop3A_626 = arith.divsi %parallel_loop3A_624, %parallel_loop3A_625 : i32
      %parallel_loop3A_627 = arith.constant 0 : i32
      %parallel_loop3A_628 = arith.cmpi sgt, %parallel_loop3A_624, %parallel_loop3A_627 : i32
      %parallel_loop3A_629 = arith.extui %parallel_loop3A_628 : i1 to i32
      %parallel_loop3A_630 = arith.constant 0 : i32
      %parallel_loop3A_631 = arith.cmpi slt, %parallel_loop3A_624, %parallel_loop3A_630 : i32
      %parallel_loop3A_632 = arith.extui %parallel_loop3A_631 : i1 to i32
      %parallel_loop3A_633 = arith.subi %parallel_loop3A_629, %parallel_loop3A_632 : i32
      %parallel_loop3A_634 = arith.constant 0 : i32
      %parallel_loop3A_635 = arith.cmpi sgt, %parallel_loop3A_625, %parallel_loop3A_634 : i32
      %parallel_loop3A_636 = arith.extui %parallel_loop3A_635 : i1 to i32
      %parallel_loop3A_637 = arith.constant 0 : i32
      %parallel_loop3A_638 = arith.cmpi slt, %parallel_loop3A_625, %parallel_loop3A_637 : i32
      %parallel_loop3A_639 = arith.extui %parallel_loop3A_638 : i1 to i32
      %parallel_loop3A_640 = arith.subi %parallel_loop3A_636, %parallel_loop3A_639 : i32
      %parallel_loop3A_641 = arith.cmpi ne, %parallel_loop3A_633, %parallel_loop3A_640 : i32
      %parallel_loop3A_642 = arith.remsi %parallel_loop3A_624, %parallel_loop3A_625 : i32
      %parallel_loop3A_643 = arith.constant 0 : i32
      %parallel_loop3A_644 = arith.cmpi ne, %parallel_loop3A_642, %parallel_loop3A_643 : i32
      %parallel_loop3A_645 = arith.andi %parallel_loop3A_641, %parallel_loop3A_644 : i1
      %parallel_loop3A_646 = arith.constant 1 : i32
      %parallel_loop3A_647 = arith.subi %parallel_loop3A_626, %parallel_loop3A_646 : i32
      %parallel_loop3A_648 = arith.select %parallel_loop3A_645, %parallel_loop3A_647, %parallel_loop3A_626 : i32
      %parallel_loop3A_649 = arith.constant 64 : i32
      %parallel_loop3A_650 = arith.remsi %parallel_loop3A_624, %parallel_loop3A_649 : i32
      %parallel_loop3A_651 = arith.constant 16 : i32
      %parallel_loop3A_652 = arith.muli %parallel_loop3A_650, %parallel_loop3A_651 : i32
      %parallel_loop3A_653 = arith.index_cast %parallel_loop3A_648 : i32 to index
      %parallel_loop3A_654 = arith.index_cast %parallel_loop3A_652 : i32 to index
      %parallel_loop3A_655 = tpu.vector_load %arg7[%parallel_loop3A_653, %parallel_loop3A_654] {strides = array<i32>} : memref<16x1024xf32, #tpu.memory_space<vmem>>, vector<1x16xf32>,
      %parallel_loop3A_656 = vector.shape_cast %parallel_loop3A_655 : vector<1x16xf32> to vector<16xf32>
      %parallel_loop3A_657 = arith.index_cast %parallel_loop3A_648 : i32 to index
      %parallel_loop3A_658 = arith.index_cast %parallel_loop3A_652 : i32 to index
      %parallel_loop3A_659 = tpu.vector_load %arg10[%parallel_loop3A_657, %parallel_loop3A_658] {strides = array<i32>} : memref<16x1024xf32, #tpu.memory_space<vmem>>, vector<1x16xf32>,
      %parallel_loop3A_660 = vector.shape_cast %parallel_loop3A_659 : vector<1x16xf32> to vector<16xf32>
      %parallel_loop3A_661 = vector.shape_cast %parallel_loop3A_656 : vector<16xf32> to vector<1x16xf32>
      tpu.vector_store %arg10[%parallel_loop3A_657, %parallel_loop3A_658], %parallel_loop3A_661 {add = true, strides = array<i32>} : memref<16x1024xf32, #tpu.memory_space<vmem>>, vector<1x16xf32>,
    } {sc.loop_unroll_factor = 4 : i64, sc.parallel_access}
    %add3A_175 = arith.constant 2048 : i32
    %add3A_176 = arith.addi %add3A_175, %mul3A_2 : i32
    %add3A_177 = arith.constant 0 : i32
    %add3A_178 = arith.addi %add3A_176, %add3A_177 : i32
    %dma_start3A_179 = arith.constant 0 : i32
    %dma_start3A_180 = tpu.memref_slice %arg5[%add3A_178, %dma_start3A_179] : memref<8192x1024xf32, #tpu.memory_space<hbm>> -> memref<16x1024xf32, #tpu.memory_space<hbm>>
    %dma_start3A_181 = arith.constant 0 : i32
    %dma_start3A_182 = tpu.memref_slice %arg5[%add3A_178, %dma_start3A_181] : memref<8192x1024xf32, #tpu.memory_space<hbm>> -> memref<16x1024xf32, #tpu.memory_space<hbm>>
    tpu.enqueue_dma source(%arg10 : memref<16x1024xf32, #tpu.memory_space<vmem>>) target(%dma_start3A_182 : memref<16x1024xf32, #tpu.memory_space<hbm>>) target_semaphore(%arg22 : memref<!tpu.dma_semaphore, #tpu.memory_space<semaphore_mem>>)
    %dma_wait3A_183 = arith.constant 0 : i32
    %dma_wait3A_184 = arith.constant 0 : i32
    %dma_wait3A_185 = tpu.memref_slice %arg5[%dma_wait3A_183, %dma_wait3A_184] : memref<8192x1024xf32, #tpu.memory_space<hbm>> -> memref<16x1024xf32, #tpu.memory_space<hbm>>
    %dma_wait3A_186 = arith.constant 0 : i32
    %dma_wait3A_187 = arith.constant 0 : i32
    %dma_wait3A_188 = tpu.memref_slice %arg5[%dma_wait3A_186, %dma_wait3A_187] : memref<8192x1024xf32, #tpu.memory_space<hbm>> -> memref<16x1024xf32, #tpu.memory_space<hbm>>
    tpu.wait_dma2 semaphore(%arg21 : memref<!tpu.dma_semaphore, #tpu.memory_space<semaphore_mem>>) src(%arg9 : memref<16x1024xf32, #tpu.memory_space<vmem>>) dst(%dma_wait3A_188 : memref<16x1024xf32, #tpu.memory_space<hbm>>)
    %dma_start3A_189 = arith.constant 1 : i32
    %dma_start3A_190 = arith.constant 16 : i32
    %dma_start3A_191 = tpu.memref_slice %arg6[%dma_start3A_189, %dma_start3A_190] : memref<4x64xi32, #tpu.memory_space<vmem>> -> memref<1x16xi32, #tpu.memory_space<vmem>>
    %dma_start3A_192 = tpu.memref_squeeze %dma_start3A_191 : memref<1x16xi32, #tpu.memory_space<vmem>> -> memref<16xi32, #tpu.memory_space<vmem>>
    %dma_start3A_193 = arith.constant 0 : i32
    %dma_start3A_194 = arith.constant 0 : i32
    %dma_start3A_195 = tpu.memref_slice %arg2[%dma_start3A_193, %dma_start3A_194] : memref<100000x1024xf32, #tpu.memory_space<hbm>> -> memref<100000x1024xf32, #tpu.memory_space<hbm>>
    tpu.enqueue_indirect_dma source(%dma_start3A_195 : memref<100000x1024xf32, #tpu.memory_space<hbm>>) target(%arg9 : memref<16x1024xf32, #tpu.memory_space<vmem>>) offsets(%dma_start3A_192 : memref<16xi32, #tpu.memory_space<vmem>>) semaphore(%arg16 : memref<!tpu.dma_semaphore, #tpu.memory_space<semaphore_mem>>)
    %dma_wait3A_196 = arith.constant 0 : i32
    %dma_wait3A_197 = arith.constant 0 : i32
    %dma_wait3A_198 = tpu.memref_slice %arg2[%dma_wait3A_196, %dma_wait3A_197] : memref<100000x1024xf32, #tpu.memory_space<hbm>> -> memref<16x1024xf32, #tpu.memory_space<hbm>>
    %dma_wait3A_199 = arith.constant 0 : i32
    %dma_wait3A_200 = arith.constant 0 : i32
    %dma_wait3A_201 = tpu.memref_slice %arg2[%dma_wait3A_199, %dma_wait3A_200] : memref<100000x1024xf32, #tpu.memory_space<hbm>> -> memref<16x1024xf32, #tpu.memory_space<hbm>>
    tpu.wait_dma2 semaphore(%arg18 : memref<!tpu.dma_semaphore, #tpu.memory_space<semaphore_mem>>) src(%dma_wait3A_201 : memref<16x1024xf32, #tpu.memory_space<hbm>>) dst(%arg11 : memref<16x1024xf32, #tpu.memory_space<vmem>>)
    %parallel_loop3A_202 = arith.constant 0 : i32
    %parallel_loop3A_203 = arith.constant 1024 : i32
    %parallel_loop3A_204 = arith.constant 1 : i32
    scf.for %parallel_loop3A_624 = %parallel_loop3A_202 to %parallel_loop3A_203 step %parallel_loop3A_204  : i32 {
      %parallel_loop3A_625 = arith.constant 64 : i32
      %parallel_loop3A_626 = arith.divsi %parallel_loop3A_624, %parallel_loop3A_625 : i32
      %parallel_loop3A_627 = arith.constant 0 : i32
      %parallel_loop3A_628 = arith.cmpi sgt, %parallel_loop3A_624, %parallel_loop3A_627 : i32
      %parallel_loop3A_629 = arith.extui %parallel_loop3A_628 : i1 to i32
      %parallel_loop3A_630 = arith.constant 0 : i32
      %parallel_loop3A_631 = arith.cmpi slt, %parallel_loop3A_624, %parallel_loop3A_630 : i32
      %parallel_loop3A_632 = arith.extui %parallel_loop3A_631 : i1 to i32
      %parallel_loop3A_633 = arith.subi %parallel_loop3A_629, %parallel_loop3A_632 : i32
      %parallel_loop3A_634 = arith.constant 0 : i32
      %parallel_loop3A_635 = arith.cmpi sgt, %parallel_loop3A_625, %parallel_loop3A_634 : i32
      %parallel_loop3A_636 = arith.extui %parallel_loop3A_635 : i1 to i32
      %parallel_loop3A_637 = arith.constant 0 : i32
      %parallel_loop3A_638 = arith.cmpi slt, %parallel_loop3A_625, %parallel_loop3A_637 : i32
      %parallel_loop3A_639 = arith.extui %parallel_loop3A_638 : i1 to i32
      %parallel_loop3A_640 = arith.subi %parallel_loop3A_636, %parallel_loop3A_639 : i32
      %parallel_loop3A_641 = arith.cmpi ne, %parallel_loop3A_633, %parallel_loop3A_640 : i32
      %parallel_loop3A_642 = arith.remsi %parallel_loop3A_624, %parallel_loop3A_625 : i32
      %parallel_loop3A_643 = arith.constant 0 : i32
      %parallel_loop3A_644 = arith.cmpi ne, %parallel_loop3A_642, %parallel_loop3A_643 : i32
      %parallel_loop3A_645 = arith.andi %parallel_loop3A_641, %parallel_loop3A_644 : i1
      %parallel_loop3A_646 = arith.constant 1 : i32
      %parallel_loop3A_647 = arith.subi %parallel_loop3A_626, %parallel_loop3A_646 : i32
      %parallel_loop3A_648 = arith.select %parallel_loop3A_645, %parallel_loop3A_647, %parallel_loop3A_626 : i32
      %parallel_loop3A_649 = arith.constant 64 : i32
      %parallel_loop3A_650 = arith.remsi %parallel_loop3A_624, %parallel_loop3A_649 : i32
      %parallel_loop3A_651 = arith.constant 16 : i32
      %parallel_loop3A_652 = arith.muli %parallel_loop3A_650, %parallel_loop3A_651 : i32
      %parallel_loop3A_653 = arith.index_cast %parallel_loop3A_648 : i32 to index
      %parallel_loop3A_654 = arith.index_cast %parallel_loop3A_652 : i32 to index
      %parallel_loop3A_655 = tpu.vector_load %arg7[%parallel_loop3A_653, %parallel_loop3A_654] {strides = array<i32>} : memref<16x1024xf32, #tpu.memory_space<vmem>>, vector<1x16xf32>,
      %parallel_loop3A_656 = vector.shape_cast %parallel_loop3A_655 : vector<1x16xf32> to vector<16xf32>
      %parallel_loop3A_657 = arith.index_cast %parallel_loop3A_648 : i32 to index
      %parallel_loop3A_658 = arith.index_cast %parallel_loop3A_652 : i32 to index
      %parallel_loop3A_659 = tpu.vector_load %arg11[%parallel_loop3A_657, %parallel_loop3A_658] {strides = array<i32>} : memref<16x1024xf32, #tpu.memory_space<vmem>>, vector<1x16xf32>,
      %parallel_loop3A_660 = vector.shape_cast %parallel_loop3A_659 : vector<1x16xf32> to vector<16xf32>
      %parallel_loop3A_661 = vector.shape_cast %parallel_loop3A_656 : vector<16xf32> to vector<1x16xf32>
      tpu.vector_store %arg11[%parallel_loop3A_657, %parallel_loop3A_658], %parallel_loop3A_661 {add = true, strides = array<i32>} : memref<16x1024xf32, #tpu.memory_space<vmem>>, vector<1x16xf32>,
    } {sc.loop_unroll_factor = 4 : i64, sc.parallel_access}
    %add3A_205 = arith.constant 4096 : i32
    %add3A_206 = arith.addi %add3A_205, %mul3A_2 : i32
    %add3A_207 = arith.constant 0 : i32
    %add3A_208 = arith.addi %add3A_206, %add3A_207 : i32
    %dma_start3A_209 = arith.constant 0 : i32
    %dma_start3A_210 = tpu.memref_slice %arg5[%add3A_208, %dma_start3A_209] : memref<8192x1024xf32, #tpu.memory_space<hbm>> -> memref<16x1024xf32, #tpu.memory_space<hbm>>
    %dma_start3A_211 = arith.constant 0 : i32
    %dma_start3A_212 = tpu.memref_slice %arg5[%add3A_208, %dma_start3A_211] : memref<8192x1024xf32, #tpu.memory_space<hbm>> -> memref<16x1024xf32, #tpu.memory_space<hbm>>
    tpu.enqueue_dma source(%arg11 : memref<16x1024xf32, #tpu.memory_space<vmem>>) target(%dma_start3A_212 : memref<16x1024xf32, #tpu.memory_space<hbm>>) target_semaphore(%arg23 : memref<!tpu.dma_semaphore, #tpu.memory_space<semaphore_mem>>)
    %dma_wait3A_213 = arith.constant 0 : i32
    %dma_wait3A_214 = arith.constant 0 : i32
    %dma_wait3A_215 = tpu.memref_slice %arg5[%dma_wait3A_213, %dma_wait3A_214] : memref<8192x1024xf32, #tpu.memory_space<hbm>> -> memref<16x1024xf32, #tpu.memory_space<hbm>>
    %dma_wait3A_216 = arith.constant 0 : i32
    %dma_wait3A_217 = arith.constant 0 : i32
    %dma_wait3A_218 = tpu.memref_slice %arg5[%dma_wait3A_216, %dma_wait3A_217] : memref<8192x1024xf32, #tpu.memory_space<hbm>> -> memref<16x1024xf32, #tpu.memory_space<hbm>>
    tpu.wait_dma2 semaphore(%arg22 : memref<!tpu.dma_semaphore, #tpu.memory_space<semaphore_mem>>) src(%arg10 : memref<16x1024xf32, #tpu.memory_space<vmem>>) dst(%dma_wait3A_218 : memref<16x1024xf32, #tpu.memory_space<hbm>>)
    %dma_start3A_219 = arith.constant 2 : i32
    %dma_start3A_220 = arith.constant 16 : i32
    %dma_start3A_221 = tpu.memref_slice %arg6[%dma_start3A_219, %dma_start3A_220] : memref<4x64xi32, #tpu.memory_space<vmem>> -> memref<1x16xi32, #tpu.memory_space<vmem>>
    %dma_start3A_222 = tpu.memref_squeeze %dma_start3A_221 : memref<1x16xi32, #tpu.memory_space<vmem>> -> memref<16xi32, #tpu.memory_space<vmem>>
    %dma_start3A_223 = arith.constant 0 : i32
    %dma_start3A_224 = arith.constant 0 : i32
    %dma_start3A_225 = tpu.memref_slice %arg2[%dma_start3A_223, %dma_start3A_224] : memref<100000x1024xf32, #tpu.memory_space<hbm>> -> memref<100000x1024xf32, #tpu.memory_space<hbm>>
    tpu.enqueue_indirect_dma source(%dma_start3A_225 : memref<100000x1024xf32, #tpu.memory_space<hbm>>) target(%arg10 : memref<16x1024xf32, #tpu.memory_space<vmem>>) offsets(%dma_start3A_222 : memref<16xi32, #tpu.memory_space<vmem>>) semaphore(%arg17 : memref<!tpu.dma_semaphore, #tpu.memory_space<semaphore_mem>>)
    %dma_wait3A_226 = arith.constant 0 : i32
    %dma_wait3A_227 = arith.constant 0 : i32
    %dma_wait3A_228 = tpu.memref_slice %arg2[%dma_wait3A_226, %dma_wait3A_227] : memref<100000x1024xf32, #tpu.memory_space<hbm>> -> memref<16x1024xf32, #tpu.memory_space<hbm>>
    %dma_wait3A_229 = arith.constant 0 : i32
    %dma_wait3A_230 = arith.constant 0 : i32
    %dma_wait3A_231 = tpu.memref_slice %arg2[%dma_wait3A_229, %dma_wait3A_230] : memref<100000x1024xf32, #tpu.memory_space<hbm>> -> memref<16x1024xf32, #tpu.memory_space<hbm>>
    tpu.wait_dma2 semaphore(%arg19 : memref<!tpu.dma_semaphore, #tpu.memory_space<semaphore_mem>>) src(%dma_wait3A_231 : memref<16x1024xf32, #tpu.memory_space<hbm>>) dst(%arg12 : memref<16x1024xf32, #tpu.memory_space<vmem>>)
    %parallel_loop3A_232 = arith.constant 0 : i32
    %parallel_loop3A_233 = arith.constant 1024 : i32
    %parallel_loop3A_234 = arith.constant 1 : i32
    scf.for %parallel_loop3A_624 = %parallel_loop3A_232 to %parallel_loop3A_233 step %parallel_loop3A_234  : i32 {
      %parallel_loop3A_625 = arith.constant 64 : i32
      %parallel_loop3A_626 = arith.divsi %parallel_loop3A_624, %parallel_loop3A_625 : i32
      %parallel_loop3A_627 = arith.constant 0 : i32
      %parallel_loop3A_628 = arith.cmpi sgt, %parallel_loop3A_624, %parallel_loop3A_627 : i32
      %parallel_loop3A_629 = arith.extui %parallel_loop3A_628 : i1 to i32
      %parallel_loop3A_630 = arith.constant 0 : i32
      %parallel_loop3A_631 = arith.cmpi slt, %parallel_loop3A_624, %parallel_loop3A_630 : i32
      %parallel_loop3A_632 = arith.extui %parallel_loop3A_631 : i1 to i32
      %parallel_loop3A_633 = arith.subi %parallel_loop3A_629, %parallel_loop3A_632 : i32
      %parallel_loop3A_634 = arith.constant 0 : i32
      %parallel_loop3A_635 = arith.cmpi sgt, %parallel_loop3A_625, %parallel_loop3A_634 : i32
      %parallel_loop3A_636 = arith.extui %parallel_loop3A_635 : i1 to i32
      %parallel_loop3A_637 = arith.constant 0 : i32
      %parallel_loop3A_638 = arith.cmpi slt, %parallel_loop3A_625, %parallel_loop3A_637 : i32
      %parallel_loop3A_639 = arith.extui %parallel_loop3A_638 : i1 to i32
      %parallel_loop3A_640 = arith.subi %parallel_loop3A_636, %parallel_loop3A_639 : i32
      %parallel_loop3A_641 = arith.cmpi ne, %parallel_loop3A_633, %parallel_loop3A_640 : i32
      %parallel_loop3A_642 = arith.remsi %parallel_loop3A_624, %parallel_loop3A_625 : i32
      %parallel_loop3A_643 = arith.constant 0 : i32
      %parallel_loop3A_644 = arith.cmpi ne, %parallel_loop3A_642, %parallel_loop3A_643 : i32
      %parallel_loop3A_645 = arith.andi %parallel_loop3A_641, %parallel_loop3A_644 : i1
      %parallel_loop3A_646 = arith.constant 1 : i32
      %parallel_loop3A_647 = arith.subi %parallel_loop3A_626, %parallel_loop3A_646 : i32
      %parallel_loop3A_648 = arith.select %parallel_loop3A_645, %parallel_loop3A_647, %parallel_loop3A_626 : i32
      %parallel_loop3A_649 = arith.constant 64 : i32
      %parallel_loop3A_650 = arith.remsi %parallel_loop3A_624, %parallel_loop3A_649 : i32
      %parallel_loop3A_651 = arith.constant 16 : i32
      %parallel_loop3A_652 = arith.muli %parallel_loop3A_650, %parallel_loop3A_651 : i32
      %parallel_loop3A_653 = arith.index_cast %parallel_loop3A_648 : i32 to index
      %parallel_loop3A_654 = arith.index_cast %parallel_loop3A_652 : i32 to index
      %parallel_loop3A_655 = tpu.vector_load %arg7[%parallel_loop3A_653, %parallel_loop3A_654] {strides = array<i32>} : memref<16x1024xf32, #tpu.memory_space<vmem>>, vector<1x16xf32>,
      %parallel_loop3A_656 = vector.shape_cast %parallel_loop3A_655 : vector<1x16xf32> to vector<16xf32>
      %parallel_loop3A_657 = arith.index_cast %parallel_loop3A_648 : i32 to index
      %parallel_loop3A_658 = arith.index_cast %parallel_loop3A_652 : i32 to index
      %parallel_loop3A_659 = tpu.vector_load %arg12[%parallel_loop3A_657, %parallel_loop3A_658] {strides = array<i32>} : memref<16x1024xf32, #tpu.memory_space<vmem>>, vector<1x16xf32>,
      %parallel_loop3A_660 = vector.shape_cast %parallel_loop3A_659 : vector<1x16xf32> to vector<16xf32>
      %parallel_loop3A_661 = vector.shape_cast %parallel_loop3A_656 : vector<16xf32> to vector<1x16xf32>
      tpu.vector_store %arg12[%parallel_loop3A_657, %parallel_loop3A_658], %parallel_loop3A_661 {add = true, strides = array<i32>} : memref<16x1024xf32, #tpu.memory_space<vmem>>, vector<1x16xf32>,
    } {sc.loop_unroll_factor = 4 : i64, sc.parallel_access}
    %add3A_235 = arith.constant 32 : i32
    %add3A_236 = arith.addi %mul3A_2, %add3A_235 : i32
    %dma_start3A_237 = arith.constant 0 : i32
    %dma_start3A_238 = tpu.memref_slice %arg4[%add3A_236, %dma_start3A_237] : memref<2048x1024xf32, #tpu.memory_space<hbm>> -> memref<16x1024xf32, #tpu.memory_space<hbm>>
    %dma_start3A_239 = arith.constant 0 : i32
    %dma_start3A_240 = tpu.memref_slice %arg4[%add3A_236, %dma_start3A_239] : memref<2048x1024xf32, #tpu.memory_space<hbm>> -> memref<16x1024xf32, #tpu.memory_space<hbm>>
    tpu.enqueue_dma source(%dma_start3A_240 : memref<16x1024xf32, #tpu.memory_space<hbm>>) target(%arg7 : memref<16x1024xf32, #tpu.memory_space<vmem>>) target_semaphore(%arg14 : memref<!tpu.dma_semaphore, #tpu.memory_space<semaphore_mem>>)
    %add3A_241 = arith.constant 6144 : i32
    %add3A_242 = arith.addi %add3A_241, %mul3A_2 : i32
    %add3A_243 = arith.constant 0 : i32
    %add3A_244 = arith.addi %add3A_242, %add3A_243 : i32
    %dma_start3A_245 = arith.constant 0 : i32
    %dma_start3A_246 = tpu.memref_slice %arg5[%add3A_244, %dma_start3A_245] : memref<8192x1024xf32, #tpu.memory_space<hbm>> -> memref<16x1024xf32, #tpu.memory_space<hbm>>
    %dma_start3A_247 = arith.constant 0 : i32
    %dma_start3A_248 = tpu.memref_slice %arg5[%add3A_244, %dma_start3A_247] : memref<8192x1024xf32, #tpu.memory_space<hbm>> -> memref<16x1024xf32, #tpu.memory_space<hbm>>
    tpu.enqueue_dma source(%arg12 : memref<16x1024xf32, #tpu.memory_space<vmem>>) target(%dma_start3A_248 : memref<16x1024xf32, #tpu.memory_space<hbm>>) target_semaphore(%arg24 : memref<!tpu.dma_semaphore, #tpu.memory_space<semaphore_mem>>)
    %dma_wait3A_249 = arith.constant 0 : i32
    %dma_wait3A_250 = arith.constant 0 : i32
    %dma_wait3A_251 = tpu.memref_slice %arg5[%dma_wait3A_249, %dma_wait3A_250] : memref<8192x1024xf32, #tpu.memory_space<hbm>> -> memref<16x1024xf32, #tpu.memory_space<hbm>>
    %dma_wait3A_252 = arith.constant 0 : i32
    %dma_wait3A_253 = arith.constant 0 : i32
    %dma_wait3A_254 = tpu.memref_slice %arg5[%dma_wait3A_252, %dma_wait3A_253] : memref<8192x1024xf32, #tpu.memory_space<hbm>> -> memref<16x1024xf32, #tpu.memory_space<hbm>>
    tpu.wait_dma2 semaphore(%arg23 : memref<!tpu.dma_semaphore, #tpu.memory_space<semaphore_mem>>) src(%arg11 : memref<16x1024xf32, #tpu.memory_space<vmem>>) dst(%dma_wait3A_254 : memref<16x1024xf32, #tpu.memory_space<hbm>>)
    %dma_start3A_255 = arith.constant 3 : i32
    %dma_start3A_256 = arith.constant 16 : i32
    %dma_start3A_257 = tpu.memref_slice %arg6[%dma_start3A_255, %dma_start3A_256] : memref<4x64xi32, #tpu.memory_space<vmem>> -> memref<1x16xi32, #tpu.memory_space<vmem>>
    %dma_start3A_258 = tpu.memref_squeeze %dma_start3A_257 : memref<1x16xi32, #tpu.memory_space<vmem>> -> memref<16xi32, #tpu.memory_space<vmem>>
    %dma_start3A_259 = arith.constant 0 : i32
    %dma_start3A_260 = arith.constant 0 : i32
    %dma_start3A_261 = tpu.memref_slice %arg2[%dma_start3A_259, %dma_start3A_260] : memref<100000x1024xf32, #tpu.memory_space<hbm>> -> memref<100000x1024xf32, #tpu.memory_space<hbm>>
    tpu.enqueue_indirect_dma source(%dma_start3A_261 : memref<100000x1024xf32, #tpu.memory_space<hbm>>) target(%arg11 : memref<16x1024xf32, #tpu.memory_space<vmem>>) offsets(%dma_start3A_258 : memref<16xi32, #tpu.memory_space<vmem>>) semaphore(%arg18 : memref<!tpu.dma_semaphore, #tpu.memory_space<semaphore_mem>>)
    %dma_wait3A_262 = arith.constant 0 : i32
    %dma_wait3A_263 = arith.constant 0 : i32
    %dma_wait3A_264 = tpu.memref_slice %arg2[%dma_wait3A_262, %dma_wait3A_263] : memref<100000x1024xf32, #tpu.memory_space<hbm>> -> memref<16x1024xf32, #tpu.memory_space<hbm>>
    %dma_wait3A_265 = arith.constant 0 : i32
    %dma_wait3A_266 = arith.constant 0 : i32
    %dma_wait3A_267 = tpu.memref_slice %arg2[%dma_wait3A_265, %dma_wait3A_266] : memref<100000x1024xf32, #tpu.memory_space<hbm>> -> memref<16x1024xf32, #tpu.memory_space<hbm>>
    tpu.wait_dma2 semaphore(%arg20 : memref<!tpu.dma_semaphore, #tpu.memory_space<semaphore_mem>>) src(%dma_wait3A_267 : memref<16x1024xf32, #tpu.memory_space<hbm>>) dst(%arg13 : memref<16x1024xf32, #tpu.memory_space<vmem>>)
    %dma_wait3A_268 = arith.constant 0 : i32
    %dma_wait3A_269 = arith.constant 0 : i32
    %dma_wait3A_270 = tpu.memref_slice %arg4[%dma_wait3A_268, %dma_wait3A_269] : memref<2048x1024xf32, #tpu.memory_space<hbm>> -> memref<16x1024xf32, #tpu.memory_space<hbm>>
    %dma_wait3A_271 = arith.constant 0 : i32
    %dma_wait3A_272 = arith.constant 0 : i32
    %dma_wait3A_273 = tpu.memref_slice %arg4[%dma_wait3A_271, %dma_wait3A_272] : memref<2048x1024xf32, #tpu.memory_space<hbm>> -> memref<16x1024xf32, #tpu.memory_space<hbm>>
    tpu.wait_dma2 semaphore(%arg15 : memref<!tpu.dma_semaphore, #tpu.memory_space<semaphore_mem>>) src(%dma_wait3A_273 : memref<16x1024xf32, #tpu.memory_space<hbm>>) dst(%arg8 : memref<16x1024xf32, #tpu.memory_space<vmem>>)
    %parallel_loop3A_274 = arith.constant 0 : i32
    %parallel_loop3A_275 = arith.constant 1024 : i32
    %parallel_loop3A_276 = arith.constant 1 : i32
    scf.for %parallel_loop3A_624 = %parallel_loop3A_274 to %parallel_loop3A_275 step %parallel_loop3A_276  : i32 {
      %parallel_loop3A_625 = arith.constant 64 : i32
      %parallel_loop3A_626 = arith.divsi %parallel_loop3A_624, %parallel_loop3A_625 : i32
      %parallel_loop3A_627 = arith.constant 0 : i32
      %parallel_loop3A_628 = arith.cmpi sgt, %parallel_loop3A_624, %parallel_loop3A_627 : i32
      %parallel_loop3A_629 = arith.extui %parallel_loop3A_628 : i1 to i32
      %parallel_loop3A_630 = arith.constant 0 : i32
      %parallel_loop3A_631 = arith.cmpi slt, %parallel_loop3A_624, %parallel_loop3A_630 : i32
      %parallel_loop3A_632 = arith.extui %parallel_loop3A_631 : i1 to i32
      %parallel_loop3A_633 = arith.subi %parallel_loop3A_629, %parallel_loop3A_632 : i32
      %parallel_loop3A_634 = arith.constant 0 : i32
      %parallel_loop3A_635 = arith.cmpi sgt, %parallel_loop3A_625, %parallel_loop3A_634 : i32
      %parallel_loop3A_636 = arith.extui %parallel_loop3A_635 : i1 to i32
      %parallel_loop3A_637 = arith.constant 0 : i32
      %parallel_loop3A_638 = arith.cmpi slt, %parallel_loop3A_625, %parallel_loop3A_637 : i32
      %parallel_loop3A_639 = arith.extui %parallel_loop3A_638 : i1 to i32
      %parallel_loop3A_640 = arith.subi %parallel_loop3A_636, %parallel_loop3A_639 : i32
      %parallel_loop3A_641 = arith.cmpi ne, %parallel_loop3A_633, %parallel_loop3A_640 : i32
      %parallel_loop3A_642 = arith.remsi %parallel_loop3A_624, %parallel_loop3A_625 : i32
      %parallel_loop3A_643 = arith.constant 0 : i32
      %parallel_loop3A_644 = arith.cmpi ne, %parallel_loop3A_642, %parallel_loop3A_643 : i32
      %parallel_loop3A_645 = arith.andi %parallel_loop3A_641, %parallel_loop3A_644 : i1
      %parallel_loop3A_646 = arith.constant 1 : i32
      %parallel_loop3A_647 = arith.subi %parallel_loop3A_626, %parallel_loop3A_646 : i32
      %parallel_loop3A_648 = arith.select %parallel_loop3A_645, %parallel_loop3A_647, %parallel_loop3A_626 : i32
      %parallel_loop3A_649 = arith.constant 64 : i32
      %parallel_loop3A_650 = arith.remsi %parallel_loop3A_624, %parallel_loop3A_649 : i32
      %parallel_loop3A_651 = arith.constant 16 : i32
      %parallel_loop3A_652 = arith.muli %parallel_loop3A_650, %parallel_loop3A_651 : i32
      %parallel_loop3A_653 = arith.index_cast %parallel_loop3A_648 : i32 to index
      %parallel_loop3A_654 = arith.index_cast %parallel_loop3A_652 : i32 to index
      %parallel_loop3A_655 = tpu.vector_load %arg8[%parallel_loop3A_653, %parallel_loop3A_654] {strides = array<i32>} : memref<16x1024xf32, #tpu.memory_space<vmem>>, vector<1x16xf32>,
      %parallel_loop3A_656 = vector.shape_cast %parallel_loop3A_655 : vector<1x16xf32> to vector<16xf32>
      %parallel_loop3A_657 = arith.index_cast %parallel_loop3A_648 : i32 to index
      %parallel_loop3A_658 = arith.index_cast %parallel_loop3A_652 : i32 to index
      %parallel_loop3A_659 = tpu.vector_load %arg13[%parallel_loop3A_657, %parallel_loop3A_658] {strides = array<i32>} : memref<16x1024xf32, #tpu.memory_space<vmem>>, vector<1x16xf32>,
      %parallel_loop3A_660 = vector.shape_cast %parallel_loop3A_659 : vector<1x16xf32> to vector<16xf32>
      %parallel_loop3A_661 = vector.shape_cast %parallel_loop3A_656 : vector<16xf32> to vector<1x16xf32>
      tpu.vector_store %arg13[%parallel_loop3A_657, %parallel_loop3A_658], %parallel_loop3A_661 {add = true, strides = array<i32>} : memref<16x1024xf32, #tpu.memory_space<vmem>>, vector<1x16xf32>,
    } {sc.loop_unroll_factor = 4 : i64, sc.parallel_access}
    %add3A_277 = arith.constant 0 : i32
    %add3A_278 = arith.addi %add3A_277, %mul3A_2 : i32
    %add3A_279 = arith.constant 16 : i32
    %add3A_280 = arith.addi %add3A_278, %add3A_279 : i32
    %dma_start3A_281 = arith.constant 0 : i32
    %dma_start3A_282 = tpu.memref_slice %arg5[%add3A_280, %dma_start3A_281] : memref<8192x1024xf32, #tpu.memory_space<hbm>> -> memref<16x1024xf32, #tpu.memory_space<hbm>>
    %dma_start3A_283 = arith.constant 0 : i32
    %dma_start3A_284 = tpu.memref_slice %arg5[%add3A_280, %dma_start3A_283] : memref<8192x1024xf32, #tpu.memory_space<hbm>> -> memref<16x1024xf32, #tpu.memory_space<hbm>>
    tpu.enqueue_dma source(%arg13 : memref<16x1024xf32, #tpu.memory_space<vmem>>) target(%dma_start3A_284 : memref<16x1024xf32, #tpu.memory_space<hbm>>) target_semaphore(%arg25 : memref<!tpu.dma_semaphore, #tpu.memory_space<semaphore_mem>>)
    %dma_wait3A_285 = arith.constant 0 : i32
    %dma_wait3A_286 = arith.constant 0 : i32
    %dma_wait3A_287 = tpu.memref_slice %arg5[%dma_wait3A_285, %dma_wait3A_286] : memref<8192x1024xf32, #tpu.memory_space<hbm>> -> memref<16x1024xf32, #tpu.memory_space<hbm>>
    %dma_wait3A_288 = arith.constant 0 : i32
    %dma_wait3A_289 = arith.constant 0 : i32
    %dma_wait3A_290 = tpu.memref_slice %arg5[%dma_wait3A_288, %dma_wait3A_289] : memref<8192x1024xf32, #tpu.memory_space<hbm>> -> memref<16x1024xf32, #tpu.memory_space<hbm>>
    tpu.wait_dma2 semaphore(%arg24 : memref<!tpu.dma_semaphore, #tpu.memory_space<semaphore_mem>>) src(%arg12 : memref<16x1024xf32, #tpu.memory_space<vmem>>) dst(%dma_wait3A_290 : memref<16x1024xf32, #tpu.memory_space<hbm>>)
    %dma_start3A_291 = arith.constant 0 : i32
    %dma_start3A_292 = arith.constant 32 : i32
    %dma_start3A_293 = tpu.memref_slice %arg6[%dma_start3A_291, %dma_start3A_292] : memref<4x64xi32, #tpu.memory_space<vmem>> -> memref<1x16xi32, #tpu.memory_space<vmem>>
    %dma_start3A_294 = tpu.memref_squeeze %dma_start3A_293 : memref<1x16xi32, #tpu.memory_space<vmem>> -> memref<16xi32, #tpu.memory_space<vmem>>
    %dma_start3A_295 = arith.constant 0 : i32
    %dma_start3A_296 = arith.constant 0 : i32
    %dma_start3A_297 = tpu.memref_slice %arg2[%dma_start3A_295, %dma_start3A_296] : memref<100000x1024xf32, #tpu.memory_space<hbm>> -> memref<100000x1024xf32, #tpu.memory_space<hbm>>
    tpu.enqueue_indirect_dma source(%dma_start3A_297 : memref<100000x1024xf32, #tpu.memory_space<hbm>>) target(%arg12 : memref<16x1024xf32, #tpu.memory_space<vmem>>) offsets(%dma_start3A_294 : memref<16xi32, #tpu.memory_space<vmem>>) semaphore(%arg19 : memref<!tpu.dma_semaphore, #tpu.memory_space<semaphore_mem>>)
    %dma_wait3A_298 = arith.constant 0 : i32
    %dma_wait3A_299 = arith.constant 0 : i32
    %dma_wait3A_300 = tpu.memref_slice %arg2[%dma_wait3A_298, %dma_wait3A_299] : memref<100000x1024xf32, #tpu.memory_space<hbm>> -> memref<16x1024xf32, #tpu.memory_space<hbm>>
    %dma_wait3A_301 = arith.constant 0 : i32
    %dma_wait3A_302 = arith.constant 0 : i32
    %dma_wait3A_303 = tpu.memref_slice %arg2[%dma_wait3A_301, %dma_wait3A_302] : memref<100000x1024xf32, #tpu.memory_space<hbm>> -> memref<16x1024xf32, #tpu.memory_space<hbm>>
    tpu.wait_dma2 semaphore(%arg16 : memref<!tpu.dma_semaphore, #tpu.memory_space<semaphore_mem>>) src(%dma_wait3A_303 : memref<16x1024xf32, #tpu.memory_space<hbm>>) dst(%arg9 : memref<16x1024xf32, #tpu.memory_space<vmem>>)
    %parallel_loop3A_304 = arith.constant 0 : i32
    %parallel_loop3A_305 = arith.constant 1024 : i32
    %parallel_loop3A_306 = arith.constant 1 : i32
    scf.for %parallel_loop3A_624 = %parallel_loop3A_304 to %parallel_loop3A_305 step %parallel_loop3A_306  : i32 {
      %parallel_loop3A_625 = arith.constant 64 : i32
      %parallel_loop3A_626 = arith.divsi %parallel_loop3A_624, %parallel_loop3A_625 : i32
      %parallel_loop3A_627 = arith.constant 0 : i32
      %parallel_loop3A_628 = arith.cmpi sgt, %parallel_loop3A_624, %parallel_loop3A_627 : i32
      %parallel_loop3A_629 = arith.extui %parallel_loop3A_628 : i1 to i32
      %parallel_loop3A_630 = arith.constant 0 : i32
      %parallel_loop3A_631 = arith.cmpi slt, %parallel_loop3A_624, %parallel_loop3A_630 : i32
      %parallel_loop3A_632 = arith.extui %parallel_loop3A_631 : i1 to i32
      %parallel_loop3A_633 = arith.subi %parallel_loop3A_629, %parallel_loop3A_632 : i32
      %parallel_loop3A_634 = arith.constant 0 : i32
      %parallel_loop3A_635 = arith.cmpi sgt, %parallel_loop3A_625, %parallel_loop3A_634 : i32
      %parallel_loop3A_636 = arith.extui %parallel_loop3A_635 : i1 to i32
      %parallel_loop3A_637 = arith.constant 0 : i32
      %parallel_loop3A_638 = arith.cmpi slt, %parallel_loop3A_625, %parallel_loop3A_637 : i32
      %parallel_loop3A_639 = arith.extui %parallel_loop3A_638 : i1 to i32
      %parallel_loop3A_640 = arith.subi %parallel_loop3A_636, %parallel_loop3A_639 : i32
      %parallel_loop3A_641 = arith.cmpi ne, %parallel_loop3A_633, %parallel_loop3A_640 : i32
      %parallel_loop3A_642 = arith.remsi %parallel_loop3A_624, %parallel_loop3A_625 : i32
      %parallel_loop3A_643 = arith.constant 0 : i32
      %parallel_loop3A_644 = arith.cmpi ne, %parallel_loop3A_642, %parallel_loop3A_643 : i32
      %parallel_loop3A_645 = arith.andi %parallel_loop3A_641, %parallel_loop3A_644 : i1
      %parallel_loop3A_646 = arith.constant 1 : i32
      %parallel_loop3A_647 = arith.subi %parallel_loop3A_626, %parallel_loop3A_646 : i32
      %parallel_loop3A_648 = arith.select %parallel_loop3A_645, %parallel_loop3A_647, %parallel_loop3A_626 : i32
      %parallel_loop3A_649 = arith.constant 64 : i32
      %parallel_loop3A_650 = arith.remsi %parallel_loop3A_624, %parallel_loop3A_649 : i32
      %parallel_loop3A_651 = arith.constant 16 : i32
      %parallel_loop3A_652 = arith.muli %parallel_loop3A_650, %parallel_loop3A_651 : i32
      %parallel_loop3A_653 = arith.index_cast %parallel_loop3A_648 : i32 to index
      %parallel_loop3A_654 = arith.index_cast %parallel_loop3A_652 : i32 to index
      %parallel_loop3A_655 = tpu.vector_load %arg8[%parallel_loop3A_653, %parallel_loop3A_654] {strides = array<i32>} : memref<16x1024xf32, #tpu.memory_space<vmem>>, vector<1x16xf32>,
      %parallel_loop3A_656 = vector.shape_cast %parallel_loop3A_655 : vector<1x16xf32> to vector<16xf32>
      %parallel_loop3A_657 = arith.index_cast %parallel_loop3A_648 : i32 to index
      %parallel_loop3A_658 = arith.index_cast %parallel_loop3A_652 : i32 to index
      %parallel_loop3A_659 = tpu.vector_load %arg9[%parallel_loop3A_657, %parallel_loop3A_658] {strides = array<i32>} : memref<16x1024xf32, #tpu.memory_space<vmem>>, vector<1x16xf32>,
      %parallel_loop3A_660 = vector.shape_cast %parallel_loop3A_659 : vector<1x16xf32> to vector<16xf32>
      %parallel_loop3A_661 = vector.shape_cast %parallel_loop3A_656 : vector<16xf32> to vector<1x16xf32>
      tpu.vector_store %arg9[%parallel_loop3A_657, %parallel_loop3A_658], %parallel_loop3A_661 {add = true, strides = array<i32>} : memref<16x1024xf32, #tpu.memory_space<vmem>>, vector<1x16xf32>,
    } {sc.loop_unroll_factor = 4 : i64, sc.parallel_access}
    %add3A_307 = arith.constant 2048 : i32
    %add3A_308 = arith.addi %add3A_307, %mul3A_2 : i32
    %add3A_309 = arith.constant 16 : i32
    %add3A_310 = arith.addi %add3A_308, %add3A_309 : i32
    %dma_start3A_311 = arith.constant 0 : i32
    %dma_start3A_312 = tpu.memref_slice %arg5[%add3A_310, %dma_start3A_311] : memref<8192x1024xf32, #tpu.memory_space<hbm>> -> memref<16x1024xf32, #tpu.memory_space<hbm>>
    %dma_start3A_313 = arith.constant 0 : i32
    %dma_start3A_314 = tpu.memref_slice %arg5[%add3A_310, %dma_start3A_313] : memref<8192x1024xf32, #tpu.memory_space<hbm>> -> memref<16x1024xf32, #tpu.memory_space<hbm>>
    tpu.enqueue_dma source(%arg9 : memref<16x1024xf32, #tpu.memory_space<vmem>>) target(%dma_start3A_314 : memref<16x1024xf32, #tpu.memory_space<hbm>>) target_semaphore(%arg21 : memref<!tpu.dma_semaphore, #tpu.memory_space<semaphore_mem>>)
    %dma_wait3A_315 = arith.constant 0 : i32
    %dma_wait3A_316 = arith.constant 0 : i32
    %dma_wait3A_317 = tpu.memref_slice %arg5[%dma_wait3A_315, %dma_wait3A_316] : memref<8192x1024xf32, #tpu.memory_space<hbm>> -> memref<16x1024xf32, #tpu.memory_space<hbm>>
    %dma_wait3A_318 = arith.constant 0 : i32
    %dma_wait3A_319 = arith.constant 0 : i32
    %dma_wait3A_320 = tpu.memref_slice %arg5[%dma_wait3A_318, %dma_wait3A_319] : memref<8192x1024xf32, #tpu.memory_space<hbm>> -> memref<16x1024xf32, #tpu.memory_space<hbm>>
    tpu.wait_dma2 semaphore(%arg25 : memref<!tpu.dma_semaphore, #tpu.memory_space<semaphore_mem>>) src(%arg13 : memref<16x1024xf32, #tpu.memory_space<vmem>>) dst(%dma_wait3A_320 : memref<16x1024xf32, #tpu.memory_space<hbm>>)
    %dma_start3A_321 = arith.constant 1 : i32
    %dma_start3A_322 = arith.constant 32 : i32
    %dma_start3A_323 = tpu.memref_slice %arg6[%dma_start3A_321, %dma_start3A_322] : memref<4x64xi32, #tpu.memory_space<vmem>> -> memref<1x16xi32, #tpu.memory_space<vmem>>
    %dma_start3A_324 = tpu.memref_squeeze %dma_start3A_323 : memref<1x16xi32, #tpu.memory_space<vmem>> -> memref<16xi32, #tpu.memory_space<vmem>>
    %dma_start3A_325 = arith.constant 0 : i32
    %dma_start3A_326 = arith.constant 0 : i32
    %dma_start3A_327 = tpu.memref_slice %arg2[%dma_start3A_325, %dma_start3A_326] : memref<100000x1024xf32, #tpu.memory_space<hbm>> -> memref<100000x1024xf32, #tpu.memory_space<hbm>>
    tpu.enqueue_indirect_dma source(%dma_start3A_327 : memref<100000x1024xf32, #tpu.memory_space<hbm>>) target(%arg13 : memref<16x1024xf32, #tpu.memory_space<vmem>>) offsets(%dma_start3A_324 : memref<16xi32, #tpu.memory_space<vmem>>) semaphore(%arg20 : memref<!tpu.dma_semaphore, #tpu.memory_space<semaphore_mem>>)
    %dma_wait3A_328 = arith.constant 0 : i32
    %dma_wait3A_329 = arith.constant 0 : i32
    %dma_wait3A_330 = tpu.memref_slice %arg2[%dma_wait3A_328, %dma_wait3A_329] : memref<100000x1024xf32, #tpu.memory_space<hbm>> -> memref<16x1024xf32, #tpu.memory_space<hbm>>
    %dma_wait3A_331 = arith.constant 0 : i32
    %dma_wait3A_332 = arith.constant 0 : i32
    %dma_wait3A_333 = tpu.memref_slice %arg2[%dma_wait3A_331, %dma_wait3A_332] : memref<100000x1024xf32, #tpu.memory_space<hbm>> -> memref<16x1024xf32, #tpu.memory_space<hbm>>
    tpu.wait_dma2 semaphore(%arg17 : memref<!tpu.dma_semaphore, #tpu.memory_space<semaphore_mem>>) src(%dma_wait3A_333 : memref<16x1024xf32, #tpu.memory_space<hbm>>) dst(%arg10 : memref<16x1024xf32, #tpu.memory_space<vmem>>)
    %parallel_loop3A_334 = arith.constant 0 : i32
    %parallel_loop3A_335 = arith.constant 1024 : i32
    %parallel_loop3A_336 = arith.constant 1 : i32
    scf.for %parallel_loop3A_624 = %parallel_loop3A_334 to %parallel_loop3A_335 step %parallel_loop3A_336  : i32 {
      %parallel_loop3A_625 = arith.constant 64 : i32
      %parallel_loop3A_626 = arith.divsi %parallel_loop3A_624, %parallel_loop3A_625 : i32
      %parallel_loop3A_627 = arith.constant 0 : i32
      %parallel_loop3A_628 = arith.cmpi sgt, %parallel_loop3A_624, %parallel_loop3A_627 : i32
      %parallel_loop3A_629 = arith.extui %parallel_loop3A_628 : i1 to i32
      %parallel_loop3A_630 = arith.constant 0 : i32
      %parallel_loop3A_631 = arith.cmpi slt, %parallel_loop3A_624, %parallel_loop3A_630 : i32
      %parallel_loop3A_632 = arith.extui %parallel_loop3A_631 : i1 to i32
      %parallel_loop3A_633 = arith.subi %parallel_loop3A_629, %parallel_loop3A_632 : i32
      %parallel_loop3A_634 = arith.constant 0 : i32
      %parallel_loop3A_635 = arith.cmpi sgt, %parallel_loop3A_625, %parallel_loop3A_634 : i32
      %parallel_loop3A_636 = arith.extui %parallel_loop3A_635 : i1 to i32
      %parallel_loop3A_637 = arith.constant 0 : i32
      %parallel_loop3A_638 = arith.cmpi slt, %parallel_loop3A_625, %parallel_loop3A_637 : i32
      %parallel_loop3A_639 = arith.extui %parallel_loop3A_638 : i1 to i32
      %parallel_loop3A_640 = arith.subi %parallel_loop3A_636, %parallel_loop3A_639 : i32
      %parallel_loop3A_641 = arith.cmpi ne, %parallel_loop3A_633, %parallel_loop3A_640 : i32
      %parallel_loop3A_642 = arith.remsi %parallel_loop3A_624, %parallel_loop3A_625 : i32
      %parallel_loop3A_643 = arith.constant 0 : i32
      %parallel_loop3A_644 = arith.cmpi ne, %parallel_loop3A_642, %parallel_loop3A_643 : i32
      %parallel_loop3A_645 = arith.andi %parallel_loop3A_641, %parallel_loop3A_644 : i1
      %parallel_loop3A_646 = arith.constant 1 : i32
      %parallel_loop3A_647 = arith.subi %parallel_loop3A_626, %parallel_loop3A_646 : i32
      %parallel_loop3A_648 = arith.select %parallel_loop3A_645, %parallel_loop3A_647, %parallel_loop3A_626 : i32
      %parallel_loop3A_649 = arith.constant 64 : i32
      %parallel_loop3A_650 = arith.remsi %parallel_loop3A_624, %parallel_loop3A_649 : i32
      %parallel_loop3A_651 = arith.constant 16 : i32
      %parallel_loop3A_652 = arith.muli %parallel_loop3A_650, %parallel_loop3A_651 : i32
      %parallel_loop3A_653 = arith.index_cast %parallel_loop3A_648 : i32 to index
      %parallel_loop3A_654 = arith.index_cast %parallel_loop3A_652 : i32 to index
      %parallel_loop3A_655 = tpu.vector_load %arg8[%parallel_loop3A_653, %parallel_loop3A_654] {strides = array<i32>} : memref<16x1024xf32, #tpu.memory_space<vmem>>, vector<1x16xf32>,
      %parallel_loop3A_656 = vector.shape_cast %parallel_loop3A_655 : vector<1x16xf32> to vector<16xf32>
      %parallel_loop3A_657 = arith.index_cast %parallel_loop3A_648 : i32 to index
      %parallel_loop3A_658 = arith.index_cast %parallel_loop3A_652 : i32 to index
      %parallel_loop3A_659 = tpu.vector_load %arg10[%parallel_loop3A_657, %parallel_loop3A_658] {strides = array<i32>} : memref<16x1024xf32, #tpu.memory_space<vmem>>, vector<1x16xf32>,
      %parallel_loop3A_660 = vector.shape_cast %parallel_loop3A_659 : vector<1x16xf32> to vector<16xf32>
      %parallel_loop3A_661 = vector.shape_cast %parallel_loop3A_656 : vector<16xf32> to vector<1x16xf32>
      tpu.vector_store %arg10[%parallel_loop3A_657, %parallel_loop3A_658], %parallel_loop3A_661 {add = true, strides = array<i32>} : memref<16x1024xf32, #tpu.memory_space<vmem>>, vector<1x16xf32>,
    } {sc.loop_unroll_factor = 4 : i64, sc.parallel_access}
    %add3A_337 = arith.constant 4096 : i32
    %add3A_338 = arith.addi %add3A_337, %mul3A_2 : i32
    %add3A_339 = arith.constant 16 : i32
    %add3A_340 = arith.addi %add3A_338, %add3A_339 : i32
    %dma_start3A_341 = arith.constant 0 : i32
    %dma_start3A_342 = tpu.memref_slice %arg5[%add3A_340, %dma_start3A_341] : memref<8192x1024xf32, #tpu.memory_space<hbm>> -> memref<16x1024xf32, #tpu.memory_space<hbm>>
    %dma_start3A_343 = arith.constant 0 : i32
    %dma_start3A_344 = tpu.memref_slice %arg5[%add3A_340, %dma_start3A_343] : memref<8192x1024xf32, #tpu.memory_space<hbm>> -> memref<16x1024xf32, #tpu.memory_space<hbm>>
    tpu.enqueue_dma source(%arg10 : memref<16x1024xf32, #tpu.memory_space<vmem>>) target(%dma_start3A_344 : memref<16x1024xf32, #tpu.memory_space<hbm>>) target_semaphore(%arg22 : memref<!tpu.dma_semaphore, #tpu.memory_space<semaphore_mem>>)
    %dma_wait3A_345 = arith.constant 0 : i32
    %dma_wait3A_346 = arith.constant 0 : i32
    %dma_wait3A_347 = tpu.memref_slice %arg5[%dma_wait3A_345, %dma_wait3A_346] : memref<8192x1024xf32, #tpu.memory_space<hbm>> -> memref<16x1024xf32, #tpu.memory_space<hbm>>
    %dma_wait3A_348 = arith.constant 0 : i32
    %dma_wait3A_349 = arith.constant 0 : i32
    %dma_wait3A_350 = tpu.memref_slice %arg5[%dma_wait3A_348, %dma_wait3A_349] : memref<8192x1024xf32, #tpu.memory_space<hbm>> -> memref<16x1024xf32, #tpu.memory_space<hbm>>
    tpu.wait_dma2 semaphore(%arg21 : memref<!tpu.dma_semaphore, #tpu.memory_space<semaphore_mem>>) src(%arg9 : memref<16x1024xf32, #tpu.memory_space<vmem>>) dst(%dma_wait3A_350 : memref<16x1024xf32, #tpu.memory_space<hbm>>)
    %dma_start3A_351 = arith.constant 2 : i32
    %dma_start3A_352 = arith.constant 32 : i32
    %dma_start3A_353 = tpu.memref_slice %arg6[%dma_start3A_351, %dma_start3A_352] : memref<4x64xi32, #tpu.memory_space<vmem>> -> memref<1x16xi32, #tpu.memory_space<vmem>>
    %dma_start3A_354 = tpu.memref_squeeze %dma_start3A_353 : memref<1x16xi32, #tpu.memory_space<vmem>> -> memref<16xi32, #tpu.memory_space<vmem>>
    %dma_start3A_355 = arith.constant 0 : i32
    %dma_start3A_356 = arith.constant 0 : i32
    %dma_start3A_357 = tpu.memref_slice %arg2[%dma_start3A_355, %dma_start3A_356] : memref<100000x1024xf32, #tpu.memory_space<hbm>> -> memref<100000x1024xf32, #tpu.memory_space<hbm>>
    tpu.enqueue_indirect_dma source(%dma_start3A_357 : memref<100000x1024xf32, #tpu.memory_space<hbm>>) target(%arg9 : memref<16x1024xf32, #tpu.memory_space<vmem>>) offsets(%dma_start3A_354 : memref<16xi32, #tpu.memory_space<vmem>>) semaphore(%arg16 : memref<!tpu.dma_semaphore, #tpu.memory_space<semaphore_mem>>)
    %dma_wait3A_358 = arith.constant 0 : i32
    %dma_wait3A_359 = arith.constant 0 : i32
    %dma_wait3A_360 = tpu.memref_slice %arg2[%dma_wait3A_358, %dma_wait3A_359] : memref<100000x1024xf32, #tpu.memory_space<hbm>> -> memref<16x1024xf32, #tpu.memory_space<hbm>>
    %dma_wait3A_361 = arith.constant 0 : i32
    %dma_wait3A_362 = arith.constant 0 : i32
    %dma_wait3A_363 = tpu.memref_slice %arg2[%dma_wait3A_361, %dma_wait3A_362] : memref<100000x1024xf32, #tpu.memory_space<hbm>> -> memref<16x1024xf32, #tpu.memory_space<hbm>>
    tpu.wait_dma2 semaphore(%arg18 : memref<!tpu.dma_semaphore, #tpu.memory_space<semaphore_mem>>) src(%dma_wait3A_363 : memref<16x1024xf32, #tpu.memory_space<hbm>>) dst(%arg11 : memref<16x1024xf32, #tpu.memory_space<vmem>>)
    %parallel_loop3A_364 = arith.constant 0 : i32
    %parallel_loop3A_365 = arith.constant 1024 : i32
    %parallel_loop3A_366 = arith.constant 1 : i32
    scf.for %parallel_loop3A_624 = %parallel_loop3A_364 to %parallel_loop3A_365 step %parallel_loop3A_366  : i32 {
      %parallel_loop3A_625 = arith.constant 64 : i32
      %parallel_loop3A_626 = arith.divsi %parallel_loop3A_624, %parallel_loop3A_625 : i32
      %parallel_loop3A_627 = arith.constant 0 : i32
      %parallel_loop3A_628 = arith.cmpi sgt, %parallel_loop3A_624, %parallel_loop3A_627 : i32
      %parallel_loop3A_629 = arith.extui %parallel_loop3A_628 : i1 to i32
      %parallel_loop3A_630 = arith.constant 0 : i32
      %parallel_loop3A_631 = arith.cmpi slt, %parallel_loop3A_624, %parallel_loop3A_630 : i32
      %parallel_loop3A_632 = arith.extui %parallel_loop3A_631 : i1 to i32
      %parallel_loop3A_633 = arith.subi %parallel_loop3A_629, %parallel_loop3A_632 : i32
      %parallel_loop3A_634 = arith.constant 0 : i32
      %parallel_loop3A_635 = arith.cmpi sgt, %parallel_loop3A_625, %parallel_loop3A_634 : i32
      %parallel_loop3A_636 = arith.extui %parallel_loop3A_635 : i1 to i32
      %parallel_loop3A_637 = arith.constant 0 : i32
      %parallel_loop3A_638 = arith.cmpi slt, %parallel_loop3A_625, %parallel_loop3A_637 : i32
      %parallel_loop3A_639 = arith.extui %parallel_loop3A_638 : i1 to i32
      %parallel_loop3A_640 = arith.subi %parallel_loop3A_636, %parallel_loop3A_639 : i32
      %parallel_loop3A_641 = arith.cmpi ne, %parallel_loop3A_633, %parallel_loop3A_640 : i32
      %parallel_loop3A_642 = arith.remsi %parallel_loop3A_624, %parallel_loop3A_625 : i32
      %parallel_loop3A_643 = arith.constant 0 : i32
      %parallel_loop3A_644 = arith.cmpi ne, %parallel_loop3A_642, %parallel_loop3A_643 : i32
      %parallel_loop3A_645 = arith.andi %parallel_loop3A_641, %parallel_loop3A_644 : i1
      %parallel_loop3A_646 = arith.constant 1 : i32
      %parallel_loop3A_647 = arith.subi %parallel_loop3A_626, %parallel_loop3A_646 : i32
      %parallel_loop3A_648 = arith.select %parallel_loop3A_645, %parallel_loop3A_647, %parallel_loop3A_626 : i32
      %parallel_loop3A_649 = arith.constant 64 : i32
      %parallel_loop3A_650 = arith.remsi %parallel_loop3A_624, %parallel_loop3A_649 : i32
      %parallel_loop3A_651 = arith.constant 16 : i32
      %parallel_loop3A_652 = arith.muli %parallel_loop3A_650, %parallel_loop3A_651 : i32
      %parallel_loop3A_653 = arith.index_cast %parallel_loop3A_648 : i32 to index
      %parallel_loop3A_654 = arith.index_cast %parallel_loop3A_652 : i32 to index
      %parallel_loop3A_655 = tpu.vector_load %arg8[%parallel_loop3A_653, %parallel_loop3A_654] {strides = array<i32>} : memref<16x1024xf32, #tpu.memory_space<vmem>>, vector<1x16xf32>,
      %parallel_loop3A_656 = vector.shape_cast %parallel_loop3A_655 : vector<1x16xf32> to vector<16xf32>
      %parallel_loop3A_657 = arith.index_cast %parallel_loop3A_648 : i32 to index
      %parallel_loop3A_658 = arith.index_cast %parallel_loop3A_652 : i32 to index
      %parallel_loop3A_659 = tpu.vector_load %arg11[%parallel_loop3A_657, %parallel_loop3A_658] {strides = array<i32>} : memref<16x1024xf32, #tpu.memory_space<vmem>>, vector<1x16xf32>,
      %parallel_loop3A_660 = vector.shape_cast %parallel_loop3A_659 : vector<1x16xf32> to vector<16xf32>
      %parallel_loop3A_661 = vector.shape_cast %parallel_loop3A_656 : vector<16xf32> to vector<1x16xf32>
      tpu.vector_store %arg11[%parallel_loop3A_657, %parallel_loop3A_658], %parallel_loop3A_661 {add = true, strides = array<i32>} : memref<16x1024xf32, #tpu.memory_space<vmem>>, vector<1x16xf32>,
    } {sc.loop_unroll_factor = 4 : i64, sc.parallel_access}
    %add3A_367 = arith.constant 48 : i32
    %add3A_368 = arith.addi %mul3A_2, %add3A_367 : i32
    %dma_start3A_369 = arith.constant 0 : i32
    %dma_start3A_370 = tpu.memref_slice %arg4[%add3A_368, %dma_start3A_369] : memref<2048x1024xf32, #tpu.memory_space<hbm>> -> memref<16x1024xf32, #tpu.memory_space<hbm>>
    %dma_start3A_371 = arith.constant 0 : i32
    %dma_start3A_372 = tpu.memref_slice %arg4[%add3A_368, %dma_start3A_371] : memref<2048x1024xf32, #tpu.memory_space<hbm>> -> memref<16x1024xf32, #tpu.memory_space<hbm>>
    tpu.enqueue_dma source(%dma_start3A_372 : memref<16x1024xf32, #tpu.memory_space<hbm>>) target(%arg8 : memref<16x1024xf32, #tpu.memory_space<vmem>>) target_semaphore(%arg15 : memref<!tpu.dma_semaphore, #tpu.memory_space<semaphore_mem>>)
    %add3A_373 = arith.constant 6144 : i32
    %add3A_374 = arith.addi %add3A_373, %mul3A_2 : i32
    %add3A_375 = arith.constant 16 : i32
    %add3A_376 = arith.addi %add3A_374, %add3A_375 : i32
    %dma_start3A_377 = arith.constant 0 : i32
    %dma_start3A_378 = tpu.memref_slice %arg5[%add3A_376, %dma_start3A_377] : memref<8192x1024xf32, #tpu.memory_space<hbm>> -> memref<16x1024xf32, #tpu.memory_space<hbm>>
    %dma_start3A_379 = arith.constant 0 : i32
    %dma_start3A_380 = tpu.memref_slice %arg5[%add3A_376, %dma_start3A_379] : memref<8192x1024xf32, #tpu.memory_space<hbm>> -> memref<16x1024xf32, #tpu.memory_space<hbm>>
    tpu.enqueue_dma source(%arg11 : memref<16x1024xf32, #tpu.memory_space<vmem>>) target(%dma_start3A_380 : memref<16x1024xf32, #tpu.memory_space<hbm>>) target_semaphore(%arg23 : memref<!tpu.dma_semaphore, #tpu.memory_space<semaphore_mem>>)
    %dma_wait3A_381 = arith.constant 0 : i32
    %dma_wait3A_382 = arith.constant 0 : i32
    %dma_wait3A_383 = tpu.memref_slice %arg5[%dma_wait3A_381, %dma_wait3A_382] : memref<8192x1024xf32, #tpu.memory_space<hbm>> -> memref<16x1024xf32, #tpu.memory_space<hbm>>
    %dma_wait3A_384 = arith.constant 0 : i32
    %dma_wait3A_385 = arith.constant 0 : i32
    %dma_wait3A_386 = tpu.memref_slice %arg5[%dma_wait3A_384, %dma_wait3A_385] : memref<8192x1024xf32, #tpu.memory_space<hbm>> -> memref<16x1024xf32, #tpu.memory_space<hbm>>
    tpu.wait_dma2 semaphore(%arg22 : memref<!tpu.dma_semaphore, #tpu.memory_space<semaphore_mem>>) src(%arg10 : memref<16x1024xf32, #tpu.memory_space<vmem>>) dst(%dma_wait3A_386 : memref<16x1024xf32, #tpu.memory_space<hbm>>)
    %dma_start3A_387 = arith.constant 3 : i32
    %dma_start3A_388 = arith.constant 32 : i32
    %dma_start3A_389 = tpu.memref_slice %arg6[%dma_start3A_387, %dma_start3A_388] : memref<4x64xi32, #tpu.memory_space<vmem>> -> memref<1x16xi32, #tpu.memory_space<vmem>>
    %dma_start3A_390 = tpu.memref_squeeze %dma_start3A_389 : memref<1x16xi32, #tpu.memory_space<vmem>> -> memref<16xi32, #tpu.memory_space<vmem>>
    %dma_start3A_391 = arith.constant 0 : i32
    %dma_start3A_392 = arith.constant 0 : i32
    %dma_start3A_393 = tpu.memref_slice %arg2[%dma_start3A_391, %dma_start3A_392] : memref<100000x1024xf32, #tpu.memory_space<hbm>> -> memref<100000x1024xf32, #tpu.memory_space<hbm>>
    tpu.enqueue_indirect_dma source(%dma_start3A_393 : memref<100000x1024xf32, #tpu.memory_space<hbm>>) target(%arg10 : memref<16x1024xf32, #tpu.memory_space<vmem>>) offsets(%dma_start3A_390 : memref<16xi32, #tpu.memory_space<vmem>>) semaphore(%arg17 : memref<!tpu.dma_semaphore, #tpu.memory_space<semaphore_mem>>)
    %dma_wait3A_394 = arith.constant 0 : i32
    %dma_wait3A_395 = arith.constant 0 : i32
    %dma_wait3A_396 = tpu.memref_slice %arg2[%dma_wait3A_394, %dma_wait3A_395] : memref<100000x1024xf32, #tpu.memory_space<hbm>> -> memref<16x1024xf32, #tpu.memory_space<hbm>>
    %dma_wait3A_397 = arith.constant 0 : i32
    %dma_wait3A_398 = arith.constant 0 : i32
    %dma_wait3A_399 = tpu.memref_slice %arg2[%dma_wait3A_397, %dma_wait3A_398] : memref<100000x1024xf32, #tpu.memory_space<hbm>> -> memref<16x1024xf32, #tpu.memory_space<hbm>>
    tpu.wait_dma2 semaphore(%arg19 : memref<!tpu.dma_semaphore, #tpu.memory_space<semaphore_mem>>) src(%dma_wait3A_399 : memref<16x1024xf32, #tpu.memory_space<hbm>>) dst(%arg12 : memref<16x1024xf32, #tpu.memory_space<vmem>>)
    %dma_wait3A_400 = arith.constant 0 : i32
    %dma_wait3A_401 = arith.constant 0 : i32
    %dma_wait3A_402 = tpu.memref_slice %arg4[%dma_wait3A_400, %dma_wait3A_401] : memref<2048x1024xf32, #tpu.memory_space<hbm>> -> memref<16x1024xf32, #tpu.memory_space<hbm>>
    %dma_wait3A_403 = arith.constant 0 : i32
    %dma_wait3A_404 = arith.constant 0 : i32
    %dma_wait3A_405 = tpu.memref_slice %arg4[%dma_wait3A_403, %dma_wait3A_404] : memref<2048x1024xf32, #tpu.memory_space<hbm>> -> memref<16x1024xf32, #tpu.memory_space<hbm>>
    tpu.wait_dma2 semaphore(%arg14 : memref<!tpu.dma_semaphore, #tpu.memory_space<semaphore_mem>>) src(%dma_wait3A_405 : memref<16x1024xf32, #tpu.memory_space<hbm>>) dst(%arg7 : memref<16x1024xf32, #tpu.memory_space<vmem>>)
    %parallel_loop3A_406 = arith.constant 0 : i32
    %parallel_loop3A_407 = arith.constant 1024 : i32
    %parallel_loop3A_408 = arith.constant 1 : i32
    scf.for %parallel_loop3A_624 = %parallel_loop3A_406 to %parallel_loop3A_407 step %parallel_loop3A_408  : i32 {
      %parallel_loop3A_625 = arith.constant 64 : i32
      %parallel_loop3A_626 = arith.divsi %parallel_loop3A_624, %parallel_loop3A_625 : i32
      %parallel_loop3A_627 = arith.constant 0 : i32
      %parallel_loop3A_628 = arith.cmpi sgt, %parallel_loop3A_624, %parallel_loop3A_627 : i32
      %parallel_loop3A_629 = arith.extui %parallel_loop3A_628 : i1 to i32
      %parallel_loop3A_630 = arith.constant 0 : i32
      %parallel_loop3A_631 = arith.cmpi slt, %parallel_loop3A_624, %parallel_loop3A_630 : i32
      %parallel_loop3A_632 = arith.extui %parallel_loop3A_631 : i1 to i32
      %parallel_loop3A_633 = arith.subi %parallel_loop3A_629, %parallel_loop3A_632 : i32
      %parallel_loop3A_634 = arith.constant 0 : i32
      %parallel_loop3A_635 = arith.cmpi sgt, %parallel_loop3A_625, %parallel_loop3A_634 : i32
      %parallel_loop3A_636 = arith.extui %parallel_loop3A_635 : i1 to i32
      %parallel_loop3A_637 = arith.constant 0 : i32
      %parallel_loop3A_638 = arith.cmpi slt, %parallel_loop3A_625, %parallel_loop3A_637 : i32
      %parallel_loop3A_639 = arith.extui %parallel_loop3A_638 : i1 to i32
      %parallel_loop3A_640 = arith.subi %parallel_loop3A_636, %parallel_loop3A_639 : i32
      %parallel_loop3A_641 = arith.cmpi ne, %parallel_loop3A_633, %parallel_loop3A_640 : i32
      %parallel_loop3A_642 = arith.remsi %parallel_loop3A_624, %parallel_loop3A_625 : i32
      %parallel_loop3A_643 = arith.constant 0 : i32
      %parallel_loop3A_644 = arith.cmpi ne, %parallel_loop3A_642, %parallel_loop3A_643 : i32
      %parallel_loop3A_645 = arith.andi %parallel_loop3A_641, %parallel_loop3A_644 : i1
      %parallel_loop3A_646 = arith.constant 1 : i32
      %parallel_loop3A_647 = arith.subi %parallel_loop3A_626, %parallel_loop3A_646 : i32
      %parallel_loop3A_648 = arith.select %parallel_loop3A_645, %parallel_loop3A_647, %parallel_loop3A_626 : i32
      %parallel_loop3A_649 = arith.constant 64 : i32
      %parallel_loop3A_650 = arith.remsi %parallel_loop3A_624, %parallel_loop3A_649 : i32
      %parallel_loop3A_651 = arith.constant 16 : i32
      %parallel_loop3A_652 = arith.muli %parallel_loop3A_650, %parallel_loop3A_651 : i32
      %parallel_loop3A_653 = arith.index_cast %parallel_loop3A_648 : i32 to index
      %parallel_loop3A_654 = arith.index_cast %parallel_loop3A_652 : i32 to index
      %parallel_loop3A_655 = tpu.vector_load %arg7[%parallel_loop3A_653, %parallel_loop3A_654] {strides = array<i32>} : memref<16x1024xf32, #tpu.memory_space<vmem>>, vector<1x16xf32>,
      %parallel_loop3A_656 = vector.shape_cast %parallel_loop3A_655 : vector<1x16xf32> to vector<16xf32>
      %parallel_loop3A_657 = arith.index_cast %parallel_loop3A_648 : i32 to index
      %parallel_loop3A_658 = arith.index_cast %parallel_loop3A_652 : i32 to index
      %parallel_loop3A_659 = tpu.vector_load %arg12[%parallel_loop3A_657, %parallel_loop3A_658] {strides = array<i32>} : memref<16x1024xf32, #tpu.memory_space<vmem>>, vector<1x16xf32>,
      %parallel_loop3A_660 = vector.shape_cast %parallel_loop3A_659 : vector<1x16xf32> to vector<16xf32>
      %parallel_loop3A_661 = vector.shape_cast %parallel_loop3A_656 : vector<16xf32> to vector<1x16xf32>
      tpu.vector_store %arg12[%parallel_loop3A_657, %parallel_loop3A_658], %parallel_loop3A_661 {add = true, strides = array<i32>} : memref<16x1024xf32, #tpu.memory_space<vmem>>, vector<1x16xf32>,
    } {sc.loop_unroll_factor = 4 : i64, sc.parallel_access}
    %add3A_409 = arith.constant 0 : i32
    %add3A_410 = arith.addi %add3A_409, %mul3A_2 : i32
    %add3A_411 = arith.constant 32 : i32
    %add3A_412 = arith.addi %add3A_410, %add3A_411 : i32
    %dma_start3A_413 = arith.constant 0 : i32
    %dma_start3A_414 = tpu.memref_slice %arg5[%add3A_412, %dma_start3A_413] : memref<8192x1024xf32, #tpu.memory_space<hbm>> -> memref<16x1024xf32, #tpu.memory_space<hbm>>
    %dma_start3A_415 = arith.constant 0 : i32
    %dma_start3A_416 = tpu.memref_slice %arg5[%add3A_412, %dma_start3A_415] : memref<8192x1024xf32, #tpu.memory_space<hbm>> -> memref<16x1024xf32, #tpu.memory_space<hbm>>
    tpu.enqueue_dma source(%arg12 : memref<16x1024xf32, #tpu.memory_space<vmem>>) target(%dma_start3A_416 : memref<16x1024xf32, #tpu.memory_space<hbm>>) target_semaphore(%arg24 : memref<!tpu.dma_semaphore, #tpu.memory_space<semaphore_mem>>)
    %dma_wait3A_417 = arith.constant 0 : i32
    %dma_wait3A_418 = arith.constant 0 : i32
    %dma_wait3A_419 = tpu.memref_slice %arg5[%dma_wait3A_417, %dma_wait3A_418] : memref<8192x1024xf32, #tpu.memory_space<hbm>> -> memref<16x1024xf32, #tpu.memory_space<hbm>>
    %dma_wait3A_420 = arith.constant 0 : i32
    %dma_wait3A_421 = arith.constant 0 : i32
    %dma_wait3A_422 = tpu.memref_slice %arg5[%dma_wait3A_420, %dma_wait3A_421] : memref<8192x1024xf32, #tpu.memory_space<hbm>> -> memref<16x1024xf32, #tpu.memory_space<hbm>>
    tpu.wait_dma2 semaphore(%arg23 : memref<!tpu.dma_semaphore, #tpu.memory_space<semaphore_mem>>) src(%arg11 : memref<16x1024xf32, #tpu.memory_space<vmem>>) dst(%dma_wait3A_422 : memref<16x1024xf32, #tpu.memory_space<hbm>>)
    %dma_start3A_423 = arith.constant 0 : i32
    %dma_start3A_424 = arith.constant 48 : i32
    %dma_start3A_425 = tpu.memref_slice %arg6[%dma_start3A_423, %dma_start3A_424] : memref<4x64xi32, #tpu.memory_space<vmem>> -> memref<1x16xi32, #tpu.memory_space<vmem>>
    %dma_start3A_426 = tpu.memref_squeeze %dma_start3A_425 : memref<1x16xi32, #tpu.memory_space<vmem>> -> memref<16xi32, #tpu.memory_space<vmem>>
    %dma_start3A_427 = arith.constant 0 : i32
    %dma_start3A_428 = arith.constant 0 : i32
    %dma_start3A_429 = tpu.memref_slice %arg2[%dma_start3A_427, %dma_start3A_428] : memref<100000x1024xf32, #tpu.memory_space<hbm>> -> memref<100000x1024xf32, #tpu.memory_space<hbm>>
    tpu.enqueue_indirect_dma source(%dma_start3A_429 : memref<100000x1024xf32, #tpu.memory_space<hbm>>) target(%arg11 : memref<16x1024xf32, #tpu.memory_space<vmem>>) offsets(%dma_start3A_426 : memref<16xi32, #tpu.memory_space<vmem>>) semaphore(%arg18 : memref<!tpu.dma_semaphore, #tpu.memory_space<semaphore_mem>>)
    %dma_wait3A_430 = arith.constant 0 : i32
    %dma_wait3A_431 = arith.constant 0 : i32
    %dma_wait3A_432 = tpu.memref_slice %arg2[%dma_wait3A_430, %dma_wait3A_431] : memref<100000x1024xf32, #tpu.memory_space<hbm>> -> memref<16x1024xf32, #tpu.memory_space<hbm>>
    %dma_wait3A_433 = arith.constant 0 : i32
    %dma_wait3A_434 = arith.constant 0 : i32
    %dma_wait3A_435 = tpu.memref_slice %arg2[%dma_wait3A_433, %dma_wait3A_434] : memref<100000x1024xf32, #tpu.memory_space<hbm>> -> memref<16x1024xf32, #tpu.memory_space<hbm>>
    tpu.wait_dma2 semaphore(%arg20 : memref<!tpu.dma_semaphore, #tpu.memory_space<semaphore_mem>>) src(%dma_wait3A_435 : memref<16x1024xf32, #tpu.memory_space<hbm>>) dst(%arg13 : memref<16x1024xf32, #tpu.memory_space<vmem>>)
    %parallel_loop3A_436 = arith.constant 0 : i32
    %parallel_loop3A_437 = arith.constant 1024 : i32
    %parallel_loop3A_438 = arith.constant 1 : i32
    scf.for %parallel_loop3A_624 = %parallel_loop3A_436 to %parallel_loop3A_437 step %parallel_loop3A_438  : i32 {
      %parallel_loop3A_625 = arith.constant 64 : i32
      %parallel_loop3A_626 = arith.divsi %parallel_loop3A_624, %parallel_loop3A_625 : i32
      %parallel_loop3A_627 = arith.constant 0 : i32
      %parallel_loop3A_628 = arith.cmpi sgt, %parallel_loop3A_624, %parallel_loop3A_627 : i32
      %parallel_loop3A_629 = arith.extui %parallel_loop3A_628 : i1 to i32
      %parallel_loop3A_630 = arith.constant 0 : i32
      %parallel_loop3A_631 = arith.cmpi slt, %parallel_loop3A_624, %parallel_loop3A_630 : i32
      %parallel_loop3A_632 = arith.extui %parallel_loop3A_631 : i1 to i32
      %parallel_loop3A_633 = arith.subi %parallel_loop3A_629, %parallel_loop3A_632 : i32
      %parallel_loop3A_634 = arith.constant 0 : i32
      %parallel_loop3A_635 = arith.cmpi sgt, %parallel_loop3A_625, %parallel_loop3A_634 : i32
      %parallel_loop3A_636 = arith.extui %parallel_loop3A_635 : i1 to i32
      %parallel_loop3A_637 = arith.constant 0 : i32
      %parallel_loop3A_638 = arith.cmpi slt, %parallel_loop3A_625, %parallel_loop3A_637 : i32
      %parallel_loop3A_639 = arith.extui %parallel_loop3A_638 : i1 to i32
      %parallel_loop3A_640 = arith.subi %parallel_loop3A_636, %parallel_loop3A_639 : i32
      %parallel_loop3A_641 = arith.cmpi ne, %parallel_loop3A_633, %parallel_loop3A_640 : i32
      %parallel_loop3A_642 = arith.remsi %parallel_loop3A_624, %parallel_loop3A_625 : i32
      %parallel_loop3A_643 = arith.constant 0 : i32
      %parallel_loop3A_644 = arith.cmpi ne, %parallel_loop3A_642, %parallel_loop3A_643 : i32
      %parallel_loop3A_645 = arith.andi %parallel_loop3A_641, %parallel_loop3A_644 : i1
      %parallel_loop3A_646 = arith.constant 1 : i32
      %parallel_loop3A_647 = arith.subi %parallel_loop3A_626, %parallel_loop3A_646 : i32
      %parallel_loop3A_648 = arith.select %parallel_loop3A_645, %parallel_loop3A_647, %parallel_loop3A_626 : i32
      %parallel_loop3A_649 = arith.constant 64 : i32
      %parallel_loop3A_650 = arith.remsi %parallel_loop3A_624, %parallel_loop3A_649 : i32
      %parallel_loop3A_651 = arith.constant 16 : i32
      %parallel_loop3A_652 = arith.muli %parallel_loop3A_650, %parallel_loop3A_651 : i32
      %parallel_loop3A_653 = arith.index_cast %parallel_loop3A_648 : i32 to index
      %parallel_loop3A_654 = arith.index_cast %parallel_loop3A_652 : i32 to index
      %parallel_loop3A_655 = tpu.vector_load %arg7[%parallel_loop3A_653, %parallel_loop3A_654] {strides = array<i32>} : memref<16x1024xf32, #tpu.memory_space<vmem>>, vector<1x16xf32>,
      %parallel_loop3A_656 = vector.shape_cast %parallel_loop3A_655 : vector<1x16xf32> to vector<16xf32>
      %parallel_loop3A_657 = arith.index_cast %parallel_loop3A_648 : i32 to index
      %parallel_loop3A_658 = arith.index_cast %parallel_loop3A_652 : i32 to index
      %parallel_loop3A_659 = tpu.vector_load %arg13[%parallel_loop3A_657, %parallel_loop3A_658] {strides = array<i32>} : memref<16x1024xf32, #tpu.memory_space<vmem>>, vector<1x16xf32>,
      %parallel_loop3A_660 = vector.shape_cast %parallel_loop3A_659 : vector<1x16xf32> to vector<16xf32>
      %parallel_loop3A_661 = vector.shape_cast %parallel_loop3A_656 : vector<16xf32> to vector<1x16xf32>
      tpu.vector_store %arg13[%parallel_loop3A_657, %parallel_loop3A_658], %parallel_loop3A_661 {add = true, strides = array<i32>} : memref<16x1024xf32, #tpu.memory_space<vmem>>, vector<1x16xf32>,
    } {sc.loop_unroll_factor = 4 : i64, sc.parallel_access}
    %add3A_439 = arith.constant 2048 : i32
    %add3A_440 = arith.addi %add3A_439, %mul3A_2 : i32
    %add3A_441 = arith.constant 32 : i32
    %add3A_442 = arith.addi %add3A_440, %add3A_441 : i32
    %dma_start3A_443 = arith.constant 0 : i32
    %dma_start3A_444 = tpu.memref_slice %arg5[%add3A_442, %dma_start3A_443] : memref<8192x1024xf32, #tpu.memory_space<hbm>> -> memref<16x1024xf32, #tpu.memory_space<hbm>>
    %dma_start3A_445 = arith.constant 0 : i32
    %dma_start3A_446 = tpu.memref_slice %arg5[%add3A_442, %dma_start3A_445] : memref<8192x1024xf32, #tpu.memory_space<hbm>> -> memref<16x1024xf32, #tpu.memory_space<hbm>>
    tpu.enqueue_dma source(%arg13 : memref<16x1024xf32, #tpu.memory_space<vmem>>) target(%dma_start3A_446 : memref<16x1024xf32, #tpu.memory_space<hbm>>) target_semaphore(%arg25 : memref<!tpu.dma_semaphore, #tpu.memory_space<semaphore_mem>>)
    %dma_wait3A_447 = arith.constant 0 : i32
    %dma_wait3A_448 = arith.constant 0 : i32
    %dma_wait3A_449 = tpu.memref_slice %arg5[%dma_wait3A_447, %dma_wait3A_448] : memref<8192x1024xf32, #tpu.memory_space<hbm>> -> memref<16x1024xf32, #tpu.memory_space<hbm>>
    %dma_wait3A_450 = arith.constant 0 : i32
    %dma_wait3A_451 = arith.constant 0 : i32
    %dma_wait3A_452 = tpu.memref_slice %arg5[%dma_wait3A_450, %dma_wait3A_451] : memref<8192x1024xf32, #tpu.memory_space<hbm>> -> memref<16x1024xf32, #tpu.memory_space<hbm>>
    tpu.wait_dma2 semaphore(%arg24 : memref<!tpu.dma_semaphore, #tpu.memory_space<semaphore_mem>>) src(%arg12 : memref<16x1024xf32, #tpu.memory_space<vmem>>) dst(%dma_wait3A_452 : memref<16x1024xf32, #tpu.memory_space<hbm>>)
    %dma_start3A_453 = arith.constant 1 : i32
    %dma_start3A_454 = arith.constant 48 : i32
    %dma_start3A_455 = tpu.memref_slice %arg6[%dma_start3A_453, %dma_start3A_454] : memref<4x64xi32, #tpu.memory_space<vmem>> -> memref<1x16xi32, #tpu.memory_space<vmem>>
    %dma_start3A_456 = tpu.memref_squeeze %dma_start3A_455 : memref<1x16xi32, #tpu.memory_space<vmem>> -> memref<16xi32, #tpu.memory_space<vmem>>
    %dma_start3A_457 = arith.constant 0 : i32
    %dma_start3A_458 = arith.constant 0 : i32
    %dma_start3A_459 = tpu.memref_slice %arg2[%dma_start3A_457, %dma_start3A_458] : memref<100000x1024xf32, #tpu.memory_space<hbm>> -> memref<100000x1024xf32, #tpu.memory_space<hbm>>
    tpu.enqueue_indirect_dma source(%dma_start3A_459 : memref<100000x1024xf32, #tpu.memory_space<hbm>>) target(%arg12 : memref<16x1024xf32, #tpu.memory_space<vmem>>) offsets(%dma_start3A_456 : memref<16xi32, #tpu.memory_space<vmem>>) semaphore(%arg19 : memref<!tpu.dma_semaphore, #tpu.memory_space<semaphore_mem>>)
    %dma_wait3A_460 = arith.constant 0 : i32
    %dma_wait3A_461 = arith.constant 0 : i32
    %dma_wait3A_462 = tpu.memref_slice %arg2[%dma_wait3A_460, %dma_wait3A_461] : memref<100000x1024xf32, #tpu.memory_space<hbm>> -> memref<16x1024xf32, #tpu.memory_space<hbm>>
    %dma_wait3A_463 = arith.constant 0 : i32
    %dma_wait3A_464 = arith.constant 0 : i32
    %dma_wait3A_465 = tpu.memref_slice %arg2[%dma_wait3A_463, %dma_wait3A_464] : memref<100000x1024xf32, #tpu.memory_space<hbm>> -> memref<16x1024xf32, #tpu.memory_space<hbm>>
    tpu.wait_dma2 semaphore(%arg16 : memref<!tpu.dma_semaphore, #tpu.memory_space<semaphore_mem>>) src(%dma_wait3A_465 : memref<16x1024xf32, #tpu.memory_space<hbm>>) dst(%arg9 : memref<16x1024xf32, #tpu.memory_space<vmem>>)
    %parallel_loop3A_466 = arith.constant 0 : i32
    %parallel_loop3A_467 = arith.constant 1024 : i32
    %parallel_loop3A_468 = arith.constant 1 : i32
    scf.for %parallel_loop3A_624 = %parallel_loop3A_466 to %parallel_loop3A_467 step %parallel_loop3A_468  : i32 {
      %parallel_loop3A_625 = arith.constant 64 : i32
      %parallel_loop3A_626 = arith.divsi %parallel_loop3A_624, %parallel_loop3A_625 : i32
      %parallel_loop3A_627 = arith.constant 0 : i32
      %parallel_loop3A_628 = arith.cmpi sgt, %parallel_loop3A_624, %parallel_loop3A_627 : i32
      %parallel_loop3A_629 = arith.extui %parallel_loop3A_628 : i1 to i32
      %parallel_loop3A_630 = arith.constant 0 : i32
      %parallel_loop3A_631 = arith.cmpi slt, %parallel_loop3A_624, %parallel_loop3A_630 : i32
      %parallel_loop3A_632 = arith.extui %parallel_loop3A_631 : i1 to i32
      %parallel_loop3A_633 = arith.subi %parallel_loop3A_629, %parallel_loop3A_632 : i32
      %parallel_loop3A_634 = arith.constant 0 : i32
      %parallel_loop3A_635 = arith.cmpi sgt, %parallel_loop3A_625, %parallel_loop3A_634 : i32
      %parallel_loop3A_636 = arith.extui %parallel_loop3A_635 : i1 to i32
      %parallel_loop3A_637 = arith.constant 0 : i32
      %parallel_loop3A_638 = arith.cmpi slt, %parallel_loop3A_625, %parallel_loop3A_637 : i32
      %parallel_loop3A_639 = arith.extui %parallel_loop3A_638 : i1 to i32
      %parallel_loop3A_640 = arith.subi %parallel_loop3A_636, %parallel_loop3A_639 : i32
      %parallel_loop3A_641 = arith.cmpi ne, %parallel_loop3A_633, %parallel_loop3A_640 : i32
      %parallel_loop3A_642 = arith.remsi %parallel_loop3A_624, %parallel_loop3A_625 : i32
      %parallel_loop3A_643 = arith.constant 0 : i32
      %parallel_loop3A_644 = arith.cmpi ne, %parallel_loop3A_642, %parallel_loop3A_643 : i32
      %parallel_loop3A_645 = arith.andi %parallel_loop3A_641, %parallel_loop3A_644 : i1
      %parallel_loop3A_646 = arith.constant 1 : i32
      %parallel_loop3A_647 = arith.subi %parallel_loop3A_626, %parallel_loop3A_646 : i32
      %parallel_loop3A_648 = arith.select %parallel_loop3A_645, %parallel_loop3A_647, %parallel_loop3A_626 : i32
      %parallel_loop3A_649 = arith.constant 64 : i32
      %parallel_loop3A_650 = arith.remsi %parallel_loop3A_624, %parallel_loop3A_649 : i32
      %parallel_loop3A_651 = arith.constant 16 : i32
      %parallel_loop3A_652 = arith.muli %parallel_loop3A_650, %parallel_loop3A_651 : i32
      %parallel_loop3A_653 = arith.index_cast %parallel_loop3A_648 : i32 to index
      %parallel_loop3A_654 = arith.index_cast %parallel_loop3A_652 : i32 to index
      %parallel_loop3A_655 = tpu.vector_load %arg7[%parallel_loop3A_653, %parallel_loop3A_654] {strides = array<i32>} : memref<16x1024xf32, #tpu.memory_space<vmem>>, vector<1x16xf32>,
      %parallel_loop3A_656 = vector.shape_cast %parallel_loop3A_655 : vector<1x16xf32> to vector<16xf32>
      %parallel_loop3A_657 = arith.index_cast %parallel_loop3A_648 : i32 to index
      %parallel_loop3A_658 = arith.index_cast %parallel_loop3A_652 : i32 to index
      %parallel_loop3A_659 = tpu.vector_load %arg9[%parallel_loop3A_657, %parallel_loop3A_658] {strides = array<i32>} : memref<16x1024xf32, #tpu.memory_space<vmem>>, vector<1x16xf32>,
      %parallel_loop3A_660 = vector.shape_cast %parallel_loop3A_659 : vector<1x16xf32> to vector<16xf32>
      %parallel_loop3A_661 = vector.shape_cast %parallel_loop3A_656 : vector<16xf32> to vector<1x16xf32>
      tpu.vector_store %arg9[%parallel_loop3A_657, %parallel_loop3A_658], %parallel_loop3A_661 {add = true, strides = array<i32>} : memref<16x1024xf32, #tpu.memory_space<vmem>>, vector<1x16xf32>,
    } {sc.loop_unroll_factor = 4 : i64, sc.parallel_access}
    %add3A_469 = arith.constant 4096 : i32
    %add3A_470 = arith.addi %add3A_469, %mul3A_2 : i32
    %add3A_471 = arith.constant 32 : i32
    %add3A_472 = arith.addi %add3A_470, %add3A_471 : i32
    %dma_start3A_473 = arith.constant 0 : i32
    %dma_start3A_474 = tpu.memref_slice %arg5[%add3A_472, %dma_start3A_473] : memref<8192x1024xf32, #tpu.memory_space<hbm>> -> memref<16x1024xf32, #tpu.memory_space<hbm>>
    %dma_start3A_475 = arith.constant 0 : i32
    %dma_start3A_476 = tpu.memref_slice %arg5[%add3A_472, %dma_start3A_475] : memref<8192x1024xf32, #tpu.memory_space<hbm>> -> memref<16x1024xf32, #tpu.memory_space<hbm>>
    tpu.enqueue_dma source(%arg9 : memref<16x1024xf32, #tpu.memory_space<vmem>>) target(%dma_start3A_476 : memref<16x1024xf32, #tpu.memory_space<hbm>>) target_semaphore(%arg21 : memref<!tpu.dma_semaphore, #tpu.memory_space<semaphore_mem>>)
    %dma_wait3A_477 = arith.constant 0 : i32
    %dma_wait3A_478 = arith.constant 0 : i32
    %dma_wait3A_479 = tpu.memref_slice %arg5[%dma_wait3A_477, %dma_wait3A_478] : memref<8192x1024xf32, #tpu.memory_space<hbm>> -> memref<16x1024xf32, #tpu.memory_space<hbm>>
    %dma_wait3A_480 = arith.constant 0 : i32
    %dma_wait3A_481 = arith.constant 0 : i32
    %dma_wait3A_482 = tpu.memref_slice %arg5[%dma_wait3A_480, %dma_wait3A_481] : memref<8192x1024xf32, #tpu.memory_space<hbm>> -> memref<16x1024xf32, #tpu.memory_space<hbm>>
    tpu.wait_dma2 semaphore(%arg25 : memref<!tpu.dma_semaphore, #tpu.memory_space<semaphore_mem>>) src(%arg13 : memref<16x1024xf32, #tpu.memory_space<vmem>>) dst(%dma_wait3A_482 : memref<16x1024xf32, #tpu.memory_space<hbm>>)
    %dma_start3A_483 = arith.constant 2 : i32
    %dma_start3A_484 = arith.constant 48 : i32
    %dma_start3A_485 = tpu.memref_slice %arg6[%dma_start3A_483, %dma_start3A_484] : memref<4x64xi32, #tpu.memory_space<vmem>> -> memref<1x16xi32, #tpu.memory_space<vmem>>
    %dma_start3A_486 = tpu.memref_squeeze %dma_start3A_485 : memref<1x16xi32, #tpu.memory_space<vmem>> -> memref<16xi32, #tpu.memory_space<vmem>>
    %dma_start3A_487 = arith.constant 0 : i32
    %dma_start3A_488 = arith.constant 0 : i32
    %dma_start3A_489 = tpu.memref_slice %arg2[%dma_start3A_487, %dma_start3A_488] : memref<100000x1024xf32, #tpu.memory_space<hbm>> -> memref<100000x1024xf32, #tpu.memory_space<hbm>>
    tpu.enqueue_indirect_dma source(%dma_start3A_489 : memref<100000x1024xf32, #tpu.memory_space<hbm>>) target(%arg13 : memref<16x1024xf32, #tpu.memory_space<vmem>>) offsets(%dma_start3A_486 : memref<16xi32, #tpu.memory_space<vmem>>) semaphore(%arg20 : memref<!tpu.dma_semaphore, #tpu.memory_space<semaphore_mem>>)
    %dma_wait3A_490 = arith.constant 0 : i32
    %dma_wait3A_491 = arith.constant 0 : i32
    %dma_wait3A_492 = tpu.memref_slice %arg2[%dma_wait3A_490, %dma_wait3A_491] : memref<100000x1024xf32, #tpu.memory_space<hbm>> -> memref<16x1024xf32, #tpu.memory_space<hbm>>
    %dma_wait3A_493 = arith.constant 0 : i32
    %dma_wait3A_494 = arith.constant 0 : i32
    %dma_wait3A_495 = tpu.memref_slice %arg2[%dma_wait3A_493, %dma_wait3A_494] : memref<100000x1024xf32, #tpu.memory_space<hbm>> -> memref<16x1024xf32, #tpu.memory_space<hbm>>
    tpu.wait_dma2 semaphore(%arg17 : memref<!tpu.dma_semaphore, #tpu.memory_space<semaphore_mem>>) src(%dma_wait3A_495 : memref<16x1024xf32, #tpu.memory_space<hbm>>) dst(%arg10 : memref<16x1024xf32, #tpu.memory_space<vmem>>)
    %parallel_loop3A_496 = arith.constant 0 : i32
    %parallel_loop3A_497 = arith.constant 1024 : i32
    %parallel_loop3A_498 = arith.constant 1 : i32
    scf.for %parallel_loop3A_624 = %parallel_loop3A_496 to %parallel_loop3A_497 step %parallel_loop3A_498  : i32 {
      %parallel_loop3A_625 = arith.constant 64 : i32
      %parallel_loop3A_626 = arith.divsi %parallel_loop3A_624, %parallel_loop3A_625 : i32
      %parallel_loop3A_627 = arith.constant 0 : i32
      %parallel_loop3A_628 = arith.cmpi sgt, %parallel_loop3A_624, %parallel_loop3A_627 : i32
      %parallel_loop3A_629 = arith.extui %parallel_loop3A_628 : i1 to i32
      %parallel_loop3A_630 = arith.constant 0 : i32
      %parallel_loop3A_631 = arith.cmpi slt, %parallel_loop3A_624, %parallel_loop3A_630 : i32
      %parallel_loop3A_632 = arith.extui %parallel_loop3A_631 : i1 to i32
      %parallel_loop3A_633 = arith.subi %parallel_loop3A_629, %parallel_loop3A_632 : i32
      %parallel_loop3A_634 = arith.constant 0 : i32
      %parallel_loop3A_635 = arith.cmpi sgt, %parallel_loop3A_625, %parallel_loop3A_634 : i32
      %parallel_loop3A_636 = arith.extui %parallel_loop3A_635 : i1 to i32
      %parallel_loop3A_637 = arith.constant 0 : i32
      %parallel_loop3A_638 = arith.cmpi slt, %parallel_loop3A_625, %parallel_loop3A_637 : i32
      %parallel_loop3A_639 = arith.extui %parallel_loop3A_638 : i1 to i32
      %parallel_loop3A_640 = arith.subi %parallel_loop3A_636, %parallel_loop3A_639 : i32
      %parallel_loop3A_641 = arith.cmpi ne, %parallel_loop3A_633, %parallel_loop3A_640 : i32
      %parallel_loop3A_642 = arith.remsi %parallel_loop3A_624, %parallel_loop3A_625 : i32
      %parallel_loop3A_643 = arith.constant 0 : i32
      %parallel_loop3A_644 = arith.cmpi ne, %parallel_loop3A_642, %parallel_loop3A_643 : i32
      %parallel_loop3A_645 = arith.andi %parallel_loop3A_641, %parallel_loop3A_644 : i1
      %parallel_loop3A_646 = arith.constant 1 : i32
      %parallel_loop3A_647 = arith.subi %parallel_loop3A_626, %parallel_loop3A_646 : i32
      %parallel_loop3A_648 = arith.select %parallel_loop3A_645, %parallel_loop3A_647, %parallel_loop3A_626 : i32
      %parallel_loop3A_649 = arith.constant 64 : i32
      %parallel_loop3A_650 = arith.remsi %parallel_loop3A_624, %parallel_loop3A_649 : i32
      %parallel_loop3A_651 = arith.constant 16 : i32
      %parallel_loop3A_652 = arith.muli %parallel_loop3A_650, %parallel_loop3A_651 : i32
      %parallel_loop3A_653 = arith.index_cast %parallel_loop3A_648 : i32 to index
      %parallel_loop3A_654 = arith.index_cast %parallel_loop3A_652 : i32 to index
      %parallel_loop3A_655 = tpu.vector_load %arg7[%parallel_loop3A_653, %parallel_loop3A_654] {strides = array<i32>} : memref<16x1024xf32, #tpu.memory_space<vmem>>, vector<1x16xf32>,
      %parallel_loop3A_656 = vector.shape_cast %parallel_loop3A_655 : vector<1x16xf32> to vector<16xf32>
      %parallel_loop3A_657 = arith.index_cast %parallel_loop3A_648 : i32 to index
      %parallel_loop3A_658 = arith.index_cast %parallel_loop3A_652 : i32 to index
      %parallel_loop3A_659 = tpu.vector_load %arg10[%parallel_loop3A_657, %parallel_loop3A_658] {strides = array<i32>} : memref<16x1024xf32, #tpu.memory_space<vmem>>, vector<1x16xf32>,
      %parallel_loop3A_660 = vector.shape_cast %parallel_loop3A_659 : vector<1x16xf32> to vector<16xf32>
      %parallel_loop3A_661 = vector.shape_cast %parallel_loop3A_656 : vector<16xf32> to vector<1x16xf32>
      tpu.vector_store %arg10[%parallel_loop3A_657, %parallel_loop3A_658], %parallel_loop3A_661 {add = true, strides = array<i32>} : memref<16x1024xf32, #tpu.memory_space<vmem>>, vector<1x16xf32>,
    } {sc.loop_unroll_factor = 4 : i64, sc.parallel_access}
    %add3A_499 = arith.constant 6144 : i32
    %add3A_500 = arith.addi %add3A_499, %mul3A_2 : i32
    %add3A_501 = arith.constant 32 : i32
    %add3A_502 = arith.addi %add3A_500, %add3A_501 : i32
    %dma_start3A_503 = arith.constant 0 : i32
    %dma_start3A_504 = tpu.memref_slice %arg5[%add3A_502, %dma_start3A_503] : memref<8192x1024xf32, #tpu.memory_space<hbm>> -> memref<16x1024xf32, #tpu.memory_space<hbm>>
    %dma_start3A_505 = arith.constant 0 : i32
    %dma_start3A_506 = tpu.memref_slice %arg5[%add3A_502, %dma_start3A_505] : memref<8192x1024xf32, #tpu.memory_space<hbm>> -> memref<16x1024xf32, #tpu.memory_space<hbm>>
    tpu.enqueue_dma source(%arg10 : memref<16x1024xf32, #tpu.memory_space<vmem>>) target(%dma_start3A_506 : memref<16x1024xf32, #tpu.memory_space<hbm>>) target_semaphore(%arg22 : memref<!tpu.dma_semaphore, #tpu.memory_space<semaphore_mem>>)
    %dma_wait3A_507 = arith.constant 0 : i32
    %dma_wait3A_508 = arith.constant 0 : i32
    %dma_wait3A_509 = tpu.memref_slice %arg5[%dma_wait3A_507, %dma_wait3A_508] : memref<8192x1024xf32, #tpu.memory_space<hbm>> -> memref<16x1024xf32, #tpu.memory_space<hbm>>
    %dma_wait3A_510 = arith.constant 0 : i32
    %dma_wait3A_511 = arith.constant 0 : i32
    %dma_wait3A_512 = tpu.memref_slice %arg5[%dma_wait3A_510, %dma_wait3A_511] : memref<8192x1024xf32, #tpu.memory_space<hbm>> -> memref<16x1024xf32, #tpu.memory_space<hbm>>
    tpu.wait_dma2 semaphore(%arg21 : memref<!tpu.dma_semaphore, #tpu.memory_space<semaphore_mem>>) src(%arg9 : memref<16x1024xf32, #tpu.memory_space<vmem>>) dst(%dma_wait3A_512 : memref<16x1024xf32, #tpu.memory_space<hbm>>)
    %dma_start3A_513 = arith.constant 3 : i32
    %dma_start3A_514 = arith.constant 48 : i32
    %dma_start3A_515 = tpu.memref_slice %arg6[%dma_start3A_513, %dma_start3A_514] : memref<4x64xi32, #tpu.memory_space<vmem>> -> memref<1x16xi32, #tpu.memory_space<vmem>>
    %dma_start3A_516 = tpu.memref_squeeze %dma_start3A_515 : memref<1x16xi32, #tpu.memory_space<vmem>> -> memref<16xi32, #tpu.memory_space<vmem>>
    %dma_start3A_517 = arith.constant 0 : i32
    %dma_start3A_518 = arith.constant 0 : i32
    %dma_start3A_519 = tpu.memref_slice %arg2[%dma_start3A_517, %dma_start3A_518] : memref<100000x1024xf32, #tpu.memory_space<hbm>> -> memref<100000x1024xf32, #tpu.memory_space<hbm>>
    tpu.enqueue_indirect_dma source(%dma_start3A_519 : memref<100000x1024xf32, #tpu.memory_space<hbm>>) target(%arg9 : memref<16x1024xf32, #tpu.memory_space<vmem>>) offsets(%dma_start3A_516 : memref<16xi32, #tpu.memory_space<vmem>>) semaphore(%arg16 : memref<!tpu.dma_semaphore, #tpu.memory_space<semaphore_mem>>)
    %dma_wait3A_520 = arith.constant 0 : i32
    %dma_wait3A_521 = arith.constant 0 : i32
    %dma_wait3A_522 = tpu.memref_slice %arg2[%dma_wait3A_520, %dma_wait3A_521] : memref<100000x1024xf32, #tpu.memory_space<hbm>> -> memref<16x1024xf32, #tpu.memory_space<hbm>>
    %dma_wait3A_523 = arith.constant 0 : i32
    %dma_wait3A_524 = arith.constant 0 : i32
    %dma_wait3A_525 = tpu.memref_slice %arg2[%dma_wait3A_523, %dma_wait3A_524] : memref<100000x1024xf32, #tpu.memory_space<hbm>> -> memref<16x1024xf32, #tpu.memory_space<hbm>>
    tpu.wait_dma2 semaphore(%arg18 : memref<!tpu.dma_semaphore, #tpu.memory_space<semaphore_mem>>) src(%dma_wait3A_525 : memref<16x1024xf32, #tpu.memory_space<hbm>>) dst(%arg11 : memref<16x1024xf32, #tpu.memory_space<vmem>>)
    %dma_wait3A_526 = arith.constant 0 : i32
    %dma_wait3A_527 = arith.constant 0 : i32
    %dma_wait3A_528 = tpu.memref_slice %arg4[%dma_wait3A_526, %dma_wait3A_527] : memref<2048x1024xf32, #tpu.memory_space<hbm>> -> memref<16x1024xf32, #tpu.memory_space<hbm>>
    %dma_wait3A_529 = arith.constant 0 : i32
    %dma_wait3A_530 = arith.constant 0 : i32
    %dma_wait3A_531 = tpu.memref_slice %arg4[%dma_wait3A_529, %dma_wait3A_530] : memref<2048x1024xf32, #tpu.memory_space<hbm>> -> memref<16x1024xf32, #tpu.memory_space<hbm>>
    tpu.wait_dma2 semaphore(%arg15 : memref<!tpu.dma_semaphore, #tpu.memory_space<semaphore_mem>>) src(%dma_wait3A_531 : memref<16x1024xf32, #tpu.memory_space<hbm>>) dst(%arg8 : memref<16x1024xf32, #tpu.memory_space<vmem>>)
    %parallel_loop3A_532 = arith.constant 0 : i32
    %parallel_loop3A_533 = arith.constant 1024 : i32
    %parallel_loop3A_534 = arith.constant 1 : i32
    scf.for %parallel_loop3A_624 = %parallel_loop3A_532 to %parallel_loop3A_533 step %parallel_loop3A_534  : i32 {
      %parallel_loop3A_625 = arith.constant 64 : i32
      %parallel_loop3A_626 = arith.divsi %parallel_loop3A_624, %parallel_loop3A_625 : i32
      %parallel_loop3A_627 = arith.constant 0 : i32
      %parallel_loop3A_628 = arith.cmpi sgt, %parallel_loop3A_624, %parallel_loop3A_627 : i32
      %parallel_loop3A_629 = arith.extui %parallel_loop3A_628 : i1 to i32
      %parallel_loop3A_630 = arith.constant 0 : i32
      %parallel_loop3A_631 = arith.cmpi slt, %parallel_loop3A_624, %parallel_loop3A_630 : i32
      %parallel_loop3A_632 = arith.extui %parallel_loop3A_631 : i1 to i32
      %parallel_loop3A_633 = arith.subi %parallel_loop3A_629, %parallel_loop3A_632 : i32
      %parallel_loop3A_634 = arith.constant 0 : i32
      %parallel_loop3A_635 = arith.cmpi sgt, %parallel_loop3A_625, %parallel_loop3A_634 : i32
      %parallel_loop3A_636 = arith.extui %parallel_loop3A_635 : i1 to i32
      %parallel_loop3A_637 = arith.constant 0 : i32
      %parallel_loop3A_638 = arith.cmpi slt, %parallel_loop3A_625, %parallel_loop3A_637 : i32
      %parallel_loop3A_639 = arith.extui %parallel_loop3A_638 : i1 to i32
      %parallel_loop3A_640 = arith.subi %parallel_loop3A_636, %parallel_loop3A_639 : i32
      %parallel_loop3A_641 = arith.cmpi ne, %parallel_loop3A_633, %parallel_loop3A_640 : i32
      %parallel_loop3A_642 = arith.remsi %parallel_loop3A_624, %parallel_loop3A_625 : i32
      %parallel_loop3A_643 = arith.constant 0 : i32
      %parallel_loop3A_644 = arith.cmpi ne, %parallel_loop3A_642, %parallel_loop3A_643 : i32
      %parallel_loop3A_645 = arith.andi %parallel_loop3A_641, %parallel_loop3A_644 : i1
      %parallel_loop3A_646 = arith.constant 1 : i32
      %parallel_loop3A_647 = arith.subi %parallel_loop3A_626, %parallel_loop3A_646 : i32
      %parallel_loop3A_648 = arith.select %parallel_loop3A_645, %parallel_loop3A_647, %parallel_loop3A_626 : i32
      %parallel_loop3A_649 = arith.constant 64 : i32
      %parallel_loop3A_650 = arith.remsi %parallel_loop3A_624, %parallel_loop3A_649 : i32
      %parallel_loop3A_651 = arith.constant 16 : i32
      %parallel_loop3A_652 = arith.muli %parallel_loop3A_650, %parallel_loop3A_651 : i32
      %parallel_loop3A_653 = arith.index_cast %parallel_loop3A_648 : i32 to index
      %parallel_loop3A_654 = arith.index_cast %parallel_loop3A_652 : i32 to index
      %parallel_loop3A_655 = tpu.vector_load %arg8[%parallel_loop3A_653, %parallel_loop3A_654] {strides = array<i32>} : memref<16x1024xf32, #tpu.memory_space<vmem>>, vector<1x16xf32>,
      %parallel_loop3A_656 = vector.shape_cast %parallel_loop3A_655 : vector<1x16xf32> to vector<16xf32>
      %parallel_loop3A_657 = arith.index_cast %parallel_loop3A_648 : i32 to index
      %parallel_loop3A_658 = arith.index_cast %parallel_loop3A_652 : i32 to index
      %parallel_loop3A_659 = tpu.vector_load %arg11[%parallel_loop3A_657, %parallel_loop3A_658] {strides = array<i32>} : memref<16x1024xf32, #tpu.memory_space<vmem>>, vector<1x16xf32>,
      %parallel_loop3A_660 = vector.shape_cast %parallel_loop3A_659 : vector<1x16xf32> to vector<16xf32>
      %parallel_loop3A_661 = vector.shape_cast %parallel_loop3A_656 : vector<16xf32> to vector<1x16xf32>
      tpu.vector_store %arg11[%parallel_loop3A_657, %parallel_loop3A_658], %parallel_loop3A_661 {add = true, strides = array<i32>} : memref<16x1024xf32, #tpu.memory_space<vmem>>, vector<1x16xf32>,
    } {sc.loop_unroll_factor = 4 : i64, sc.parallel_access}
    %add3A_535 = arith.constant 0 : i32
    %add3A_536 = arith.addi %add3A_535, %mul3A_2 : i32
    %add3A_537 = arith.constant 48 : i32
    %add3A_538 = arith.addi %add3A_536, %add3A_537 : i32
    %dma_start3A_539 = arith.constant 0 : i32
    %dma_start3A_540 = tpu.memref_slice %arg5[%add3A_538, %dma_start3A_539] : memref<8192x1024xf32, #tpu.memory_space<hbm>> -> memref<16x1024xf32, #tpu.memory_space<hbm>>
    %dma_start3A_541 = arith.constant 0 : i32
    %dma_start3A_542 = tpu.memref_slice %arg5[%add3A_538, %dma_start3A_541] : memref<8192x1024xf32, #tpu.memory_space<hbm>> -> memref<16x1024xf32, #tpu.memory_space<hbm>>
    tpu.enqueue_dma source(%arg11 : memref<16x1024xf32, #tpu.memory_space<vmem>>) target(%dma_start3A_542 : memref<16x1024xf32, #tpu.memory_space<hbm>>) target_semaphore(%arg23 : memref<!tpu.dma_semaphore, #tpu.memory_space<semaphore_mem>>)
    %dma_wait3A_543 = arith.constant 0 : i32
    %dma_wait3A_544 = arith.constant 0 : i32
    %dma_wait3A_545 = tpu.memref_slice %arg2[%dma_wait3A_543, %dma_wait3A_544] : memref<100000x1024xf32, #tpu.memory_space<hbm>> -> memref<16x1024xf32, #tpu.memory_space<hbm>>
    %dma_wait3A_546 = arith.constant 0 : i32
    %dma_wait3A_547 = arith.constant 0 : i32
    %dma_wait3A_548 = tpu.memref_slice %arg2[%dma_wait3A_546, %dma_wait3A_547] : memref<100000x1024xf32, #tpu.memory_space<hbm>> -> memref<16x1024xf32, #tpu.memory_space<hbm>>
    tpu.wait_dma2 semaphore(%arg19 : memref<!tpu.dma_semaphore, #tpu.memory_space<semaphore_mem>>) src(%dma_wait3A_548 : memref<16x1024xf32, #tpu.memory_space<hbm>>) dst(%arg12 : memref<16x1024xf32, #tpu.memory_space<vmem>>)
    %parallel_loop3A_549 = arith.constant 0 : i32
    %parallel_loop3A_550 = arith.constant 1024 : i32
    %parallel_loop3A_551 = arith.constant 1 : i32
    scf.for %parallel_loop3A_624 = %parallel_loop3A_549 to %parallel_loop3A_550 step %parallel_loop3A_551  : i32 {
      %parallel_loop3A_625 = arith.constant 64 : i32
      %parallel_loop3A_626 = arith.divsi %parallel_loop3A_624, %parallel_loop3A_625 : i32
      %parallel_loop3A_627 = arith.constant 0 : i32
      %parallel_loop3A_628 = arith.cmpi sgt, %parallel_loop3A_624, %parallel_loop3A_627 : i32
      %parallel_loop3A_629 = arith.extui %parallel_loop3A_628 : i1 to i32
      %parallel_loop3A_630 = arith.constant 0 : i32
      %parallel_loop3A_631 = arith.cmpi slt, %parallel_loop3A_624, %parallel_loop3A_630 : i32
      %parallel_loop3A_632 = arith.extui %parallel_loop3A_631 : i1 to i32
      %parallel_loop3A_633 = arith.subi %parallel_loop3A_629, %parallel_loop3A_632 : i32
      %parallel_loop3A_634 = arith.constant 0 : i32
      %parallel_loop3A_635 = arith.cmpi sgt, %parallel_loop3A_625, %parallel_loop3A_634 : i32
      %parallel_loop3A_636 = arith.extui %parallel_loop3A_635 : i1 to i32
      %parallel_loop3A_637 = arith.constant 0 : i32
      %parallel_loop3A_638 = arith.cmpi slt, %parallel_loop3A_625, %parallel_loop3A_637 : i32
      %parallel_loop3A_639 = arith.extui %parallel_loop3A_638 : i1 to i32
      %parallel_loop3A_640 = arith.subi %parallel_loop3A_636, %parallel_loop3A_639 : i32
      %parallel_loop3A_641 = arith.cmpi ne, %parallel_loop3A_633, %parallel_loop3A_640 : i32
      %parallel_loop3A_642 = arith.remsi %parallel_loop3A_624, %parallel_loop3A_625 : i32
      %parallel_loop3A_643 = arith.constant 0 : i32
      %parallel_loop3A_644 = arith.cmpi ne, %parallel_loop3A_642, %parallel_loop3A_643 : i32
      %parallel_loop3A_645 = arith.andi %parallel_loop3A_641, %parallel_loop3A_644 : i1
      %parallel_loop3A_646 = arith.constant 1 : i32
      %parallel_loop3A_647 = arith.subi %parallel_loop3A_626, %parallel_loop3A_646 : i32
      %parallel_loop3A_648 = arith.select %parallel_loop3A_645, %parallel_loop3A_647, %parallel_loop3A_626 : i32
      %parallel_loop3A_649 = arith.constant 64 : i32
      %parallel_loop3A_650 = arith.remsi %parallel_loop3A_624, %parallel_loop3A_649 : i32
      %parallel_loop3A_651 = arith.constant 16 : i32
      %parallel_loop3A_652 = arith.muli %parallel_loop3A_650, %parallel_loop3A_651 : i32
      %parallel_loop3A_653 = arith.index_cast %parallel_loop3A_648 : i32 to index
      %parallel_loop3A_654 = arith.index_cast %parallel_loop3A_652 : i32 to index
      %parallel_loop3A_655 = tpu.vector_load %arg8[%parallel_loop3A_653, %parallel_loop3A_654] {strides = array<i32>} : memref<16x1024xf32, #tpu.memory_space<vmem>>, vector<1x16xf32>,
      %parallel_loop3A_656 = vector.shape_cast %parallel_loop3A_655 : vector<1x16xf32> to vector<16xf32>
      %parallel_loop3A_657 = arith.index_cast %parallel_loop3A_648 : i32 to index
      %parallel_loop3A_658 = arith.index_cast %parallel_loop3A_652 : i32 to index
      %parallel_loop3A_659 = tpu.vector_load %arg12[%parallel_loop3A_657, %parallel_loop3A_658] {strides = array<i32>} : memref<16x1024xf32, #tpu.memory_space<vmem>>, vector<1x16xf32>,
      %parallel_loop3A_660 = vector.shape_cast %parallel_loop3A_659 : vector<1x16xf32> to vector<16xf32>
      %parallel_loop3A_661 = vector.shape_cast %parallel_loop3A_656 : vector<16xf32> to vector<1x16xf32>
      tpu.vector_store %arg12[%parallel_loop3A_657, %parallel_loop3A_658], %parallel_loop3A_661 {add = true, strides = array<i32>} : memref<16x1024xf32, #tpu.memory_space<vmem>>, vector<1x16xf32>,
    } {sc.loop_unroll_factor = 4 : i64, sc.parallel_access}
    %add3A_552 = arith.constant 2048 : i32
    %add3A_553 = arith.addi %add3A_552, %mul3A_2 : i32
    %add3A_554 = arith.constant 48 : i32
    %add3A_555 = arith.addi %add3A_553, %add3A_554 : i32
    %dma_start3A_556 = arith.constant 0 : i32
    %dma_start3A_557 = tpu.memref_slice %arg5[%add3A_555, %dma_start3A_556] : memref<8192x1024xf32, #tpu.memory_space<hbm>> -> memref<16x1024xf32, #tpu.memory_space<hbm>>
    %dma_start3A_558 = arith.constant 0 : i32
    %dma_start3A_559 = tpu.memref_slice %arg5[%add3A_555, %dma_start3A_558] : memref<8192x1024xf32, #tpu.memory_space<hbm>> -> memref<16x1024xf32, #tpu.memory_space<hbm>>
    tpu.enqueue_dma source(%arg12 : memref<16x1024xf32, #tpu.memory_space<vmem>>) target(%dma_start3A_559 : memref<16x1024xf32, #tpu.memory_space<hbm>>) target_semaphore(%arg24 : memref<!tpu.dma_semaphore, #tpu.memory_space<semaphore_mem>>)
    %dma_wait3A_560 = arith.constant 0 : i32
    %dma_wait3A_561 = arith.constant 0 : i32
    %dma_wait3A_562 = tpu.memref_slice %arg2[%dma_wait3A_560, %dma_wait3A_561] : memref<100000x1024xf32, #tpu.memory_space<hbm>> -> memref<16x1024xf32, #tpu.memory_space<hbm>>
    %dma_wait3A_563 = arith.constant 0 : i32
    %dma_wait3A_564 = arith.constant 0 : i32
    %dma_wait3A_565 = tpu.memref_slice %arg2[%dma_wait3A_563, %dma_wait3A_564] : memref<100000x1024xf32, #tpu.memory_space<hbm>> -> memref<16x1024xf32, #tpu.memory_space<hbm>>
    tpu.wait_dma2 semaphore(%arg20 : memref<!tpu.dma_semaphore, #tpu.memory_space<semaphore_mem>>) src(%dma_wait3A_565 : memref<16x1024xf32, #tpu.memory_space<hbm>>) dst(%arg13 : memref<16x1024xf32, #tpu.memory_space<vmem>>)
    %parallel_loop3A_566 = arith.constant 0 : i32
    %parallel_loop3A_567 = arith.constant 1024 : i32
    %parallel_loop3A_568 = arith.constant 1 : i32
    scf.for %parallel_loop3A_624 = %parallel_loop3A_566 to %parallel_loop3A_567 step %parallel_loop3A_568  : i32 {
      %parallel_loop3A_625 = arith.constant 64 : i32
      %parallel_loop3A_626 = arith.divsi %parallel_loop3A_624, %parallel_loop3A_625 : i32
      %parallel_loop3A_627 = arith.constant 0 : i32
      %parallel_loop3A_628 = arith.cmpi sgt, %parallel_loop3A_624, %parallel_loop3A_627 : i32
      %parallel_loop3A_629 = arith.extui %parallel_loop3A_628 : i1 to i32
      %parallel_loop3A_630 = arith.constant 0 : i32
      %parallel_loop3A_631 = arith.cmpi slt, %parallel_loop3A_624, %parallel_loop3A_630 : i32
      %parallel_loop3A_632 = arith.extui %parallel_loop3A_631 : i1 to i32
      %parallel_loop3A_633 = arith.subi %parallel_loop3A_629, %parallel_loop3A_632 : i32
      %parallel_loop3A_634 = arith.constant 0 : i32
      %parallel_loop3A_635 = arith.cmpi sgt, %parallel_loop3A_625, %parallel_loop3A_634 : i32
      %parallel_loop3A_636 = arith.extui %parallel_loop3A_635 : i1 to i32
      %parallel_loop3A_637 = arith.constant 0 : i32
      %parallel_loop3A_638 = arith.cmpi slt, %parallel_loop3A_625, %parallel_loop3A_637 : i32
      %parallel_loop3A_639 = arith.extui %parallel_loop3A_638 : i1 to i32
      %parallel_loop3A_640 = arith.subi %parallel_loop3A_636, %parallel_loop3A_639 : i32
      %parallel_loop3A_641 = arith.cmpi ne, %parallel_loop3A_633, %parallel_loop3A_640 : i32
      %parallel_loop3A_642 = arith.remsi %parallel_loop3A_624, %parallel_loop3A_625 : i32
      %parallel_loop3A_643 = arith.constant 0 : i32
      %parallel_loop3A_644 = arith.cmpi ne, %parallel_loop3A_642, %parallel_loop3A_643 : i32
      %parallel_loop3A_645 = arith.andi %parallel_loop3A_641, %parallel_loop3A_644 : i1
      %parallel_loop3A_646 = arith.constant 1 : i32
      %parallel_loop3A_647 = arith.subi %parallel_loop3A_626, %parallel_loop3A_646 : i32
      %parallel_loop3A_648 = arith.select %parallel_loop3A_645, %parallel_loop3A_647, %parallel_loop3A_626 : i32
      %parallel_loop3A_649 = arith.constant 64 : i32
      %parallel_loop3A_650 = arith.remsi %parallel_loop3A_624, %parallel_loop3A_649 : i32
      %parallel_loop3A_651 = arith.constant 16 : i32
      %parallel_loop3A_652 = arith.muli %parallel_loop3A_650, %parallel_loop3A_651 : i32
      %parallel_loop3A_653 = arith.index_cast %parallel_loop3A_648 : i32 to index
      %parallel_loop3A_654 = arith.index_cast %parallel_loop3A_652 : i32 to index
      %parallel_loop3A_655 = tpu.vector_load %arg8[%parallel_loop3A_653, %parallel_loop3A_654] {strides = array<i32>} : memref<16x1024xf32, #tpu.memory_space<vmem>>, vector<1x16xf32>,
      %parallel_loop3A_656 = vector.shape_cast %parallel_loop3A_655 : vector<1x16xf32> to vector<16xf32>
      %parallel_loop3A_657 = arith.index_cast %parallel_loop3A_648 : i32 to index
      %parallel_loop3A_658 = arith.index_cast %parallel_loop3A_652 : i32 to index
      %parallel_loop3A_659 = tpu.vector_load %arg13[%parallel_loop3A_657, %parallel_loop3A_658] {strides = array<i32>} : memref<16x1024xf32, #tpu.memory_space<vmem>>, vector<1x16xf32>,
      %parallel_loop3A_660 = vector.shape_cast %parallel_loop3A_659 : vector<1x16xf32> to vector<16xf32>
      %parallel_loop3A_661 = vector.shape_cast %parallel_loop3A_656 : vector<16xf32> to vector<1x16xf32>
      tpu.vector_store %arg13[%parallel_loop3A_657, %parallel_loop3A_658], %parallel_loop3A_661 {add = true, strides = array<i32>} : memref<16x1024xf32, #tpu.memory_space<vmem>>, vector<1x16xf32>,
    } {sc.loop_unroll_factor = 4 : i64, sc.parallel_access}
    %add3A_569 = arith.constant 4096 : i32
    %add3A_570 = arith.addi %add3A_569, %mul3A_2 : i32
    %add3A_571 = arith.constant 48 : i32
    %add3A_572 = arith.addi %add3A_570, %add3A_571 : i32
    %dma_start3A_573 = arith.constant 0 : i32
    %dma_start3A_574 = tpu.memref_slice %arg5[%add3A_572, %dma_start3A_573] : memref<8192x1024xf32, #tpu.memory_space<hbm>> -> memref<16x1024xf32, #tpu.memory_space<hbm>>
    %dma_start3A_575 = arith.constant 0 : i32
    %dma_start3A_576 = tpu.memref_slice %arg5[%add3A_572, %dma_start3A_575] : memref<8192x1024xf32, #tpu.memory_space<hbm>> -> memref<16x1024xf32, #tpu.memory_space<hbm>>
    tpu.enqueue_dma source(%arg13 : memref<16x1024xf32, #tpu.memory_space<vmem>>) target(%dma_start3A_576 : memref<16x1024xf32, #tpu.memory_space<hbm>>) target_semaphore(%arg25 : memref<!tpu.dma_semaphore, #tpu.memory_space<semaphore_mem>>)
    %dma_wait3A_577 = arith.constant 0 : i32
    %dma_wait3A_578 = arith.constant 0 : i32
    %dma_wait3A_579 = tpu.memref_slice %arg2[%dma_wait3A_577, %dma_wait3A_578] : memref<100000x1024xf32, #tpu.memory_space<hbm>> -> memref<16x1024xf32, #tpu.memory_space<hbm>>
    %dma_wait3A_580 = arith.constant 0 : i32
    %dma_wait3A_581 = arith.constant 0 : i32
    %dma_wait3A_582 = tpu.memref_slice %arg2[%dma_wait3A_580, %dma_wait3A_581] : memref<100000x1024xf32, #tpu.memory_space<hbm>> -> memref<16x1024xf32, #tpu.memory_space<hbm>>
    tpu.wait_dma2 semaphore(%arg16 : memref<!tpu.dma_semaphore, #tpu.memory_space<semaphore_mem>>) src(%dma_wait3A_582 : memref<16x1024xf32, #tpu.memory_space<hbm>>) dst(%arg9 : memref<16x1024xf32, #tpu.memory_space<vmem>>)
    %parallel_loop3A_583 = arith.constant 0 : i32
    %parallel_loop3A_584 = arith.constant 1024 : i32
    %parallel_loop3A_585 = arith.constant 1 : i32
    scf.for %parallel_loop3A_624 = %parallel_loop3A_583 to %parallel_loop3A_584 step %parallel_loop3A_585  : i32 {
      %parallel_loop3A_625 = arith.constant 64 : i32
      %parallel_loop3A_626 = arith.divsi %parallel_loop3A_624, %parallel_loop3A_625 : i32
      %parallel_loop3A_627 = arith.constant 0 : i32
      %parallel_loop3A_628 = arith.cmpi sgt, %parallel_loop3A_624, %parallel_loop3A_627 : i32
      %parallel_loop3A_629 = arith.extui %parallel_loop3A_628 : i1 to i32
      %parallel_loop3A_630 = arith.constant 0 : i32
      %parallel_loop3A_631 = arith.cmpi slt, %parallel_loop3A_624, %parallel_loop3A_630 : i32
      %parallel_loop3A_632 = arith.extui %parallel_loop3A_631 : i1 to i32
      %parallel_loop3A_633 = arith.subi %parallel_loop3A_629, %parallel_loop3A_632 : i32
      %parallel_loop3A_634 = arith.constant 0 : i32
      %parallel_loop3A_635 = arith.cmpi sgt, %parallel_loop3A_625, %parallel_loop3A_634 : i32
      %parallel_loop3A_636 = arith.extui %parallel_loop3A_635 : i1 to i32
      %parallel_loop3A_637 = arith.constant 0 : i32
      %parallel_loop3A_638 = arith.cmpi slt, %parallel_loop3A_625, %parallel_loop3A_637 : i32
      %parallel_loop3A_639 = arith.extui %parallel_loop3A_638 : i1 to i32
      %parallel_loop3A_640 = arith.subi %parallel_loop3A_636, %parallel_loop3A_639 : i32
      %parallel_loop3A_641 = arith.cmpi ne, %parallel_loop3A_633, %parallel_loop3A_640 : i32
      %parallel_loop3A_642 = arith.remsi %parallel_loop3A_624, %parallel_loop3A_625 : i32
      %parallel_loop3A_643 = arith.constant 0 : i32
      %parallel_loop3A_644 = arith.cmpi ne, %parallel_loop3A_642, %parallel_loop3A_643 : i32
      %parallel_loop3A_645 = arith.andi %parallel_loop3A_641, %parallel_loop3A_644 : i1
      %parallel_loop3A_646 = arith.constant 1 : i32
      %parallel_loop3A_647 = arith.subi %parallel_loop3A_626, %parallel_loop3A_646 : i32
      %parallel_loop3A_648 = arith.select %parallel_loop3A_645, %parallel_loop3A_647, %parallel_loop3A_626 : i32
      %parallel_loop3A_649 = arith.constant 64 : i32
      %parallel_loop3A_650 = arith.remsi %parallel_loop3A_624, %parallel_loop3A_649 : i32
      %parallel_loop3A_651 = arith.constant 16 : i32
      %parallel_loop3A_652 = arith.muli %parallel_loop3A_650, %parallel_loop3A_651 : i32
      %parallel_loop3A_653 = arith.index_cast %parallel_loop3A_648 : i32 to index
      %parallel_loop3A_654 = arith.index_cast %parallel_loop3A_652 : i32 to index
      %parallel_loop3A_655 = tpu.vector_load %arg8[%parallel_loop3A_653, %parallel_loop3A_654] {strides = array<i32>} : memref<16x1024xf32, #tpu.memory_space<vmem>>, vector<1x16xf32>,
      %parallel_loop3A_656 = vector.shape_cast %parallel_loop3A_655 : vector<1x16xf32> to vector<16xf32>
      %parallel_loop3A_657 = arith.index_cast %parallel_loop3A_648 : i32 to index
      %parallel_loop3A_658 = arith.index_cast %parallel_loop3A_652 : i32 to index
      %parallel_loop3A_659 = tpu.vector_load %arg9[%parallel_loop3A_657, %parallel_loop3A_658] {strides = array<i32>} : memref<16x1024xf32, #tpu.memory_space<vmem>>, vector<1x16xf32>,
      %parallel_loop3A_660 = vector.shape_cast %parallel_loop3A_659 : vector<1x16xf32> to vector<16xf32>
      %parallel_loop3A_661 = vector.shape_cast %parallel_loop3A_656 : vector<16xf32> to vector<1x16xf32>
      tpu.vector_store %arg9[%parallel_loop3A_657, %parallel_loop3A_658], %parallel_loop3A_661 {add = true, strides = array<i32>} : memref<16x1024xf32, #tpu.memory_space<vmem>>, vector<1x16xf32>,
    } {sc.loop_unroll_factor = 4 : i64, sc.parallel_access}
    %add3A_586 = arith.constant 6144 : i32
    %add3A_587 = arith.addi %add3A_586, %mul3A_2 : i32
    %add3A_588 = arith.constant 48 : i32
    %add3A_589 = arith.addi %add3A_587, %add3A_588 : i32
    %dma_start3A_590 = arith.constant 0 : i32
    %dma_start3A_591 = tpu.memref_slice %arg5[%add3A_589, %dma_start3A_590] : memref<8192x1024xf32, #tpu.memory_space<hbm>> -> memref<16x1024xf32, #tpu.memory_space<hbm>>
    %dma_start3A_592 = arith.constant 0 : i32
    %dma_start3A_593 = tpu.memref_slice %arg5[%add3A_589, %dma_start3A_592] : memref<8192x1024xf32, #tpu.memory_space<hbm>> -> memref<16x1024xf32, #tpu.memory_space<hbm>>
    tpu.enqueue_dma source(%arg9 : memref<16x1024xf32, #tpu.memory_space<vmem>>) target(%dma_start3A_593 : memref<16x1024xf32, #tpu.memory_space<hbm>>) target_semaphore(%arg21 : memref<!tpu.dma_semaphore, #tpu.memory_space<semaphore_mem>>)
    %dma_wait3A_594 = arith.constant 0 : i32
    %dma_wait3A_595 = arith.constant 0 : i32
    %dma_wait3A_596 = tpu.memref_slice %arg5[%dma_wait3A_594, %dma_wait3A_595] : memref<8192x1024xf32, #tpu.memory_space<hbm>> -> memref<16x1024xf32, #tpu.memory_space<hbm>>
    %dma_wait3A_597 = arith.constant 0 : i32
    %dma_wait3A_598 = arith.constant 0 : i32
    %dma_wait3A_599 = tpu.memref_slice %arg5[%dma_wait3A_597, %dma_wait3A_598] : memref<8192x1024xf32, #tpu.memory_space<hbm>> -> memref<16x1024xf32, #tpu.memory_space<hbm>>
    tpu.wait_dma2 semaphore(%arg22 : memref<!tpu.dma_semaphore, #tpu.memory_space<semaphore_mem>>) src(%arg10 : memref<16x1024xf32, #tpu.memory_space<vmem>>) dst(%dma_wait3A_599 : memref<16x1024xf32, #tpu.memory_space<hbm>>)
    %dma_wait3A_600 = arith.constant 0 : i32
    %dma_wait3A_601 = arith.constant 0 : i32
    %dma_wait3A_602 = tpu.memref_slice %arg5[%dma_wait3A_600, %dma_wait3A_601] : memref<8192x1024xf32, #tpu.memory_space<hbm>> -> memref<16x1024xf32, #tpu.memory_space<hbm>>
    %dma_wait3A_603 = arith.constant 0 : i32
    %dma_wait3A_604 = arith.constant 0 : i32
    %dma_wait3A_605 = tpu.memref_slice %arg5[%dma_wait3A_603, %dma_wait3A_604] : memref<8192x1024xf32, #tpu.memory_space<hbm>> -> memref<16x1024xf32, #tpu.memory_space<hbm>>
    tpu.wait_dma2 semaphore(%arg23 : memref<!tpu.dma_semaphore, #tpu.memory_space<semaphore_mem>>) src(%arg11 : memref<16x1024xf32, #tpu.memory_space<vmem>>) dst(%dma_wait3A_605 : memref<16x1024xf32, #tpu.memory_space<hbm>>)
    %dma_wait3A_606 = arith.constant 0 : i32
    %dma_wait3A_607 = arith.constant 0 : i32
    %dma_wait3A_608 = tpu.memref_slice %arg5[%dma_wait3A_606, %dma_wait3A_607] : memref<8192x1024xf32, #tpu.memory_space<hbm>> -> memref<16x1024xf32, #tpu.memory_space<hbm>>
    %dma_wait3A_609 = arith.constant 0 : i32
    %dma_wait3A_610 = arith.constant 0 : i32
    %dma_wait3A_611 = tpu.memref_slice %arg5[%dma_wait3A_609, %dma_wait3A_610] : memref<8192x1024xf32, #tpu.memory_space<hbm>> -> memref<16x1024xf32, #tpu.memory_space<hbm>>
    tpu.wait_dma2 semaphore(%arg24 : memref<!tpu.dma_semaphore, #tpu.memory_space<semaphore_mem>>) src(%arg12 : memref<16x1024xf32, #tpu.memory_space<vmem>>) dst(%dma_wait3A_611 : memref<16x1024xf32, #tpu.memory_space<hbm>>)
    %dma_wait3A_612 = arith.constant 0 : i32
    %dma_wait3A_613 = arith.constant 0 : i32
    %dma_wait3A_614 = tpu.memref_slice %arg5[%dma_wait3A_612, %dma_wait3A_613] : memref<8192x1024xf32, #tpu.memory_space<hbm>> -> memref<16x1024xf32, #tpu.memory_space<hbm>>
    %dma_wait3A_615 = arith.constant 0 : i32
    %dma_wait3A_616 = arith.constant 0 : i32
    %dma_wait3A_617 = tpu.memref_slice %arg5[%dma_wait3A_615, %dma_wait3A_616] : memref<8192x1024xf32, #tpu.memory_space<hbm>> -> memref<16x1024xf32, #tpu.memory_space<hbm>>
    tpu.wait_dma2 semaphore(%arg25 : memref<!tpu.dma_semaphore, #tpu.memory_space<semaphore_mem>>) src(%arg13 : memref<16x1024xf32, #tpu.memory_space<vmem>>) dst(%dma_wait3A_617 : memref<16x1024xf32, #tpu.memory_space<hbm>>)
    %dma_wait3A_618 = arith.constant 0 : i32
    %dma_wait3A_619 = arith.constant 0 : i32
    %dma_wait3A_620 = tpu.memref_slice %arg5[%dma_wait3A_618, %dma_wait3A_619] : memref<8192x1024xf32, #tpu.memory_space<hbm>> -> memref<16x1024xf32, #tpu.memory_space<hbm>>
    %dma_wait3A_621 = arith.constant 0 : i32
    %dma_wait3A_622 = arith.constant 0 : i32
    %dma_wait3A_623 = tpu.memref_slice %arg5[%dma_wait3A_621, %dma_wait3A_622] : memref<8192x1024xf32, #tpu.memory_space<hbm>> -> memref<16x1024xf32, #tpu.memory_space<hbm>>
    tpu.wait_dma2 semaphore(%arg21 : memref<!tpu.dma_semaphore, #tpu.memory_space<semaphore_mem>>) src(%arg9 : memref<16x1024xf32, #tpu.memory_space<vmem>>) dst(%dma_wait3A_623 : memref<16x1024xf32, #tpu.memory_space<hbm>>)
    return
  }
}

</mosaic_0001>

<sc_bundles>
// kernel: _emb.3.cloned.1.call-start
scs
__scs_entry_jumppad:
0x0: {  	(pc) =	sbr.rel $0x88, $3  }
0x1: {  	(tag) =	ssettag $0x0;
	lr =	simm.s32 $0x1  }
0x2: {  	[smem:$0x3F9E] =	sst lr;
	_ =	strace $0xD0000000  }
0x3: {  	_ = 	snop  }
0x4: {  	_ = 	snop  }
0x5: {  	_ = 	snop  }
0x6: {  	_ = 	snop  }
0x7: {  	_ = 	snop  }
__scs_overlays_trampoline_lowered:
0x8: {  	[smem:$0x3FAD] =	sst s0  }
0x9: {  	[smem:$0x3FAE] =	sst s1  }
0xa: {  	[smem:$0x3FAF] =	sst s2  }
0xb: {  	[smem:$0x3FB0] =	sst s3  }
0xc: {  	[smem:$0x3FB1] =	sst s4  }
0xd: {  	[smem:$0x3FB2] =	sst s5  }
0xe: {  	[smem:$0x3FB3] =	sst s6  }
0xf: {  	[smem:$0x3FB4] =	sst s7  }
0x10: {  	[smem:$0x3FB5] =	sst s8  }
0x11: {  	[smem:$0x3FB6] =	sst s9;
	s0 =	simm.s32 @!p0 $0x0  }
0x12: {  	s1 =	sld [smem:$0x3F9C];
	s0 =	simm.s32 @p0 $0x1  }
0x13: {  	[smem:$0x3FB7] =	sst s0;
	s0 =	simm.s32 @!p1 $0x0  }
0x14: {  	s2 =	sld [smem:$0x3F9B];
	s0 =	simm.s32 @p1 $0x1  }
0x15: {  	[smem:$0x3FB8] =	sst s0;
	s0 =	simm.s32 @!p2 $0x0  }
0x16: {  	s3 =	sld [smem:$0x3FDB];
	s0 =	simm.s32 @p2 $0x1  }
0x17: {  	s4 =	simm.s32 $0x1BF5;
	[smem:$0x3FBA] =	sst s0  }
0x18: {  	s0 =	sld [smem:$0x3F9D];
	_ =	swait.ge [sflag:s4], $0x0  }
0x19: {  	s7 =	sld [smem:$0x3F9E]  }
0x1a: {  	s8 =	sadd.s32 $0xFFFFE003, lr  }
0x1b: {  	s9 =	sadd.s32 $0xFFFFFEF7, lr;
	s5 =	simm.s32 $0xFFFFFFFF;
	p2 =	slt.u32 s8, $0xFFFFF086  }
0x1c: {  	p1 =	slt.u32 s9, $0xF7A;
	s5 =	simm.s32 @!p2 $0x0  }
0x1d: {  	s5 =	simm.s32 @p1 $0x1;
	p0 =	seq.s32 s7, s2  }
0x1e: {  	s7 =	smul.u32 @!p0 $0xF7A, s2;
	p2 =	seq.s32 @!p0 s5, $0x0  }
0x1f: {  	s9 =	smul.u32 $0xF7A, s1;
	s8 =	simm.s32 @!p0 $0x1BF5;
	p2 =	por !p2, p0  }
0x20: {  	[sflag:s8] =	ssyncset.s32 @!p0 $0xFFFFF086;
	s6 =	sadd.s32 @!p0 s3, s7;
	s7 =	simm.s32 @!p0 $0x108  }
0x21: {  	s3 =	sadd.s32 s3, s9;
	s6 =	sadd.s32 @!p0 $0x88, s6;
	s7 =	simm.s32 @p2 $0x1082  }
0x22: {  	[simem:s7], [sflag:s8] =	dma.local @!p0 [hbm:s6], $0xF7A  }
0x23: {  	s9 =	sor.u32 $0xD0000000, s2;
	s6 =	simm.s32 $0x108;
	_ =	swait.ge @!p0 [sflag:s8], $0x0  }
0x24: {  	s3 =	sadd.s32 $0x88, s3;
	s6 =	simm.s32 @!p1 $0x1082;
	[sflag:s4] =	ssyncset.s32 $0xFFFFF086  }
0x25: {  	[simem:s6], [sflag:s4] =	dma.local [hbm:s3], $0xF7A  }
0x26: {  	[smem:$0x3F9E] =	sst s1;
	(tag) =	ssettag s2;
	_ =	strace s9  }
0x27: {  	s1 =	sld [smem:$0x3FAE]  }
0x28: {  	s2 =	sld [smem:$0x3FAF]  }
0x29: {  	s4 =	sld [smem:$0x3FB1]  }
0x2a: {  	p0 =	seq.s32 s5, $0x0;
	s5 =	sld [smem:$0x3FB2]  }
0x2b: {  	s6 =	sld [smem:$0x3FB3]  }
0x2c: {  	s7 =	sld [smem:$0x3FB4]  }
0x2d: {  	s3 =	simm.s32 $0x108;
	s8 =	sld [smem:$0x3FB5]  }
0x2e: {  	s3 =	simm.s32 @!p0 $0x1082;
	s9 =	sld [smem:$0x3FB6]  }
0x2f: {  	lr =	sadd.s32 s0, s3;
	s0 =	sld [smem:$0x3FAD]  }
0x30: {  	s3 =	sld [smem:$0x3FB0]  }
0x31: {  	[smem:$0x3FB9] =	sst s10  }
0x32: {  	s10 =	sld [smem:$0x3FB7];
	_ =	sdelay $0x3  }
0x33: {  	p0 =	seq.s32 s10, $0x1;
	s10 =	sld [smem:$0x3FB9];
	_ =	sdelay $0x3  }
0x34: {  	[smem:$0x3FB9] =	sst s10  }
0x35: {  	s10 =	sld [smem:$0x3FB8];
	_ =	sdelay $0x3  }
0x36: {  	p1 =	seq.s32 s10, $0x1;
	s10 =	sld [smem:$0x3FB9];
	_ =	sdelay $0x3  }
0x37: {  	[smem:$0x3FB9] =	sst s10  }
0x38: {  	s10 =	sld [smem:$0x3FBA]  }
0x39: {  	_ = 	snop;
	(pc) =	sbr.ind lr, $3  }
0x3a: {  	_ = 	snop  }
0x3b: {  	_ = 	snop  }
0x3c: {  	p2 =	seq.s32 s10, $0x1;
	s10 =	sld [smem:$0x3FB9]  }
0x3d: {  	_ =	shalt  }
0x3e: {  	_ =	shalt  }
0x3f: {  	_ =	shalt  }
0x40: {  	_ =	shalt  }
0x41: {  	_ =	shalt  }
0x42: {  	_ =	shalt  }
0x43: {  	_ =	shalt  }
0x44: {  	_ =	shalt  }
0x45: {  	_ =	shalt  }
0x46: {  	_ =	shalt  }
0x47: {  	_ =	shalt  }
0x48: {  	_ =	shalt  }
0x49: {  	_ =	shalt  }
0x4a: {  	_ =	shalt  }
0x4b: {  	_ =	shalt  }
0x4c: {  	_ =	shalt  }
0x4d: {  	_ =	shalt  }
0x4e: {  	_ =	shalt  }
0x4f: {  	_ =	shalt  }
0x50: {  	_ =	shalt  }
0x51: {  	_ =	shalt  }
0x52: {  	_ =	shalt  }
0x53: {  	_ =	shalt  }
0x54: {  	_ =	shalt  }
0x55: {  	_ =	shalt  }
0x56: {  	_ =	shalt  }
0x57: {  	_ =	shalt  }
0x58: {  	_ =	shalt  }
0x59: {  	_ =	shalt  }
0x5a: {  	_ =	shalt  }
0x5b: {  	_ =	shalt  }
0x5c: {  	_ =	shalt  }
0x5d: {  	_ =	shalt  }
0x5e: {  	_ =	shalt  }
0x5f: {  	_ =	shalt  }
0x60: {  	_ =	shalt  }
0x61: {  	_ =	shalt  }
0x62: {  	_ =	shalt  }
0x63: {  	_ =	shalt  }
0x64: {  	_ =	shalt  }
0x65: {  	_ =	shalt  }
0x66: {  	_ =	shalt  }
0x67: {  	_ =	shalt  }
0x68: {  	_ =	shalt  }
0x69: {  	_ =	shalt  }
0x6a: {  	_ =	shalt  }
0x6b: {  	_ =	shalt  }
0x6c: {  	_ =	shalt  }
0x6d: {  	_ =	shalt  }
0x6e: {  	_ =	shalt  }
0x6f: {  	_ =	shalt  }
0x70: {  	_ =	shalt  }
0x71: {  	_ =	shalt  }
0x72: {  	_ =	shalt  }
0x73: {  	_ =	shalt  }
0x74: {  	_ =	shalt  }
0x75: {  	_ =	shalt  }
0x76: {  	_ =	shalt  }
0x77: {  	_ =	shalt  }
0x78: {  	_ =	shalt  }
0x79: {  	_ =	shalt  }
0x7a: {  	_ =	shalt  }
0x7b: {  	_ =	shalt  }
0x7c: {  	_ =	shalt  }
0x7d: {  	_ =	shalt  }
0x7e: {  	_ =	shalt  }
0x7f: {  	_ =	shalt  }
0x80: {  	_ =	shalt  }
0x81: {  	_ =	shalt  }
0x82: {  	_ =	shalt  }
0x83: {  	_ =	shalt  }
0x84: {  	_ =	shalt  }
0x85: {  	_ =	shalt  }
0x86: {  	_ =	shalt  }
0x87: {  	_ =	shalt  }
.Lfunc_end0:
.L_simem_size_0:
called_computation_lowered:
.L_overlay_start_0:
0x88: {  	s2 =	sld [smem:$0x3FD9]  }
0x89: {  	s3 =	sld [smem:$0x3FFE];
	_ =	sdelay $0x1  }
0x8a: {  	s1 =	srdreg.scid  }
0x8b: {  	s0 =	sand.u32 $0x1, s1  }
0x8c: {  	s18 =	sshll.u32 s0, $0xA;
	s2 =	sadd.s32 s3, s2  }
0x8d: {  	s2 =	sadd.s32 s2, s18  }
0x8e: {  	[smem:$0x3FC5] =	sst s2  }
0x8f: {  	_ = 	snop  }
0x90: {  	s2 =	sld [smem:$0x3FC9]  }
0x91: {  	s19 =	sld [smem:$0x3FC8]  }
0x92: {  	s4 =	sld [smem:$0x3FC7]  }
0x93: {  	s5 =	sld [smem:$0x3FD0];
	(tm) =	ssettm $0x1  }
0x94: {  	s6 =	sld [smem:$0x3FFB];
	_ =	sdelay $0x3  }
0x95: {  	_ =	strace s6  }
0x96: {  	s6 =	sld [smem:$0x3FFC];
	_ =	sdelay $0x3  }
0x97: {  	_ =	strace s6  }
0x98: {  	s6 =	sld [smem:$0x3FFD];
	_ =	sdelay $0x3  }
0x99: {  	_ =	strace s6  }
0x9a: {  	_ =	strace $0x8FFFFFFF  }
0x9b: {  	s20 =	sld [smem:$0x3FDB];
	_ =	sdelay $0x1  }
0x9c: {  	s7 =	simm.s32 $_scs_section_size  }
0x9d: {  	s8 =	simm.s32 $_size__tile_overlayer_lowered;
	s9 =	simm.s32 $_tile_overlayer_lowered  }
0x9e: {  	s23 =	simm.s32 $0x1BFF;
	s22 =	sshll.u32 s9, $0x1;
	s6 =	sadd.s32 s7, s20  }
0x9f: {  	s10 =	simm.s32 $0x0;
	s21 =	sshll.u32 s8, $0x1;
	s8 =	sadd.s32 s22, s6  }
0xa0: {  	[timem:s10], [sflag:s23] =	dma.local [hbm:s8], s21  }
0xa1: {  	_ =	swait.ge [sflag:s23], s21  }
0xa2: {  	s7 =	ssub.s32 $0x0, s21;
	[sflag:s23] =	ssyncset.done $0x0  }
0xa3: {  	[sflag:s23] =	ssyncadd.s32 s7;
	_ =	sdelay $0x1  }
0xa4: {  	s24 =	simm.s32 $0x1B8B  }
0xa5: {  	_ =	swait.ge [sflag:s24], $0x1  }
0xa6: {  	[sflag:s24] =	ssyncset.done $0x0  }
0xa7: {  	s25 =	simm.s32 $0x1B8E;
	[sflag:s24] =	ssyncadd.s32 $0xFFFFFFFF  }
0xa8: {  	s26 =	simm.s32 $execute0_lowered;
	[smem:$0x3FD2] =	sst s25  }
0xa9: {  	s7 =	sshll.u32 s26, $0x1;
	_ =	strace $0x80000046;
	[dreg:$0x1] =	wrdreg $0xFFFFFFFF  }
0xaa: {  	s28 =	simm.s32 $_size_execute0_lowered;
	s6 =	sadd.s32 s6, s7;
	[dreg:$0x0] =	wrdreg $0x0  }
0xab: {  	s7 =	sshll.u32 s28, $0x1;
	[dreg:$0x2] =	wrdreg s6  }
0xac: {  	[dreg:$0x3] =	wrdreg s7  }
0xad: {  	[dreg:$0x4] =	wrdreg $0xC0  }
0xae: {  	_ =	task [dreg:s10], $0x5FFFF  }
0xaf: {  	[dreg:$0x1] =	wrdreg $0xFFFFFFFF  }
0xb0: {  	[dreg:$0x0] =	wrdreg $0x60  }
0xb1: {  	[dreg:$0x2] =	wrdreg s2  }
0xb2: {  	[dreg:$0x3] =	wrdreg s19  }
0xb3: {  	[dreg:$0x4] =	wrdreg s4  }
0xb4: {  	[dreg:$0x5] =	wrdreg s5  }
0xb5: {  	[dreg:$0x6] =	wrdreg $0x9  }
0xb6: {  	_ =	task.clear_ibuf [dreg:s10], $0x7FFFF;
	_ =	strace $0x90000046  }
0xb7: {  	s29 =	simm.s32 $0x9;
	_ =	strace $0x80000048  }
0xb8: {  	_ =	swait.ge [sflag:s29], $0x1  }
0xb9: {  	[sflag:s29] =	ssyncadd.s32 $0xFFFFFFFF  }
0xba: {  	_ =	strace $0x90000048  }
0xbb: {  	_ =	sfence  }
0xbc: {  	s30 =	sld [smem:$0x0];
	_ =	sdelay $0x2  }
0xbd: {  	s31 =	sshll.u32 s1, $0xD;
	s1 =	sshrl.u32 s1, $0x2  }
0xbe: {  	s3 =	sand.u32 $0x4000, s31;
	s1 =	sadd.s32 s1, s30  }
0xbf: {  	s0 =	sor.u32 s3, s0;
	s1 =	sshll.u32 s1, $0x11  }
0xc0: {  	s0 =	sor.u32 s1, s0  }
0xc1: {  	s0 =	sadd.s32 $0x8F2B, s0  }
0xc2: {  	[sflag:s0] =	ssyncadd.remote.s32 $0x1  }
0xc3: {  	_ =	sfence.sel $0xFFFF  }
0xc4: {  	[dreg:$0x0] =	wrdreg $0xFFFFFFFF;
	(pc) =	sbr.abs _section_cstart, $3  }
0xc5: {  	[dreg:$0x1] =	wrdreg $0xFFFFFFFF  }
0xc6: {  	_ =	task.clear_ibuf [dreg:s10], $0x2FFFF;
	_ =	strace $0x9FFFFFFF  }
0xc7: {  	(tm) =	ssettm $0x7FFFFFFF  }
tec
execute0_lowered:
.L_overlay_start_1:
0x0: {  	(tag) =	ssettag $0x1  }
0x1: {  	s1 =	rddreg [dreg:$0x0]  }
0x2: {  	s0 =	rddreg [dreg:$0x1]  }
0x3: {  	s2 =	rddreg [dreg:$0x2]  }
0x4: {  	s4 =	rddreg [dreg:$0x3]  }
0x5: {  	s3 =	srdreg.scid;
	s6 =	stileid.u32  }
0x6: {  	s5 =	sand.u32 $0x1, s3;
	s3 =	simm.s32 $0x0;
	s6 =	sshll.u32 s6, $0x7  }
0x7: {  	s7 =	sshll.u32 s5, $0x6;
	[smem:$0x7FF] =	sst s3;
	s5 =	ssub.s32 $0x2, s5  }
0x8: {  	s6 =	sor.u32 s7, s6;
	_ =	strace $0x80000047;
	s9 =	sshrl.u32 s5, $0x1  }
0x9: {  	s8 =	sshll.u32 s6, $0x2;
	s6 =	sshll.u32 s6, $0x7;
	s5 =	ssub.s32 s5, s9  }
0xa: {  	s10 =	sand.u32 $0x1E00, s8;
	s22 =	sadd.s32 s2, s6;
	s13 =	sor.u32 $0x800, s6  }
0xb: {  	s21 =	smax.u32 s5, $0x1;
	[dreg:$0x5] =	wrdreg s22;
	s23 =	sor.u32 s7, s10  }
0xc: {  	s7 =	sor.u32 s7, s8;
	s24 =	sadd.s32 s2, s13;
	[dreg:$0x17] =	wrdreg s21  }
0xd: {  	s16 =	sadd.s32 s4, s13;
	s9 =	sshrl.u32 s23, $0x3;
	[dreg:$0x6] =	wrdreg s24  }
0xe: {  	s7 =	sshrl.u32 s7, $0x3;
	[dreg:$0x10] =	wrdreg s16;
	s25 =	sadd.s32 s0, s9  }
0xf: {  	s9 =	sor.u32 $0x1000, s6;
	[dreg:$0x7] =	wrdreg s25;
	s8 =	sadd.s32 $0x10, s25  }
0x10: {  	s26 =	sor.u32 $0x20, s7;
	s14 =	sadd.s32 s2, s9;
	[dreg:$0x8] =	wrdreg s8  }
0x11: {  	s7 =	sor.u32 $0x30, s7;
	s8 =	sadd.s32 s0, s26;
	[dreg:$0xe] =	wrdreg s14  }
0x12: {  	s0 =	sadd.s32 s0, s7;
	[dreg:$0x9] =	wrdreg s8  }
0x13: {  	s7 =	sadd.s32 s4, s6;
	[dreg:$0xa] =	wrdreg s0  }
0x14: {  	s30 =	sadd.s32 $0x40000, s7;
	[dreg:$0xb] =	wrdreg s7  }
0x15: {  	s8 =	sadd.s32 $0x80000, s7;
	[dreg:$0xc] =	wrdreg s30  }
0x16: {  	s15 =	sadd.s32 $0xC0000, s7;
	[dreg:$0xd] =	wrdreg s8  }
0x17: {  	s17 =	sadd.s32 $0x40800, s7;
	[dreg:$0xf] =	wrdreg s15  }
0x18: {  	s6 =	sor.u32 $0x1800, s6;
	s18 =	sadd.s32 $0x80800, s7;
	[dreg:$0x11] =	wrdreg s17  }
0x19: {  	s29 =	simm.s32 $0x10200;
	s2 =	sadd.s32 s2, s6;
	[dreg:$0x12] =	wrdreg s18  }
0x1a: {  	s31 =	simm.s32 $0x8;
	s0 =	sadd.s32 s4, s9;
	[dreg:$0x13] =	wrdreg s2  }
0x1b: {  	s28 =	simm.s32 $0x0;
	s19 =	sadd.s32 s4, s6;
	[dreg:$0x14] =	wrdreg s0  }
0x1c: {  	s11 =	sadd.s32 $0x200, s1;
	s20 =	sadd.s32 $0xC0800, s7;
	[dreg:$0x15] =	wrdreg s19  }
0x1d: {  	s12 =	sadd.s32 $0x300, s1;
	s22 =	sadd.s32 $0x41000, s7;
	[dreg:$0x16] =	wrdreg s20  }
0x1e: {  	s5 =	simm.s32 $0x3;
	s23 =	sadd.s32 $0x81000, s7;
	[dreg:$0x18] =	wrdreg s22  }
0x1f: {  	s10 =	sadd.s32 $0x100, s1;
	s24 =	sadd.s32 $0xC1000, s7;
	[dreg:$0x19] =	wrdreg s23  }
0x20: {  	s13 =	simm.s32 $0x18200;
	s25 =	sadd.s32 $0x41800, s7;
	[dreg:$0x1a] =	wrdreg s24  }
0x21: {  	s21 =	simm.s32 $0xA;
	s26 =	sadd.s32 $0x81800, s7;
	[dreg:$0x1b] =	wrdreg s25  }
0x22: {  	s9 =	simm.s32 $0x8200;
	s6 =	simm.s32 $0x1;
	[dreg:$0x1c] =	wrdreg s26  }
0x23: {  	s30 =	sadd.s32 $0xC1800, s7;
	s7 =	simm.s32 $0x4;
	s8 =	simm.s32 $0x5  }
0x24: {  	v2 =	vlaneseq.u32;
	s2 =	simm.s32 $0x6;
	s20 =	simm.s32 $0xC200;
	s23 =	simm.s32 $0x14200  }
0x25: {  	vm0 =	vmmov $0xffff;
	v1 =	vshrl.u32 v2, $0x3;
	s0 =	simm.s32 $0x9;
	s22 =	simm.s32 $0x7;
	s24 =	simm.s32 $0x2  }
0x26: {  	v0 =	vand.u32 $0x7, v2;
	v2 =	vor.u32 $0x8, v2;
	v1 =	vmul.u32 $0x8, v1;
	s25 =	simm.s32 $0xB;
	s26 =	simm.s32 $0xC;
	[dreg:$0x1d] =	wrdreg s30  }
.LBB2_1:
0x27: {  	s4 =	rddreg [dreg:$0x5];
	s14 =	simm.s32 $0x200  }
0x28: {  	[tilespmem:s14], [sflag:$0x1] =	stream.linear.gather [hbm4b:s4+s3], $0x4000, $0x38;
	[tilespmem:$0x1C200] =	vst v63  }
0x29: {  	s17 =	rddreg [dreg:$0x6];
	s18 =	simm.s32 $0x4200  }
0x2a: {  	[tilespmem:s18], [sflag:$0x2] =	stream.linear.gather [hbm4b:s17+s3], $0x4000, $0x38;
	[tilespmem:$0x1C200] =	vst v63  }
0x2b: {  	s19 =	rddreg [dreg:$0x7]  }
0x2c: {  	[tilespmem:s3], [sflag:$0x3] =	stream.linear.gather [hbm4b:s19+s3], $0x40, $0x38;
	[tilespmem:$0x1C200] =	vst v63  }
0x2d: {  	s15 =	simm.s32 $0x80;
	s14 =	rddreg [dreg:$0x8]  }
0x2e: {  	[tilespmem:s15], [sflag:$0x4] =	stream.linear.gather [hbm4b:s14+s3], $0x40, $0x38;
	[tilespmem:$0x1C200] =	vst v63  }
0x2f: {  	s16 =	rddreg [dreg:$0x9];
	s17 =	simm.s32 $0x100  }
0x30: {  	[tilespmem:s17], [sflag:$0x5] =	stream.linear.gather [hbm4b:s16+s3], $0x40, $0x38;
	[tilespmem:$0x1C200] =	vst v63  }
0x31: {  	s18 =	rddreg [dreg:$0xa];
	s19 =	simm.s32 $0x180  }
0x32: {  	[tilespmem:s19], [sflag:$0x6] =	stream.linear.gather [hbm4b:s18+s3], $0x40, $0x38;
	[tilespmem:$0x1C200] =	vst v63  }
0x33: {  	_ =	swait.ge [sflag:s5], $0x40  }
0x34: {  	[sflag:s5] =	ssyncset.done $0x0  }
0x35: {  	[sflag:s5] =	ssyncadd.s32 $0xFFFFFFC0  }
0x36: {  	_ =	swait.ge [sflag:s7], $0x40  }
0x37: {  	[sflag:s7] =	ssyncset.done $0x0  }
0x38: {  	[sflag:s7] =	ssyncadd.s32 $0xFFFFFFC0  }
0x39: {  	_ =	swait.ge [sflag:s8], $0x40  }
0x3a: {  	[sflag:s8] =	ssyncset.done $0x0  }
0x3b: {  	[sflag:s8] =	ssyncadd.s32 $0xFFFFFFC0  }
0x3c: {  	_ =	swait.ge [sflag:s2], $0x40  }
0x3d: {  	[sflag:s2] =	ssyncset.done $0x0  }
0x3e: {  	[sflag:s2] =	ssyncadd.s32 $0xFFFFFFC0  }
0x3f: {  	v3 =	vld [tilespmem:$0x0];
	_ =	sdelay $0x4  }
0x40: {  	v4 =	vshll.u32 v3, $0x3  }
0x41: {  	v3 =	vand.u32 $0x7, v3;
	v4 =	vand.u32 $0xFFFFFFC0, v4  }
0x42: {  	v3 =	vor.u32 v3, v4  }
0x43: {  	v4 =	vperm.xlane v3, v0;
	_ =	sdelay $0x1  }
0x44: {  	v4 =	vadd.s32 v1, v4;
	_ =	sdelay $0x4  }
0x45: {  	[tilespmem:s9], [sflag:$0x3] =	stream.indirect_vreg.gather [hbm4b:s1+s3], $0x80, v4, vm0, $0xb8;
	[tilespmem:$0x1C200] =	vst v63  }
0x46: {  	s14 =	simm.s32 $0x8A00;
	v3 =	vperm.xlane v3, v2  }
0x47: {  	[tilespmem:s14], [sflag:$0x3] =	stream.indirect_vreg.gather [hbm4b:s10+s3], $0x80, v4, vm0, $0xb8;
	[tilespmem:$0x1C200] =	vst v63  }
0x48: {  	s15 =	simm.s32 $0x9200;
	v3 =	vadd.s32 v1, v3  }
0x49: {  	[tilespmem:s15], [sflag:$0x3] =	stream.indirect_vreg.gather [hbm4b:s11+s3], $0x80, v4, vm0, $0xb8;
	[tilespmem:$0x1C200] =	vst v63  }
0x4a: {  	s16 =	simm.s32 $0x9A00  }
0x4b: {  	[tilespmem:s16], [sflag:$0x3] =	stream.indirect_vreg.gather [hbm4b:s12+s3], $0x80, v4, vm0, $0xb8;
	[tilespmem:$0x1C200] =	vst v63  }
0x4c: {  	s17 =	simm.s32 $0xA200  }
0x4d: {  	[tilespmem:s17], [sflag:$0x3] =	stream.indirect_vreg.gather [hbm4b:s1+s3], $0x80, v3, vm0, $0xb8;
	[tilespmem:$0x1C200] =	vst v63  }
0x4e: {  	s18 =	simm.s32 $0xAA00  }
0x4f: {  	[tilespmem:s18], [sflag:$0x3] =	stream.indirect_vreg.gather [hbm4b:s10+s3], $0x80, v3, vm0, $0xb8;
	[tilespmem:$0x1C200] =	vst v63  }
0x50: {  	s19 =	simm.s32 $0xB200  }
0x51: {  	[tilespmem:s19], [sflag:$0x3] =	stream.indirect_vreg.gather [hbm4b:s11+s3], $0x80, v3, vm0, $0xb8;
	[tilespmem:$0x1C200] =	vst v63  }
0x52: {  	s14 =	simm.s32 $0xBA00  }
0x53: {  	[tilespmem:s14], [sflag:$0x3] =	stream.indirect_vreg.gather [hbm4b:s12+s3], $0x80, v3, vm0, $0xb8;
	[tilespmem:$0x1C200] =	vst v63  }
0x54: {  	v3 =	vld [tilespmem:$0x80];
	_ =	sdelay $0x4  }
0x55: {  	v4 =	vshll.u32 v3, $0x3  }
0x56: {  	v3 =	vand.u32 $0x7, v3;
	v4 =	vand.u32 $0xFFFFFFC0, v4  }
0x57: {  	v3 =	vor.u32 v3, v4  }
0x58: {  	v4 =	vperm.xlane v3, v0;
	_ =	sdelay $0x1  }
0x59: {  	v4 =	vadd.s32 v1, v4;
	_ =	sdelay $0x4  }
0x5a: {  	[tilespmem:s20], [sflag:$0x4] =	stream.indirect_vreg.gather [hbm4b:s1+s3], $0x80, v4, vm0, $0xb8;
	[tilespmem:$0x1C200] =	vst v63  }
0x5b: {  	s15 =	simm.s32 $0xCA00;
	v3 =	vperm.xlane v3, v2  }
0x5c: {  	[tilespmem:s15], [sflag:$0x4] =	stream.indirect_vreg.gather [hbm4b:s10+s3], $0x80, v4, vm0, $0xb8;
	[tilespmem:$0x1C200] =	vst v63  }
0x5d: {  	s16 =	simm.s32 $0xD200;
	v3 =	vadd.s32 v1, v3  }
0x5e: {  	[tilespmem:s16], [sflag:$0x4] =	stream.indirect_vreg.gather [hbm4b:s11+s3], $0x80, v4, vm0, $0xb8;
	[tilespmem:$0x1C200] =	vst v63  }
0x5f: {  	s17 =	simm.s32 $0xDA00  }
0x60: {  	[tilespmem:s17], [sflag:$0x4] =	stream.indirect_vreg.gather [hbm4b:s12+s3], $0x80, v4, vm0, $0xb8;
	[tilespmem:$0x1C200] =	vst v63  }
0x61: {  	s18 =	simm.s32 $0xE200  }
0x62: {  	[tilespmem:s18], [sflag:$0x4] =	stream.indirect_vreg.gather [hbm4b:s1+s3], $0x80, v3, vm0, $0xb8;
	[tilespmem:$0x1C200] =	vst v63  }
0x63: {  	s19 =	simm.s32 $0xEA00  }
0x64: {  	[tilespmem:s19], [sflag:$0x4] =	stream.indirect_vreg.gather [hbm4b:s10+s3], $0x80, v3, vm0, $0xb8;
	[tilespmem:$0x1C200] =	vst v63  }
0x65: {  	s14 =	simm.s32 $0xF200  }
0x66: {  	[tilespmem:s14], [sflag:$0x4] =	stream.indirect_vreg.gather [hbm4b:s11+s3], $0x80, v3, vm0, $0xb8;
	[tilespmem:$0x1C200] =	vst v63  }
0x67: {  	s15 =	simm.s32 $0xFA00  }
0x68: {  	[tilespmem:s15], [sflag:$0x4] =	stream.indirect_vreg.gather [hbm4b:s12+s3], $0x80, v3, vm0, $0xb8;
	[tilespmem:$0x1C200] =	vst v63  }
0x69: {  	v3 =	vld [tilespmem:$0x100];
	_ =	sdelay $0x4  }
0x6a: {  	v4 =	vshll.u32 v3, $0x3  }
0x6b: {  	v3 =	vand.u32 $0x7, v3;
	v4 =	vand.u32 $0xFFFFFFC0, v4  }
0x6c: {  	v3 =	vor.u32 v3, v4  }
0x6d: {  	v4 =	vperm.xlane v3, v0;
	_ =	sdelay $0x1  }
0x6e: {  	v4 =	vadd.s32 v1, v4;
	_ =	sdelay $0x4  }
0x6f: {  	[tilespmem:s29], [sflag:$0x5] =	stream.indirect_vreg.gather [hbm4b:s1+s3], $0x80, v4, vm0, $0xb8;
	[tilespmem:$0x1C200] =	vst v63  }
0x70: {  	s16 =	simm.s32 $0x10A00;
	v3 =	vperm.xlane v3, v2  }
0x71: {  	[tilespmem:s16], [sflag:$0x5] =	stream.indirect_vreg.gather [hbm4b:s10+s3], $0x80, v4, vm0, $0xb8;
	[tilespmem:$0x1C200] =	vst v63  }
0x72: {  	s17 =	simm.s32 $0x11200;
	v3 =	vadd.s32 v1, v3  }
0x73: {  	[tilespmem:s17], [sflag:$0x5] =	stream.indirect_vreg.gather [hbm4b:s11+s3], $0x80, v4, vm0, $0xb8;
	[tilespmem:$0x1C200] =	vst v63  }
0x74: {  	s18 =	simm.s32 $0x11A00  }
0x75: {  	[tilespmem:s18], [sflag:$0x5] =	stream.indirect_vreg.gather [hbm4b:s12+s3], $0x80, v4, vm0, $0xb8;
	[tilespmem:$0x1C200] =	vst v63  }
0x76: {  	s19 =	simm.s32 $0x12200  }
0x77: {  	[tilespmem:s19], [sflag:$0x5] =	stream.indirect_vreg.gather [hbm4b:s1+s3], $0x80, v3, vm0, $0xb8;
	[tilespmem:$0x1C200] =	vst v63  }
0x78: {  	s14 =	simm.s32 $0x12A00  }
0x79: {  	[tilespmem:s14], [sflag:$0x5] =	stream.indirect_vreg.gather [hbm4b:s10+s3], $0x80, v3, vm0, $0xb8;
	[tilespmem:$0x1C200] =	vst v63  }
0x7a: {  	s15 =	simm.s32 $0x13200  }
0x7b: {  	[tilespmem:s15], [sflag:$0x5] =	stream.indirect_vreg.gather [hbm4b:s11+s3], $0x80, v3, vm0, $0xb8;
	[tilespmem:$0x1C200] =	vst v63  }
0x7c: {  	s16 =	simm.s32 $0x13A00  }
0x7d: {  	[tilespmem:s16], [sflag:$0x5] =	stream.indirect_vreg.gather [hbm4b:s12+s3], $0x80, v3, vm0, $0xb8;
	[tilespmem:$0x1C200] =	vst v63  }
0x7e: {  	v3 =	vld [tilespmem:$0x180];
	_ =	sdelay $0x4  }
0x7f: {  	v4 =	vshll.u32 v3, $0x3  }
0x80: {  	v3 =	vand.u32 $0x7, v3;
	v4 =	vand.u32 $0xFFFFFFC0, v4  }
0x81: {  	v3 =	vor.u32 v3, v4  }
0x82: {  	v4 =	vperm.xlane v3, v0;
	_ =	sdelay $0x1  }
0x83: {  	v4 =	vadd.s32 v1, v4;
	_ =	sdelay $0x4  }
0x84: {  	[tilespmem:s23], [sflag:$0x6] =	stream.indirect_vreg.gather [hbm4b:s1+s3], $0x80, v4, vm0, $0xb8;
	[tilespmem:$0x1C200] =	vst v63  }
0x85: {  	s17 =	simm.s32 $0x14A00;
	v3 =	vperm.xlane v3, v2  }
0x86: {  	[tilespmem:s17], [sflag:$0x6] =	stream.indirect_vreg.gather [hbm4b:s10+s3], $0x80, v4, vm0, $0xb8;
	[tilespmem:$0x1C200] =	vst v63  }
0x87: {  	s18 =	simm.s32 $0x15200;
	v3 =	vadd.s32 v1, v3  }
0x88: {  	[tilespmem:s18], [sflag:$0x6] =	stream.indirect_vreg.gather [hbm4b:s11+s3], $0x80, v4, vm0, $0xb8;
	[tilespmem:$0x1C200] =	vst v63  }
0x89: {  	s19 =	simm.s32 $0x15A00  }
0x8a: {  	[tilespmem:s19], [sflag:$0x6] =	stream.indirect_vreg.gather [hbm4b:s12+s3], $0x80, v4, vm0, $0xb8;
	[tilespmem:$0x1C200] =	vst v63  }
0x8b: {  	s14 =	simm.s32 $0x16200  }
0x8c: {  	[tilespmem:s14], [sflag:$0x6] =	stream.indirect_vreg.gather [hbm4b:s1+s3], $0x80, v3, vm0, $0xb8;
	[tilespmem:$0x1C200] =	vst v63  }
0x8d: {  	s15 =	simm.s32 $0x16A00  }
0x8e: {  	[tilespmem:s15], [sflag:$0x6] =	stream.indirect_vreg.gather [hbm4b:s10+s3], $0x80, v3, vm0, $0xb8;
	[tilespmem:$0x1C200] =	vst v63  }
0x8f: {  	s16 =	simm.s32 $0x17200  }
0x90: {  	[tilespmem:s16], [sflag:$0x6] =	stream.indirect_vreg.gather [hbm4b:s11+s3], $0x80, v3, vm0, $0xb8;
	[tilespmem:$0x1C200] =	vst v63  }
0x91: {  	s17 =	simm.s32 $0x17A00  }
0x92: {  	[tilespmem:s17], [sflag:$0x6] =	stream.indirect_vreg.gather [hbm4b:s12+s3], $0x80, v3, vm0, $0xb8;
	[tilespmem:$0x1C200] =	vst v63  }
0x93: {  	s18 =	simm.s32 $0x0;
	_ =	swait.ge [sflag:s5], $0x4000  }
0x94: {  	s4 =	sand.u32 $0x2000, s18;
	[sflag:s5] =	ssyncset.done $0x0  }
0x95: {  	s19 =	sand.u32 $0x1C00, s3;
	s15 =	simm.s32 $0x0;
	[sflag:s5] =	ssyncadd.s32 $0xFFFFC000  }
0x96: {  	s4 =	sor.u32 s19, s4;
	s15 =	sand.u32 $0x380, s15;
	_ =	swait.ge [sflag:s6], $0x4000  }
0x97: {  	s16 =	sand.u32 $0x40, s3;
	s4 =	sor.u32 s15, s4;
	[sflag:s6] =	ssyncset.done $0x0  }
0x98: {  	s4 =	sor.u32 s16, s4;
	[sflag:s6] =	ssyncadd.s32 $0xFFFFC000  }
0x99: {  	v4 =	vld [tilespmem:s4+$0x230]  }
0x9a: {  	v5 =	vld [tilespmem:s4+$0x200]  }
0x9b: {  	v6 =	vld [tilespmem:s4+$0x210]  }
0x9c: {  	s30 =	simm.s32 $0x200;
	s17 =	simm.s32 $0x40  }
0x9d: {  	s18 =	sand.u32 $0x1C00, s30;
	s16 =	simm.s32 $0x8;
	s14 =	sand.u32 $0x2000, s17;
	v3 =	vld [tilespmem:s4+$0x220]  }
0x9e: {  	s15 =	simm.s32 $0x40;
	s16 =	sand.u32 $0x380, s16;
	s14 =	sor.u32 s18, s14;
	[tilespmem:s4+$0x8230] =	vst.add.f32.msk $0xffff, v4  }
0x9f: {  	s19 =	sand.u32 $0x40, s15;
	s14 =	sor.u32 s16, s14;
	[tilespmem:s4+$0x8200] =	vst.add.f32.msk $0xffff, v5  }
0xa0: {  	s14 =	sor.u32 s19, s14;
	[tilespmem:s4+$0x8210] =	vst.add.f32.msk $0xffff, v6  }
0xa1: {  	v5 =	vld [tilespmem:s14+$0x230]  }
0xa2: {  	s16 =	simm.s32 $0x4;
	v4 =	vld [tilespmem:s14+$0x200]  }
.LBB2_2:
0xa3: {  	s16 =	sadd.s32 $0x4, s16;
	v6 =	vld [tilespmem:s14+$0x210];
	s30 =	sadd.s32 $0x200, s30  }
0xa4: {  	s15 =	sadd.s32 $0x40, s15;
	s17 =	sshll.u32 s16, $0x4;
	p0 =	slt.u32 s16, $0x3FC;
	v7 =	vld [tilespmem:s14+$0x220]  }
0xa5: {  	s18 =	sand.u32 $0x1C00, s30;
	s19 =	sshll.u32 s16, $0x1;
	s17 =	sand.u32 $0x2000, s17;
	[tilespmem:s4+$0x8220] =	vst.add.f32.msk $0xffff, v3  }
.Ltmp0:
0xa6: {  	s4 =	sor.u32 s18, s17;
	s17 =	sand.u32 $0x380, s19;
	[tilespmem:s14+$0x8230] =	vst.add.f32.msk $0xffff, v5;
	(pc) =	sbr.rel @p0 .LBB2_2-.Ltmp0, $4  }
0xa7: {  	s18 =	sand.u32 $0x40, s15;
	s17 =	sor.u32 s17, s4;
	[tilespmem:s14+$0x8200] =	vst.add.f32.msk $0xffff, v4;
	s4 =	smov.u32 s14  }
0xa8: {  	s14 =	sor.u32 s18, s17;
	[tilespmem:s4+$0x8210] =	vst.add.f32.msk $0xffff, v6  }
0xa9: {  	v5 =	vld [tilespmem:s14+$0x230];
	v3 =	vmov v7  }
0xaa: {  	v4 =	vld [tilespmem:s14+$0x200]  }
0xab: {  	v6 =	vld [tilespmem:s14+$0x210]  }
0xac: {  	v7 =	vld [tilespmem:s14+$0x220]  }
0xad: {  	[tilespmem:s4+$0x8220] =	vst.add.f32.msk $0xffff, v3  }
0xae: {  	[tilespmem:s14+$0x8230] =	vst.add.f32.msk $0xffff, v5  }
0xaf: {  	[tilespmem:s14+$0x8200] =	vst.add.f32.msk $0xffff, v4  }
0xb0: {  	[tilespmem:s14+$0x8210] =	vst.add.f32.msk $0xffff, v6  }
0xb1: {  	[tilespmem:s14+$0x8220] =	vst.add.f32.msk $0xffff, v7  }
0xb2: {  	s4 =	simm.s32 $0x0;
	s14 =	rddreg [dreg:$0xb]  }
0xb3: {  	[hbm4b:s14+s4] =	stream.linear.scatter [tilespmem:s9], [sflag:$0x8], $0x4000, $0x38;
	[tilespmem:$0x1C200] =	vst v63  }
0xb4: {  	v3 =	vld [tilespmem:$0x10];
	_ =	sdelay $0x4  }
0xb5: {  	v4 =	vshll.u32 v3, $0x3  }
0xb6: {  	v3 =	vand.u32 $0x7, v3;
	v4 =	vand.u32 $0xFFFFFFC0, v4  }
0xb7: {  	v3 =	vor.u32 v3, v4  }
0xb8: {  	v4 =	vperm.xlane v3, v0;
	_ =	sdelay $0x1  }
0xb9: {  	v4 =	vadd.s32 v1, v4;
	_ =	sdelay $0x4  }
0xba: {  	[tilespmem:s13], [sflag:$0x7] =	stream.indirect_vreg.gather [hbm4b:s1+s4], $0x80, v4, vm0, $0xb8;
	[tilespmem:$0x1C200] =	vst v63  }
0xbb: {  	s18 =	simm.s32 $0x18A00;
	v3 =	vperm.xlane v3, v2  }
0xbc: {  	[tilespmem:s18], [sflag:$0x7] =	stream.indirect_vreg.gather [hbm4b:s10+s4], $0x80, v4, vm0, $0xb8;
	[tilespmem:$0x1C200] =	vst v63  }
0xbd: {  	s19 =	simm.s32 $0x19200;
	v3 =	vadd.s32 v1, v3  }
0xbe: {  	[tilespmem:s19], [sflag:$0x7] =	stream.indirect_vreg.gather [hbm4b:s11+s4], $0x80, v4, vm0, $0xb8;
	[tilespmem:$0x1C200] =	vst v63  }
0xbf: {  	s15 =	simm.s32 $0x19A00  }
0xc0: {  	[tilespmem:s15], [sflag:$0x7] =	stream.indirect_vreg.gather [hbm4b:s12+s4], $0x80, v4, vm0, $0xb8;
	[tilespmem:$0x1C200] =	vst v63  }
0xc1: {  	s16 =	simm.s32 $0x1A200  }
0xc2: {  	[tilespmem:s16], [sflag:$0x7] =	stream.indirect_vreg.gather [hbm4b:s1+s4], $0x80, v3, vm0, $0xb8;
	[tilespmem:$0x1C200] =	vst v63  }
0xc3: {  	s17 =	simm.s32 $0x1AA00  }
0xc4: {  	[tilespmem:s17], [sflag:$0x7] =	stream.indirect_vreg.gather [hbm4b:s10+s4], $0x80, v3, vm0, $0xb8;
	[tilespmem:$0x1C200] =	vst v63  }
0xc5: {  	s18 =	simm.s32 $0x1B200;
	s19 =	simm.s32 $0x1BA00;
	s15 =	simm.s32 $0x0  }
0xc6: {  	[tilespmem:s18], [sflag:$0x7] =	stream.indirect_vreg.gather [hbm4b:s11+s4], $0x80, v3, vm0, $0xb8;
	[tilespmem:$0x1C200] =	vst v63  }
0xc7: {  	s14 =	sand.u32 $0x2000, s15;
	s15 =	sand.u32 $0x1C00, s4;
	s16 =	simm.s32 $0x0  }
0xc8: {  	[tilespmem:s19], [sflag:$0x7] =	stream.indirect_vreg.gather [hbm4b:s12+s4], $0x80, v3, vm0, $0xb8;
	[tilespmem:$0x1C200] =	vst v63  }
0xc9: {  	s14 =	sor.u32 s15, s14;
	s16 =	sand.u32 $0x380, s16;
	_ =	swait.ge [sflag:s7], $0x4000  }
0xca: {  	s14 =	sor.u32 s16, s14;
	s4 =	sand.u32 $0x40, s4;
	[sflag:s7] =	ssyncset.done $0x0  }
0xcb: {  	s4 =	sor.u32 s4, s14;
	[sflag:s7] =	ssyncadd.s32 $0xFFFFC000  }
0xcc: {  	v4 =	vld [tilespmem:s4+$0x230]  }
0xcd: {  	v5 =	vld [tilespmem:s4+$0x200]  }
0xce: {  	v6 =	vld [tilespmem:s4+$0x210]  }
0xcf: {  	s30 =	simm.s32 $0x200;
	s17 =	simm.s32 $0x40  }
0xd0: {  	s18 =	sand.u32 $0x1C00, s30;
	s19 =	simm.s32 $0x8;
	s14 =	sand.u32 $0x2000, s17;
	v3 =	vld [tilespmem:s4+$0x220]  }
0xd1: {  	s15 =	simm.s32 $0x40;
	s16 =	sand.u32 $0x380, s19;
	s14 =	sor.u32 s18, s14;
	[tilespmem:s4+$0xC230] =	vst.add.f32.msk $0xffff, v4  }
0xd2: {  	s17 =	sand.u32 $0x40, s15;
	s14 =	sor.u32 s16, s14;
	[tilespmem:s4+$0xC200] =	vst.add.f32.msk $0xffff, v5  }
0xd3: {  	s14 =	sor.u32 s17, s14;
	[tilespmem:s4+$0xC210] =	vst.add.f32.msk $0xffff, v6  }
0xd4: {  	v5 =	vld [tilespmem:s14+$0x230]  }
0xd5: {  	s16 =	simm.s32 $0x4;
	v4 =	vld [tilespmem:s14+$0x200]  }
.LBB2_4:
0xd6: {  	s16 =	sadd.s32 $0x4, s16;
	v6 =	vld [tilespmem:s14+$0x210];
	s30 =	sadd.s32 $0x200, s30  }
0xd7: {  	s15 =	sadd.s32 $0x40, s15;
	s17 =	sshll.u32 s16, $0x4;
	p0 =	slt.u32 s16, $0x3FC;
	v7 =	vld [tilespmem:s14+$0x220]  }
0xd8: {  	s18 =	sand.u32 $0x1C00, s30;
	s19 =	sshll.u32 s16, $0x1;
	s17 =	sand.u32 $0x2000, s17;
	[tilespmem:s4+$0xC220] =	vst.add.f32.msk $0xffff, v3  }
.Ltmp1:
0xd9: {  	s4 =	sor.u32 s18, s17;
	s17 =	sand.u32 $0x380, s19;
	[tilespmem:s14+$0xC230] =	vst.add.f32.msk $0xffff, v5;
	(pc) =	sbr.rel @p0 .LBB2_4-.Ltmp1, $4  }
0xda: {  	s18 =	sand.u32 $0x40, s15;
	s17 =	sor.u32 s17, s4;
	[tilespmem:s14+$0xC200] =	vst.add.f32.msk $0xffff, v4;
	s4 =	smov.u32 s14  }
0xdb: {  	s14 =	sor.u32 s18, s17;
	[tilespmem:s4+$0xC210] =	vst.add.f32.msk $0xffff, v6  }
0xdc: {  	v5 =	vld [tilespmem:s14+$0x230];
	v3 =	vmov v7  }
0xdd: {  	v4 =	vld [tilespmem:s14+$0x200]  }
0xde: {  	v6 =	vld [tilespmem:s14+$0x210]  }
0xdf: {  	v7 =	vld [tilespmem:s14+$0x220]  }
0xe0: {  	[tilespmem:s4+$0xC220] =	vst.add.f32.msk $0xffff, v3  }
0xe1: {  	[tilespmem:s14+$0xC230] =	vst.add.f32.msk $0xffff, v5  }
0xe2: {  	[tilespmem:s14+$0xC200] =	vst.add.f32.msk $0xffff, v4  }
0xe3: {  	[tilespmem:s14+$0xC210] =	vst.add.f32.msk $0xffff, v6  }
0xe4: {  	[tilespmem:s14+$0xC220] =	vst.add.f32.msk $0xffff, v7  }
0xe5: {  	s4 =	simm.s32 $0x0;
	s14 =	rddreg [dreg:$0xc]  }
0xe6: {  	[hbm4b:s14+s4] =	stream.linear.scatter [tilespmem:s20], [sflag:$0x9], $0x4000, $0x38;
	[tilespmem:$0x1C200] =	vst v63  }
0xe7: {  	_ =	swait.ge [sflag:s31], $0x4000  }
0xe8: {  	[sflag:s31] =	ssyncset.done $0x0  }
0xe9: {  	[sflag:s31] =	ssyncadd.s32 $0xFFFFC000  }
0xea: {  	v3 =	vld [tilespmem:$0x90];
	_ =	sdelay $0x4  }
0xeb: {  	v4 =	vshll.u32 v3, $0x3  }
0xec: {  	v3 =	vand.u32 $0x7, v3;
	v4 =	vand.u32 $0xFFFFFFC0, v4  }
0xed: {  	v3 =	vor.u32 v3, v4  }
0xee: {  	v4 =	vperm.xlane v3, v0;
	_ =	sdelay $0x1  }
0xef: {  	v4 =	vadd.s32 v1, v4;
	_ =	sdelay $0x4  }
0xf0: {  	[tilespmem:s9], [sflag:$0x3] =	stream.indirect_vreg.gather [hbm4b:s1+s4], $0x80, v4, vm0, $0xb8;
	[tilespmem:$0x1C200] =	vst v63  }
0xf1: {  	s18 =	simm.s32 $0x8A00;
	v3 =	vperm.xlane v3, v2  }
0xf2: {  	[tilespmem:s18], [sflag:$0x3] =	stream.indirect_vreg.gather [hbm4b:s10+s4], $0x80, v4, vm0, $0xb8;
	[tilespmem:$0x1C200] =	vst v63  }
0xf3: {  	s19 =	simm.s32 $0x9200;
	v3 =	vadd.s32 v1, v3  }
0xf4: {  	[tilespmem:s19], [sflag:$0x3] =	stream.indirect_vreg.gather [hbm4b:s11+s4], $0x80, v4, vm0, $0xb8;
	[tilespmem:$0x1C200] =	vst v63  }
0xf5: {  	s15 =	simm.s32 $0x9A00  }
0xf6: {  	[tilespmem:s15], [sflag:$0x3] =	stream.indirect_vreg.gather [hbm4b:s12+s4], $0x80, v4, vm0, $0xb8;
	[tilespmem:$0x1C200] =	vst v63  }
0xf7: {  	s16 =	simm.s32 $0xA200  }
0xf8: {  	[tilespmem:s16], [sflag:$0x3] =	stream.indirect_vreg.gather [hbm4b:s1+s4], $0x80, v3, vm0, $0xb8;
	[tilespmem:$0x1C200] =	vst v63  }
0xf9: {  	s17 =	simm.s32 $0xAA00  }
0xfa: {  	[tilespmem:s17], [sflag:$0x3] =	stream.indirect_vreg.gather [hbm4b:s10+s4], $0x80, v3, vm0, $0xb8;
	[tilespmem:$0x1C200] =	vst v63  }
0xfb: {  	s18 =	simm.s32 $0xB200;
	s19 =	simm.s32 $0xBA00;
	s15 =	simm.s32 $0x0  }
0xfc: {  	[tilespmem:s18], [sflag:$0x3] =	stream.indirect_vreg.gather [hbm4b:s11+s4], $0x80, v3, vm0, $0xb8;
	[tilespmem:$0x1C200] =	vst v63  }
0xfd: {  	s14 =	sand.u32 $0x2000, s15;
	s15 =	sand.u32 $0x1C00, s4;
	s16 =	simm.s32 $0x0  }
0xfe: {  	[tilespmem:s19], [sflag:$0x3] =	stream.indirect_vreg.gather [hbm4b:s12+s4], $0x80, v3, vm0, $0xb8;
	[tilespmem:$0x1C200] =	vst v63  }
0xff: {  	s14 =	sor.u32 s15, s14;
	s16 =	sand.u32 $0x380, s16;
	_ =	swait.ge [sflag:s8], $0x4000  }
0x100: {  	s14 =	sor.u32 s16, s14;
	s4 =	sand.u32 $0x40, s4;
	[sflag:s8] =	ssyncset.done $0x0  }
0x101: {  	s4 =	sor.u32 s4, s14;
	[sflag:s8] =	ssyncadd.s32 $0xFFFFC000  }
0x102: {  	v4 =	vld [tilespmem:s4+$0x230]  }
0x103: {  	v5 =	vld [tilespmem:s4+$0x200]  }
0x104: {  	v6 =	vld [tilespmem:s4+$0x210]  }
0x105: {  	s30 =	simm.s32 $0x200;
	s17 =	simm.s32 $0x40  }
0x106: {  	s18 =	sand.u32 $0x1C00, s30;
	s19 =	simm.s32 $0x8;
	s14 =	sand.u32 $0x2000, s17;
	v3 =	vld [tilespmem:s4+$0x220]  }
0x107: {  	s15 =	simm.s32 $0x40;
	s16 =	sand.u32 $0x380, s19;
	s14 =	sor.u32 s18, s14;
	[tilespmem:s4+$0x10230] =	vst.add.f32.msk $0xffff, v4  }
0x108: {  	s17 =	sand.u32 $0x40, s15;
	s14 =	sor.u32 s16, s14;
	[tilespmem:s4+$0x10200] =	vst.add.f32.msk $0xffff, v5  }
0x109: {  	s14 =	sor.u32 s17, s14;
	[tilespmem:s4+$0x10210] =	vst.add.f32.msk $0xffff, v6  }
0x10a: {  	v5 =	vld [tilespmem:s14+$0x230]  }
0x10b: {  	s16 =	simm.s32 $0x4;
	v4 =	vld [tilespmem:s14+$0x200]  }
.LBB2_6:
0x10c: {  	s16 =	sadd.s32 $0x4, s16;
	v6 =	vld [tilespmem:s14+$0x210];
	s30 =	sadd.s32 $0x200, s30  }
0x10d: {  	s15 =	sadd.s32 $0x40, s15;
	s17 =	sshll.u32 s16, $0x4;
	p0 =	slt.u32 s16, $0x3FC;
	v7 =	vld [tilespmem:s14+$0x220]  }
0x10e: {  	s18 =	sand.u32 $0x1C00, s30;
	s19 =	sshll.u32 s16, $0x1;
	s17 =	sand.u32 $0x2000, s17;
	[tilespmem:s4+$0x10220] =	vst.add.f32.msk $0xffff, v3  }
.Ltmp2:
0x10f: {  	s4 =	sor.u32 s18, s17;
	s17 =	sand.u32 $0x380, s19;
	[tilespmem:s14+$0x10230] =	vst.add.f32.msk $0xffff, v5;
	(pc) =	sbr.rel @p0 .LBB2_6-.Ltmp2, $4  }
0x110: {  	s18 =	sand.u32 $0x40, s15;
	s17 =	sor.u32 s17, s4;
	[tilespmem:s14+$0x10200] =	vst.add.f32.msk $0xffff, v4;
	s4 =	smov.u32 s14  }
0x111: {  	s14 =	sor.u32 s18, s17;
	[tilespmem:s4+$0x10210] =	vst.add.f32.msk $0xffff, v6  }
0x112: {  	v5 =	vld [tilespmem:s14+$0x230];
	v3 =	vmov v7  }
0x113: {  	v4 =	vld [tilespmem:s14+$0x200]  }
0x114: {  	v6 =	vld [tilespmem:s14+$0x210]  }
0x115: {  	v7 =	vld [tilespmem:s14+$0x220]  }
0x116: {  	[tilespmem:s4+$0x10220] =	vst.add.f32.msk $0xffff, v3  }
0x117: {  	[tilespmem:s14+$0x10230] =	vst.add.f32.msk $0xffff, v5  }
0x118: {  	[tilespmem:s14+$0x10200] =	vst.add.f32.msk $0xffff, v4  }
0x119: {  	[tilespmem:s14+$0x10210] =	vst.add.f32.msk $0xffff, v6  }
0x11a: {  	[tilespmem:s14+$0x10220] =	vst.add.f32.msk $0xffff, v7  }
0x11b: {  	s4 =	simm.s32 $0x0;
	s14 =	rddreg [dreg:$0xd]  }
0x11c: {  	[hbm4b:s14+s4] =	stream.linear.scatter [tilespmem:s29], [sflag:$0xA], $0x4000, $0x38;
	[tilespmem:$0x1C200] =	vst v63  }
0x11d: {  	_ =	swait.ge [sflag:s0], $0x4000  }
0x11e: {  	[sflag:s0] =	ssyncset.done $0x0  }
0x11f: {  	[sflag:s0] =	ssyncadd.s32 $0xFFFFC000  }
0x120: {  	v3 =	vld [tilespmem:$0x110];
	_ =	sdelay $0x4  }
0x121: {  	v4 =	vshll.u32 v3, $0x3  }
0x122: {  	v3 =	vand.u32 $0x7, v3;
	v4 =	vand.u32 $0xFFFFFFC0, v4  }
0x123: {  	v3 =	vor.u32 v3, v4  }
0x124: {  	v4 =	vperm.xlane v3, v0;
	_ =	sdelay $0x1  }
0x125: {  	v4 =	vadd.s32 v1, v4;
	_ =	sdelay $0x4  }
0x126: {  	[tilespmem:s20], [sflag:$0x4] =	stream.indirect_vreg.gather [hbm4b:s1+s4], $0x80, v4, vm0, $0xb8;
	[tilespmem:$0x1C200] =	vst v63  }
0x127: {  	s18 =	simm.s32 $0xCA00;
	v3 =	vperm.xlane v3, v2  }
0x128: {  	[tilespmem:s18], [sflag:$0x4] =	stream.indirect_vreg.gather [hbm4b:s10+s4], $0x80, v4, vm0, $0xb8;
	[tilespmem:$0x1C200] =	vst v63  }
0x129: {  	s19 =	simm.s32 $0xD200;
	v3 =	vadd.s32 v1, v3  }
0x12a: {  	[tilespmem:s19], [sflag:$0x4] =	stream.indirect_vreg.gather [hbm4b:s11+s4], $0x80, v4, vm0, $0xb8;
	[tilespmem:$0x1C200] =	vst v63  }
0x12b: {  	s15 =	simm.s32 $0xDA00  }
0x12c: {  	[tilespmem:s15], [sflag:$0x4] =	stream.indirect_vreg.gather [hbm4b:s12+s4], $0x80, v4, vm0, $0xb8;
	[tilespmem:$0x1C200] =	vst v63  }
0x12d: {  	s16 =	simm.s32 $0xE200  }
0x12e: {  	[tilespmem:s16], [sflag:$0x4] =	stream.indirect_vreg.gather [hbm4b:s1+s4], $0x80, v3, vm0, $0xb8;
	[tilespmem:$0x1C200] =	vst v63  }
0x12f: {  	s17 =	simm.s32 $0xEA00  }
0x130: {  	[tilespmem:s17], [sflag:$0x4] =	stream.indirect_vreg.gather [hbm4b:s10+s4], $0x80, v3, vm0, $0xb8;
	[tilespmem:$0x1C200] =	vst v63  }
0x131: {  	s18 =	simm.s32 $0xF200;
	s19 =	simm.s32 $0xFA00;
	s15 =	simm.s32 $0x0  }
0x132: {  	[tilespmem:s18], [sflag:$0x4] =	stream.indirect_vreg.gather [hbm4b:s11+s4], $0x80, v3, vm0, $0xb8;
	[tilespmem:$0x1C200] =	vst v63  }
0x133: {  	s14 =	sand.u32 $0x2000, s15;
	s15 =	sand.u32 $0x1C00, s4;
	s16 =	simm.s32 $0x0  }
0x134: {  	[tilespmem:s19], [sflag:$0x4] =	stream.indirect_vreg.gather [hbm4b:s12+s4], $0x80, v3, vm0, $0xb8;
	[tilespmem:$0x1C200] =	vst v63  }
0x135: {  	s14 =	sor.u32 s15, s14;
	s16 =	sand.u32 $0x380, s16;
	_ =	swait.ge [sflag:s2], $0x4000  }
0x136: {  	s14 =	sor.u32 s16, s14;
	s4 =	sand.u32 $0x40, s4;
	[sflag:s2] =	ssyncset.done $0x0  }
0x137: {  	s4 =	sor.u32 s4, s14;
	[sflag:s2] =	ssyncadd.s32 $0xFFFFC000  }
0x138: {  	v4 =	vld [tilespmem:s4+$0x230]  }
0x139: {  	v5 =	vld [tilespmem:s4+$0x200]  }
0x13a: {  	v6 =	vld [tilespmem:s4+$0x210]  }
0x13b: {  	s30 =	simm.s32 $0x200;
	s17 =	simm.s32 $0x40  }
0x13c: {  	s18 =	sand.u32 $0x1C00, s30;
	s19 =	simm.s32 $0x8;
	s14 =	sand.u32 $0x2000, s17;
	v3 =	vld [tilespmem:s4+$0x220]  }
0x13d: {  	s15 =	simm.s32 $0x40;
	s16 =	sand.u32 $0x380, s19;
	s14 =	sor.u32 s18, s14;
	[tilespmem:s4+$0x14230] =	vst.add.f32.msk $0xffff, v4  }
0x13e: {  	s17 =	sand.u32 $0x40, s15;
	s14 =	sor.u32 s16, s14;
	[tilespmem:s4+$0x14200] =	vst.add.f32.msk $0xffff, v5  }
0x13f: {  	s14 =	sor.u32 s17, s14;
	[tilespmem:s4+$0x14210] =	vst.add.f32.msk $0xffff, v6  }
0x140: {  	v5 =	vld [tilespmem:s14+$0x230]  }
0x141: {  	s16 =	simm.s32 $0x4;
	v4 =	vld [tilespmem:s14+$0x200]  }
.LBB2_8:
0x142: {  	s16 =	sadd.s32 $0x4, s16;
	v6 =	vld [tilespmem:s14+$0x210];
	s30 =	sadd.s32 $0x200, s30  }
0x143: {  	s15 =	sadd.s32 $0x40, s15;
	s17 =	sshll.u32 s16, $0x4;
	p0 =	slt.u32 s16, $0x3FC;
	v7 =	vld [tilespmem:s14+$0x220]  }
0x144: {  	s18 =	sand.u32 $0x1C00, s30;
	s19 =	sshll.u32 s16, $0x1;
	s17 =	sand.u32 $0x2000, s17;
	[tilespmem:s4+$0x14220] =	vst.add.f32.msk $0xffff, v3  }
.Ltmp3:
0x145: {  	s4 =	sor.u32 s18, s17;
	s17 =	sand.u32 $0x380, s19;
	[tilespmem:s14+$0x14230] =	vst.add.f32.msk $0xffff, v5;
	(pc) =	sbr.rel @p0 .LBB2_8-.Ltmp3, $4  }
0x146: {  	s18 =	sand.u32 $0x40, s15;
	s17 =	sor.u32 s17, s4;
	[tilespmem:s14+$0x14200] =	vst.add.f32.msk $0xffff, v4;
	s4 =	smov.u32 s14  }
0x147: {  	s14 =	sor.u32 s18, s17;
	[tilespmem:s4+$0x14210] =	vst.add.f32.msk $0xffff, v6  }
0x148: {  	v5 =	vld [tilespmem:s14+$0x230];
	v3 =	vmov v7  }
0x149: {  	v4 =	vld [tilespmem:s14+$0x200]  }
0x14a: {  	v6 =	vld [tilespmem:s14+$0x210]  }
0x14b: {  	v7 =	vld [tilespmem:s14+$0x220]  }
0x14c: {  	[tilespmem:s4+$0x14220] =	vst.add.f32.msk $0xffff, v3  }
0x14d: {  	[tilespmem:s14+$0x14230] =	vst.add.f32.msk $0xffff, v5  }
0x14e: {  	[tilespmem:s14+$0x14200] =	vst.add.f32.msk $0xffff, v4  }
0x14f: {  	[tilespmem:s14+$0x14210] =	vst.add.f32.msk $0xffff, v6  }
0x150: {  	[tilespmem:s14+$0x14220] =	vst.add.f32.msk $0xffff, v7  }
0x151: {  	s4 =	simm.s32 $0x0;
	s15 =	simm.s32 $0x200;
	s14 =	rddreg [dreg:$0xe]  }
0x152: {  	[tilespmem:s15], [sflag:$0x1] =	stream.linear.gather [hbm4b:s14+s4], $0x4000, $0x38;
	[tilespmem:$0x1C200] =	vst v63  }
0x153: {  	s15 =	rddreg [dreg:$0xf]  }
0x154: {  	[hbm4b:s15+s4] =	stream.linear.scatter [tilespmem:s23], [sflag:$0xB], $0x4000, $0x38;
	[tilespmem:$0x1C200] =	vst v63  }
0x155: {  	_ =	swait.ge [sflag:s21], $0x4000  }
0x156: {  	[sflag:s21] =	ssyncset.done $0x0  }
0x157: {  	[sflag:s21] =	ssyncadd.s32 $0xFFFFC000  }
0x158: {  	v3 =	vld [tilespmem:$0x190];
	_ =	sdelay $0x4  }
0x159: {  	v4 =	vshll.u32 v3, $0x3  }
0x15a: {  	v3 =	vand.u32 $0x7, v3;
	v4 =	vand.u32 $0xFFFFFFC0, v4  }
0x15b: {  	v3 =	vor.u32 v3, v4  }
0x15c: {  	v4 =	vperm.xlane v3, v0;
	_ =	sdelay $0x1  }
0x15d: {  	v4 =	vadd.s32 v1, v4;
	_ =	sdelay $0x4  }
0x15e: {  	[tilespmem:s29], [sflag:$0x5] =	stream.indirect_vreg.gather [hbm4b:s1+s4], $0x80, v4, vm0, $0xb8;
	[tilespmem:$0x1C200] =	vst v63  }
0x15f: {  	s16 =	simm.s32 $0x10A00;
	v3 =	vperm.xlane v3, v2  }
0x160: {  	[tilespmem:s16], [sflag:$0x5] =	stream.indirect_vreg.gather [hbm4b:s10+s4], $0x80, v4, vm0, $0xb8;
	[tilespmem:$0x1C200] =	vst v63  }
0x161: {  	s17 =	simm.s32 $0x11200;
	v3 =	vadd.s32 v1, v3  }
0x162: {  	[tilespmem:s17], [sflag:$0x5] =	stream.indirect_vreg.gather [hbm4b:s11+s4], $0x80, v4, vm0, $0xb8;
	[tilespmem:$0x1C200] =	vst v63  }
0x163: {  	s18 =	simm.s32 $0x11A00  }
0x164: {  	[tilespmem:s18], [sflag:$0x5] =	stream.indirect_vreg.gather [hbm4b:s12+s4], $0x80, v4, vm0, $0xb8;
	[tilespmem:$0x1C200] =	vst v63  }
0x165: {  	s19 =	simm.s32 $0x12200  }
0x166: {  	[tilespmem:s19], [sflag:$0x5] =	stream.indirect_vreg.gather [hbm4b:s1+s4], $0x80, v3, vm0, $0xb8;
	[tilespmem:$0x1C200] =	vst v63  }
0x167: {  	s15 =	simm.s32 $0x12A00  }
0x168: {  	[tilespmem:s15], [sflag:$0x5] =	stream.indirect_vreg.gather [hbm4b:s10+s4], $0x80, v3, vm0, $0xb8;
	[tilespmem:$0x1C200] =	vst v63  }
0x169: {  	s16 =	simm.s32 $0x13200  }
0x16a: {  	[tilespmem:s16], [sflag:$0x5] =	stream.indirect_vreg.gather [hbm4b:s11+s4], $0x80, v3, vm0, $0xb8;
	[tilespmem:$0x1C200] =	vst v63  }
0x16b: {  	s17 =	simm.s32 $0x13A00  }
0x16c: {  	[tilespmem:s17], [sflag:$0x5] =	stream.indirect_vreg.gather [hbm4b:s12+s4], $0x80, v3, vm0, $0xb8;
	[tilespmem:$0x1C200] =	vst v63  }
0x16d: {  	s18 =	simm.s32 $0x0;
	_ =	swait.ge [sflag:s22], $0x4000  }
0x16e: {  	s14 =	sand.u32 $0x2000, s18;
	[sflag:s22] =	ssyncset.done $0x0  }
0x16f: {  	s19 =	sand.u32 $0x1C00, s4;
	s16 =	simm.s32 $0x0;
	[sflag:s22] =	ssyncadd.s32 $0xFFFFC000  }
0x170: {  	s14 =	sor.u32 s19, s14;
	s16 =	sand.u32 $0x380, s16;
	_ =	swait.ge [sflag:s24], $0x4000  }
0x171: {  	s4 =	sand.u32 $0x40, s4;
	s14 =	sor.u32 s16, s14;
	[sflag:s24] =	ssyncset.done $0x0  }
0x172: {  	s4 =	sor.u32 s4, s14;
	[sflag:s24] =	ssyncadd.s32 $0xFFFFC000  }
0x173: {  	v4 =	vld [tilespmem:s4+$0x4230]  }
0x174: {  	v5 =	vld [tilespmem:s4+$0x4200]  }
0x175: {  	v6 =	vld [tilespmem:s4+$0x4210]  }
0x176: {  	s30 =	simm.s32 $0x200;
	s17 =	simm.s32 $0x40  }
0x177: {  	s18 =	sand.u32 $0x1C00, s30;
	s19 =	simm.s32 $0x8;
	s14 =	sand.u32 $0x2000, s17;
	v3 =	vld [tilespmem:s4+$0x4220]  }
0x178: {  	s15 =	simm.s32 $0x40;
	s16 =	sand.u32 $0x380, s19;
	s14 =	sor.u32 s18, s14;
	[tilespmem:s4+$0x18230] =	vst.add.f32.msk $0xffff, v4  }
0x179: {  	s17 =	sand.u32 $0x40, s15;
	s14 =	sor.u32 s16, s14;
	[tilespmem:s4+$0x18200] =	vst.add.f32.msk $0xffff, v5  }
0x17a: {  	s14 =	sor.u32 s17, s14;
	[tilespmem:s4+$0x18210] =	vst.add.f32.msk $0xffff, v6  }
0x17b: {  	v5 =	vld [tilespmem:s14+$0x4230]  }
0x17c: {  	s16 =	simm.s32 $0x4;
	v4 =	vld [tilespmem:s14+$0x4200]  }
.LBB2_10:
0x17d: {  	s16 =	sadd.s32 $0x4, s16;
	v6 =	vld [tilespmem:s14+$0x4210];
	s30 =	sadd.s32 $0x200, s30  }
0x17e: {  	s15 =	sadd.s32 $0x40, s15;
	s17 =	sshll.u32 s16, $0x4;
	p0 =	slt.u32 s16, $0x3FC;
	v7 =	vld [tilespmem:s14+$0x4220]  }
0x17f: {  	s18 =	sand.u32 $0x1C00, s30;
	s19 =	sshll.u32 s16, $0x1;
	s17 =	sand.u32 $0x2000, s17;
	[tilespmem:s4+$0x18220] =	vst.add.f32.msk $0xffff, v3  }
.Ltmp4:
0x180: {  	s4 =	sor.u32 s18, s17;
	s17 =	sand.u32 $0x380, s19;
	[tilespmem:s14+$0x18230] =	vst.add.f32.msk $0xffff, v5;
	(pc) =	sbr.rel @p0 .LBB2_10-.Ltmp4, $4  }
0x181: {  	s18 =	sand.u32 $0x40, s15;
	s17 =	sor.u32 s17, s4;
	[tilespmem:s14+$0x18200] =	vst.add.f32.msk $0xffff, v4;
	s4 =	smov.u32 s14  }
0x182: {  	s14 =	sor.u32 s18, s17;
	[tilespmem:s4+$0x18210] =	vst.add.f32.msk $0xffff, v6  }
0x183: {  	v5 =	vld [tilespmem:s14+$0x4230];
	v3 =	vmov v7  }
0x184: {  	v4 =	vld [tilespmem:s14+$0x4200]  }
0x185: {  	v6 =	vld [tilespmem:s14+$0x4210]  }
0x186: {  	v7 =	vld [tilespmem:s14+$0x4220]  }
0x187: {  	[tilespmem:s4+$0x18220] =	vst.add.f32.msk $0xffff, v3  }
0x188: {  	[tilespmem:s14+$0x18230] =	vst.add.f32.msk $0xffff, v5  }
0x189: {  	[tilespmem:s14+$0x18200] =	vst.add.f32.msk $0xffff, v4  }
0x18a: {  	[tilespmem:s14+$0x18210] =	vst.add.f32.msk $0xffff, v6  }
0x18b: {  	[tilespmem:s14+$0x18220] =	vst.add.f32.msk $0xffff, v7  }
0x18c: {  	s4 =	simm.s32 $0x0;
	s14 =	rddreg [dreg:$0x10]  }
0x18d: {  	[hbm4b:s14+s4] =	stream.linear.scatter [tilespmem:s13], [sflag:$0xC], $0x4000, $0x38;
	[tilespmem:$0x1C200] =	vst v63  }
0x18e: {  	_ =	swait.ge [sflag:s25], $0x4000  }
0x18f: {  	[sflag:s25] =	ssyncset.done $0x0  }
0x190: {  	[sflag:s25] =	ssyncadd.s32 $0xFFFFC000  }
0x191: {  	v3 =	vld [tilespmem:$0x20];
	_ =	sdelay $0x4  }
0x192: {  	v4 =	vshll.u32 v3, $0x3  }
0x193: {  	v3 =	vand.u32 $0x7, v3;
	v4 =	vand.u32 $0xFFFFFFC0, v4  }
0x194: {  	v3 =	vor.u32 v3, v4  }
0x195: {  	v4 =	vperm.xlane v3, v0;
	_ =	sdelay $0x1  }
0x196: {  	v4 =	vadd.s32 v1, v4;
	_ =	sdelay $0x4  }
0x197: {  	[tilespmem:s23], [sflag:$0x6] =	stream.indirect_vreg.gather [hbm4b:s1+s4], $0x80, v4, vm0, $0xb8;
	[tilespmem:$0x1C200] =	vst v63  }
0x198: {  	s18 =	simm.s32 $0x14A00;
	v3 =	vperm.xlane v3, v2  }
0x199: {  	[tilespmem:s18], [sflag:$0x6] =	stream.indirect_vreg.gather [hbm4b:s10+s4], $0x80, v4, vm0, $0xb8;
	[tilespmem:$0x1C200] =	vst v63  }
0x19a: {  	s19 =	simm.s32 $0x15200;
	v3 =	vadd.s32 v1, v3  }
0x19b: {  	[tilespmem:s19], [sflag:$0x6] =	stream.indirect_vreg.gather [hbm4b:s11+s4], $0x80, v4, vm0, $0xb8;
	[tilespmem:$0x1C200] =	vst v63  }
0x19c: {  	s15 =	simm.s32 $0x15A00  }
0x19d: {  	[tilespmem:s15], [sflag:$0x6] =	stream.indirect_vreg.gather [hbm4b:s12+s4], $0x80, v4, vm0, $0xb8;
	[tilespmem:$0x1C200] =	vst v63  }
0x19e: {  	s16 =	simm.s32 $0x16200  }
0x19f: {  	[tilespmem:s16], [sflag:$0x6] =	stream.indirect_vreg.gather [hbm4b:s1+s4], $0x80, v3, vm0, $0xb8;
	[tilespmem:$0x1C200] =	vst v63  }
0x1a0: {  	s17 =	simm.s32 $0x16A00  }
0x1a1: {  	[tilespmem:s17], [sflag:$0x6] =	stream.indirect_vreg.gather [hbm4b:s10+s4], $0x80, v3, vm0, $0xb8;
	[tilespmem:$0x1C200] =	vst v63  }
0x1a2: {  	s18 =	simm.s32 $0x17200;
	s19 =	simm.s32 $0x17A00;
	s15 =	simm.s32 $0x0  }
0x1a3: {  	[tilespmem:s18], [sflag:$0x6] =	stream.indirect_vreg.gather [hbm4b:s11+s4], $0x80, v3, vm0, $0xb8;
	[tilespmem:$0x1C200] =	vst v63  }
0x1a4: {  	s14 =	sand.u32 $0x2000, s15;
	s15 =	sand.u32 $0x1C00, s4;
	s16 =	simm.s32 $0x0  }
0x1a5: {  	[tilespmem:s19], [sflag:$0x6] =	stream.indirect_vreg.gather [hbm4b:s12+s4], $0x80, v3, vm0, $0xb8;
	[tilespmem:$0x1C200] =	vst v63  }
0x1a6: {  	s14 =	sor.u32 s15, s14;
	s16 =	sand.u32 $0x380, s16;
	_ =	swait.ge [sflag:s5], $0x4000  }
0x1a7: {  	s14 =	sor.u32 s16, s14;
	s4 =	sand.u32 $0x40, s4;
	[sflag:s5] =	ssyncset.done $0x0  }
0x1a8: {  	s4 =	sor.u32 s4, s14;
	[sflag:s5] =	ssyncadd.s32 $0xFFFFC000  }
0x1a9: {  	v4 =	vld [tilespmem:s4+$0x4230]  }
0x1aa: {  	v5 =	vld [tilespmem:s4+$0x4200]  }
0x1ab: {  	v6 =	vld [tilespmem:s4+$0x4210]  }
0x1ac: {  	s30 =	simm.s32 $0x200;
	s17 =	simm.s32 $0x40  }
0x1ad: {  	s18 =	sand.u32 $0x1C00, s30;
	s19 =	simm.s32 $0x8;
	s14 =	sand.u32 $0x2000, s17;
	v3 =	vld [tilespmem:s4+$0x4220]  }
0x1ae: {  	s15 =	simm.s32 $0x40;
	s16 =	sand.u32 $0x380, s19;
	s14 =	sor.u32 s18, s14;
	[tilespmem:s4+$0x8230] =	vst.add.f32.msk $0xffff, v4  }
0x1af: {  	s17 =	sand.u32 $0x40, s15;
	s14 =	sor.u32 s16, s14;
	[tilespmem:s4+$0x8200] =	vst.add.f32.msk $0xffff, v5  }
0x1b0: {  	s14 =	sor.u32 s17, s14;
	[tilespmem:s4+$0x8210] =	vst.add.f32.msk $0xffff, v6  }
0x1b1: {  	v5 =	vld [tilespmem:s14+$0x4230]  }
0x1b2: {  	s16 =	simm.s32 $0x4;
	v4 =	vld [tilespmem:s14+$0x4200]  }
.LBB2_12:
0x1b3: {  	s16 =	sadd.s32 $0x4, s16;
	v6 =	vld [tilespmem:s14+$0x4210];
	s30 =	sadd.s32 $0x200, s30  }
0x1b4: {  	s15 =	sadd.s32 $0x40, s15;
	s17 =	sshll.u32 s16, $0x4;
	p0 =	slt.u32 s16, $0x3FC;
	v7 =	vld [tilespmem:s14+$0x4220]  }
0x1b5: {  	s18 =	sand.u32 $0x1C00, s30;
	s19 =	sshll.u32 s16, $0x1;
	s17 =	sand.u32 $0x2000, s17;
	[tilespmem:s4+$0x8220] =	vst.add.f32.msk $0xffff, v3  }
.Ltmp5:
0x1b6: {  	s4 =	sor.u32 s18, s17;
	s17 =	sand.u32 $0x380, s19;
	[tilespmem:s14+$0x8230] =	vst.add.f32.msk $0xffff, v5;
	(pc) =	sbr.rel @p0 .LBB2_12-.Ltmp5, $4  }
0x1b7: {  	s18 =	sand.u32 $0x40, s15;
	s17 =	sor.u32 s17, s4;
	[tilespmem:s14+$0x8200] =	vst.add.f32.msk $0xffff, v4;
	s4 =	smov.u32 s14  }
0x1b8: {  	s14 =	sor.u32 s18, s17;
	[tilespmem:s4+$0x8210] =	vst.add.f32.msk $0xffff, v6  }
0x1b9: {  	v5 =	vld [tilespmem:s14+$0x4230];
	v3 =	vmov v7  }
0x1ba: {  	v4 =	vld [tilespmem:s14+$0x4200]  }
0x1bb: {  	v6 =	vld [tilespmem:s14+$0x4210]  }
0x1bc: {  	v7 =	vld [tilespmem:s14+$0x4220]  }
0x1bd: {  	[tilespmem:s4+$0x8220] =	vst.add.f32.msk $0xffff, v3  }
0x1be: {  	[tilespmem:s14+$0x8230] =	vst.add.f32.msk $0xffff, v5  }
0x1bf: {  	[tilespmem:s14+$0x8200] =	vst.add.f32.msk $0xffff, v4  }
0x1c0: {  	[tilespmem:s14+$0x8210] =	vst.add.f32.msk $0xffff, v6  }
0x1c1: {  	[tilespmem:s14+$0x8220] =	vst.add.f32.msk $0xffff, v7  }
0x1c2: {  	s4 =	simm.s32 $0x0;
	s14 =	rddreg [dreg:$0x11]  }
0x1c3: {  	[hbm4b:s14+s4] =	stream.linear.scatter [tilespmem:s9], [sflag:$0x8], $0x4000, $0x38;
	[tilespmem:$0x1C200] =	vst v63  }
0x1c4: {  	_ =	swait.ge [sflag:s26], $0x4000  }
0x1c5: {  	[sflag:s26] =	ssyncset.done $0x0  }
0x1c6: {  	[sflag:s26] =	ssyncadd.s32 $0xFFFFC000  }
0x1c7: {  	v3 =	vld [tilespmem:$0xA0];
	_ =	sdelay $0x4  }
0x1c8: {  	v4 =	vshll.u32 v3, $0x3  }
0x1c9: {  	v3 =	vand.u32 $0x7, v3;
	v4 =	vand.u32 $0xFFFFFFC0, v4  }
0x1ca: {  	v3 =	vor.u32 v3, v4  }
0x1cb: {  	v4 =	vperm.xlane v3, v0;
	_ =	sdelay $0x1  }
0x1cc: {  	v4 =	vadd.s32 v1, v4;
	_ =	sdelay $0x4  }
0x1cd: {  	[tilespmem:s13], [sflag:$0x7] =	stream.indirect_vreg.gather [hbm4b:s1+s4], $0x80, v4, vm0, $0xb8;
	[tilespmem:$0x1C200] =	vst v63  }
0x1ce: {  	s18 =	simm.s32 $0x18A00;
	v3 =	vperm.xlane v3, v2  }
0x1cf: {  	[tilespmem:s18], [sflag:$0x7] =	stream.indirect_vreg.gather [hbm4b:s10+s4], $0x80, v4, vm0, $0xb8;
	[tilespmem:$0x1C200] =	vst v63  }
0x1d0: {  	s19 =	simm.s32 $0x19200;
	v3 =	vadd.s32 v1, v3  }
0x1d1: {  	[tilespmem:s19], [sflag:$0x7] =	stream.indirect_vreg.gather [hbm4b:s11+s4], $0x80, v4, vm0, $0xb8;
	[tilespmem:$0x1C200] =	vst v63  }
0x1d2: {  	s15 =	simm.s32 $0x19A00  }
0x1d3: {  	[tilespmem:s15], [sflag:$0x7] =	stream.indirect_vreg.gather [hbm4b:s12+s4], $0x80, v4, vm0, $0xb8;
	[tilespmem:$0x1C200] =	vst v63  }
0x1d4: {  	s16 =	simm.s32 $0x1A200  }
0x1d5: {  	[tilespmem:s16], [sflag:$0x7] =	stream.indirect_vreg.gather [hbm4b:s1+s4], $0x80, v3, vm0, $0xb8;
	[tilespmem:$0x1C200] =	vst v63  }
0x1d6: {  	s17 =	simm.s32 $0x1AA00  }
0x1d7: {  	[tilespmem:s17], [sflag:$0x7] =	stream.indirect_vreg.gather [hbm4b:s10+s4], $0x80, v3, vm0, $0xb8;
	[tilespmem:$0x1C200] =	vst v63  }
0x1d8: {  	s18 =	simm.s32 $0x1B200;
	s19 =	simm.s32 $0x1BA00;
	s15 =	simm.s32 $0x0  }
0x1d9: {  	[tilespmem:s18], [sflag:$0x7] =	stream.indirect_vreg.gather [hbm4b:s11+s4], $0x80, v3, vm0, $0xb8;
	[tilespmem:$0x1C200] =	vst v63  }
0x1da: {  	s14 =	sand.u32 $0x2000, s15;
	s15 =	sand.u32 $0x1C00, s4;
	s16 =	simm.s32 $0x0  }
0x1db: {  	[tilespmem:s19], [sflag:$0x7] =	stream.indirect_vreg.gather [hbm4b:s12+s4], $0x80, v3, vm0, $0xb8;
	[tilespmem:$0x1C200] =	vst v63  }
0x1dc: {  	s14 =	sor.u32 s15, s14;
	s16 =	sand.u32 $0x380, s16;
	_ =	swait.ge [sflag:s7], $0x4000  }
0x1dd: {  	s14 =	sor.u32 s16, s14;
	s4 =	sand.u32 $0x40, s4;
	[sflag:s7] =	ssyncset.done $0x0  }
0x1de: {  	s4 =	sor.u32 s4, s14;
	[sflag:s7] =	ssyncadd.s32 $0xFFFFC000  }
0x1df: {  	v4 =	vld [tilespmem:s4+$0x4230]  }
0x1e0: {  	v5 =	vld [tilespmem:s4+$0x4200]  }
0x1e1: {  	v6 =	vld [tilespmem:s4+$0x4210]  }
0x1e2: {  	s30 =	simm.s32 $0x200;
	s17 =	simm.s32 $0x40  }
0x1e3: {  	s18 =	sand.u32 $0x1C00, s30;
	s19 =	simm.s32 $0x8;
	s14 =	sand.u32 $0x2000, s17;
	v3 =	vld [tilespmem:s4+$0x4220]  }
0x1e4: {  	s15 =	simm.s32 $0x40;
	s16 =	sand.u32 $0x380, s19;
	s14 =	sor.u32 s18, s14;
	[tilespmem:s4+$0xC230] =	vst.add.f32.msk $0xffff, v4  }
0x1e5: {  	s17 =	sand.u32 $0x40, s15;
	s14 =	sor.u32 s16, s14;
	[tilespmem:s4+$0xC200] =	vst.add.f32.msk $0xffff, v5  }
0x1e6: {  	s14 =	sor.u32 s17, s14;
	[tilespmem:s4+$0xC210] =	vst.add.f32.msk $0xffff, v6  }
0x1e7: {  	v5 =	vld [tilespmem:s14+$0x4230]  }
0x1e8: {  	s16 =	simm.s32 $0x4;
	v4 =	vld [tilespmem:s14+$0x4200]  }
.LBB2_14:
0x1e9: {  	s16 =	sadd.s32 $0x4, s16;
	v6 =	vld [tilespmem:s14+$0x4210];
	s30 =	sadd.s32 $0x200, s30  }
0x1ea: {  	s15 =	sadd.s32 $0x40, s15;
	s17 =	sshll.u32 s16, $0x4;
	p0 =	slt.u32 s16, $0x3FC;
	v7 =	vld [tilespmem:s14+$0x4220]  }
0x1eb: {  	s18 =	sand.u32 $0x1C00, s30;
	s19 =	sshll.u32 s16, $0x1;
	s17 =	sand.u32 $0x2000, s17;
	[tilespmem:s4+$0xC220] =	vst.add.f32.msk $0xffff, v3  }
.Ltmp6:
0x1ec: {  	s4 =	sor.u32 s18, s17;
	s17 =	sand.u32 $0x380, s19;
	[tilespmem:s14+$0xC230] =	vst.add.f32.msk $0xffff, v5;
	(pc) =	sbr.rel @p0 .LBB2_14-.Ltmp6, $4  }
0x1ed: {  	s18 =	sand.u32 $0x40, s15;
	s17 =	sor.u32 s17, s4;
	[tilespmem:s14+$0xC200] =	vst.add.f32.msk $0xffff, v4;
	s4 =	smov.u32 s14  }
0x1ee: {  	s14 =	sor.u32 s18, s17;
	[tilespmem:s4+$0xC210] =	vst.add.f32.msk $0xffff, v6  }
0x1ef: {  	v5 =	vld [tilespmem:s14+$0x4230];
	v3 =	vmov v7  }
0x1f0: {  	v4 =	vld [tilespmem:s14+$0x4200]  }
0x1f1: {  	v6 =	vld [tilespmem:s14+$0x4210]  }
0x1f2: {  	v7 =	vld [tilespmem:s14+$0x4220]  }
0x1f3: {  	[tilespmem:s4+$0xC220] =	vst.add.f32.msk $0xffff, v3  }
0x1f4: {  	[tilespmem:s14+$0xC230] =	vst.add.f32.msk $0xffff, v5  }
0x1f5: {  	[tilespmem:s14+$0xC200] =	vst.add.f32.msk $0xffff, v4  }
0x1f6: {  	[tilespmem:s14+$0xC210] =	vst.add.f32.msk $0xffff, v6  }
0x1f7: {  	[tilespmem:s14+$0xC220] =	vst.add.f32.msk $0xffff, v7  }
0x1f8: {  	s4 =	simm.s32 $0x0;
	s14 =	rddreg [dreg:$0x12]  }
0x1f9: {  	[hbm4b:s14+s4] =	stream.linear.scatter [tilespmem:s20], [sflag:$0x9], $0x4000, $0x38;
	[tilespmem:$0x1C200] =	vst v63  }
0x1fa: {  	_ =	swait.ge [sflag:s31], $0x4000  }
0x1fb: {  	[sflag:s31] =	ssyncset.done $0x0  }
0x1fc: {  	[sflag:s31] =	ssyncadd.s32 $0xFFFFC000  }
0x1fd: {  	v3 =	vld [tilespmem:$0x120];
	_ =	sdelay $0x4  }
0x1fe: {  	v4 =	vshll.u32 v3, $0x3  }
0x1ff: {  	v3 =	vand.u32 $0x7, v3;
	v4 =	vand.u32 $0xFFFFFFC0, v4  }
0x200: {  	v3 =	vor.u32 v3, v4  }
0x201: {  	v4 =	vperm.xlane v3, v0;
	_ =	sdelay $0x1  }
0x202: {  	v4 =	vadd.s32 v1, v4;
	_ =	sdelay $0x4  }
0x203: {  	[tilespmem:s9], [sflag:$0x3] =	stream.indirect_vreg.gather [hbm4b:s1+s4], $0x80, v4, vm0, $0xb8;
	[tilespmem:$0x1C200] =	vst v63  }
0x204: {  	s18 =	simm.s32 $0x8A00;
	v3 =	vperm.xlane v3, v2  }
0x205: {  	[tilespmem:s18], [sflag:$0x3] =	stream.indirect_vreg.gather [hbm4b:s10+s4], $0x80, v4, vm0, $0xb8;
	[tilespmem:$0x1C200] =	vst v63  }
0x206: {  	s19 =	simm.s32 $0x9200;
	v3 =	vadd.s32 v1, v3  }
0x207: {  	[tilespmem:s19], [sflag:$0x3] =	stream.indirect_vreg.gather [hbm4b:s11+s4], $0x80, v4, vm0, $0xb8;
	[tilespmem:$0x1C200] =	vst v63  }
0x208: {  	s15 =	simm.s32 $0x9A00  }
0x209: {  	[tilespmem:s15], [sflag:$0x3] =	stream.indirect_vreg.gather [hbm4b:s12+s4], $0x80, v4, vm0, $0xb8;
	[tilespmem:$0x1C200] =	vst v63  }
0x20a: {  	s16 =	simm.s32 $0xA200  }
0x20b: {  	[tilespmem:s16], [sflag:$0x3] =	stream.indirect_vreg.gather [hbm4b:s1+s4], $0x80, v3, vm0, $0xb8;
	[tilespmem:$0x1C200] =	vst v63  }
0x20c: {  	s17 =	simm.s32 $0xAA00  }
0x20d: {  	[tilespmem:s17], [sflag:$0x3] =	stream.indirect_vreg.gather [hbm4b:s10+s4], $0x80, v3, vm0, $0xb8;
	[tilespmem:$0x1C200] =	vst v63  }
0x20e: {  	s18 =	simm.s32 $0xB200;
	s19 =	simm.s32 $0xBA00;
	s15 =	simm.s32 $0x0  }
0x20f: {  	[tilespmem:s18], [sflag:$0x3] =	stream.indirect_vreg.gather [hbm4b:s11+s4], $0x80, v3, vm0, $0xb8;
	[tilespmem:$0x1C200] =	vst v63  }
0x210: {  	s14 =	sand.u32 $0x2000, s15;
	s15 =	sand.u32 $0x1C00, s4;
	s16 =	simm.s32 $0x0  }
0x211: {  	[tilespmem:s19], [sflag:$0x3] =	stream.indirect_vreg.gather [hbm4b:s12+s4], $0x80, v3, vm0, $0xb8;
	[tilespmem:$0x1C200] =	vst v63  }
0x212: {  	s14 =	sor.u32 s15, s14;
	s16 =	sand.u32 $0x380, s16;
	_ =	swait.ge [sflag:s8], $0x4000  }
0x213: {  	s14 =	sor.u32 s16, s14;
	s4 =	sand.u32 $0x40, s4;
	[sflag:s8] =	ssyncset.done $0x0  }
0x214: {  	s4 =	sor.u32 s4, s14;
	[sflag:s8] =	ssyncadd.s32 $0xFFFFC000  }
0x215: {  	v4 =	vld [tilespmem:s4+$0x4230]  }
0x216: {  	v5 =	vld [tilespmem:s4+$0x4200]  }
0x217: {  	v6 =	vld [tilespmem:s4+$0x4210]  }
0x218: {  	s30 =	simm.s32 $0x200;
	s17 =	simm.s32 $0x40  }
0x219: {  	s18 =	sand.u32 $0x1C00, s30;
	s19 =	simm.s32 $0x8;
	s14 =	sand.u32 $0x2000, s17;
	v3 =	vld [tilespmem:s4+$0x4220]  }
0x21a: {  	s15 =	simm.s32 $0x40;
	s16 =	sand.u32 $0x380, s19;
	s14 =	sor.u32 s18, s14;
	[tilespmem:s4+$0x10230] =	vst.add.f32.msk $0xffff, v4  }
0x21b: {  	s17 =	sand.u32 $0x40, s15;
	s14 =	sor.u32 s16, s14;
	[tilespmem:s4+$0x10200] =	vst.add.f32.msk $0xffff, v5  }
0x21c: {  	s14 =	sor.u32 s17, s14;
	[tilespmem:s4+$0x10210] =	vst.add.f32.msk $0xffff, v6  }
0x21d: {  	v5 =	vld [tilespmem:s14+$0x4230]  }
0x21e: {  	s16 =	simm.s32 $0x4;
	v4 =	vld [tilespmem:s14+$0x4200]  }
.LBB2_16:
0x21f: {  	s16 =	sadd.s32 $0x4, s16;
	v6 =	vld [tilespmem:s14+$0x4210];
	s30 =	sadd.s32 $0x200, s30  }
0x220: {  	s15 =	sadd.s32 $0x40, s15;
	s17 =	sshll.u32 s16, $0x4;
	p0 =	slt.u32 s16, $0x3FC;
	v7 =	vld [tilespmem:s14+$0x4220]  }
0x221: {  	s18 =	sand.u32 $0x1C00, s30;
	s19 =	sshll.u32 s16, $0x1;
	s17 =	sand.u32 $0x2000, s17;
	[tilespmem:s4+$0x10220] =	vst.add.f32.msk $0xffff, v3  }
.Ltmp7:
0x222: {  	s4 =	sor.u32 s18, s17;
	s17 =	sand.u32 $0x380, s19;
	[tilespmem:s14+$0x10230] =	vst.add.f32.msk $0xffff, v5;
	(pc) =	sbr.rel @p0 .LBB2_16-.Ltmp7, $4  }
0x223: {  	s18 =	sand.u32 $0x40, s15;
	s17 =	sor.u32 s17, s4;
	[tilespmem:s14+$0x10200] =	vst.add.f32.msk $0xffff, v4;
	s4 =	smov.u32 s14  }
0x224: {  	s14 =	sor.u32 s18, s17;
	[tilespmem:s4+$0x10210] =	vst.add.f32.msk $0xffff, v6  }
0x225: {  	v5 =	vld [tilespmem:s14+$0x4230];
	v3 =	vmov v7  }
0x226: {  	v4 =	vld [tilespmem:s14+$0x4200]  }
0x227: {  	v6 =	vld [tilespmem:s14+$0x4210]  }
0x228: {  	v7 =	vld [tilespmem:s14+$0x4220]  }
0x229: {  	[tilespmem:s4+$0x10220] =	vst.add.f32.msk $0xffff, v3  }
0x22a: {  	[tilespmem:s14+$0x10230] =	vst.add.f32.msk $0xffff, v5  }
0x22b: {  	[tilespmem:s14+$0x10200] =	vst.add.f32.msk $0xffff, v4  }
0x22c: {  	[tilespmem:s14+$0x10210] =	vst.add.f32.msk $0xffff, v6  }
0x22d: {  	[tilespmem:s14+$0x10220] =	vst.add.f32.msk $0xffff, v7  }
0x22e: {  	s4 =	simm.s32 $0x0;
	s15 =	simm.s32 $0x4200;
	s14 =	rddreg [dreg:$0x13]  }
0x22f: {  	[tilespmem:s15], [sflag:$0x2] =	stream.linear.gather [hbm4b:s14+s4], $0x4000, $0x38;
	[tilespmem:$0x1C200] =	vst v63  }
0x230: {  	s15 =	rddreg [dreg:$0x16]  }
0x231: {  	[hbm4b:s15+s4] =	stream.linear.scatter [tilespmem:s29], [sflag:$0xA], $0x4000, $0x38;
	[tilespmem:$0x1C200] =	vst v63  }
0x232: {  	_ =	swait.ge [sflag:s0], $0x4000  }
0x233: {  	[sflag:s0] =	ssyncset.done $0x0  }
0x234: {  	[sflag:s0] =	ssyncadd.s32 $0xFFFFC000  }
0x235: {  	v3 =	vld [tilespmem:$0x1A0];
	_ =	sdelay $0x4  }
0x236: {  	v4 =	vshll.u32 v3, $0x3  }
0x237: {  	v3 =	vand.u32 $0x7, v3;
	v4 =	vand.u32 $0xFFFFFFC0, v4  }
0x238: {  	v3 =	vor.u32 v3, v4  }
0x239: {  	v4 =	vperm.xlane v3, v0;
	_ =	sdelay $0x1  }
0x23a: {  	v4 =	vadd.s32 v1, v4;
	_ =	sdelay $0x4  }
0x23b: {  	[tilespmem:s20], [sflag:$0x4] =	stream.indirect_vreg.gather [hbm4b:s1+s4], $0x80, v4, vm0, $0xb8;
	[tilespmem:$0x1C200] =	vst v63  }
0x23c: {  	s16 =	simm.s32 $0xCA00;
	v3 =	vperm.xlane v3, v2  }
0x23d: {  	[tilespmem:s16], [sflag:$0x4] =	stream.indirect_vreg.gather [hbm4b:s10+s4], $0x80, v4, vm0, $0xb8;
	[tilespmem:$0x1C200] =	vst v63  }
0x23e: {  	s17 =	simm.s32 $0xD200;
	v3 =	vadd.s32 v1, v3  }
0x23f: {  	[tilespmem:s17], [sflag:$0x4] =	stream.indirect_vreg.gather [hbm4b:s11+s4], $0x80, v4, vm0, $0xb8;
	[tilespmem:$0x1C200] =	vst v63  }
0x240: {  	s18 =	simm.s32 $0xDA00  }
0x241: {  	[tilespmem:s18], [sflag:$0x4] =	stream.indirect_vreg.gather [hbm4b:s12+s4], $0x80, v4, vm0, $0xb8;
	[tilespmem:$0x1C200] =	vst v63  }
0x242: {  	s19 =	simm.s32 $0xE200  }
0x243: {  	[tilespmem:s19], [sflag:$0x4] =	stream.indirect_vreg.gather [hbm4b:s1+s4], $0x80, v3, vm0, $0xb8;
	[tilespmem:$0x1C200] =	vst v63  }
0x244: {  	s15 =	simm.s32 $0xEA00  }
0x245: {  	[tilespmem:s15], [sflag:$0x4] =	stream.indirect_vreg.gather [hbm4b:s10+s4], $0x80, v3, vm0, $0xb8;
	[tilespmem:$0x1C200] =	vst v63  }
0x246: {  	s16 =	simm.s32 $0xF200  }
0x247: {  	[tilespmem:s16], [sflag:$0x4] =	stream.indirect_vreg.gather [hbm4b:s11+s4], $0x80, v3, vm0, $0xb8;
	[tilespmem:$0x1C200] =	vst v63  }
0x248: {  	s17 =	simm.s32 $0xFA00  }
0x249: {  	[tilespmem:s17], [sflag:$0x4] =	stream.indirect_vreg.gather [hbm4b:s12+s4], $0x80, v3, vm0, $0xb8;
	[tilespmem:$0x1C200] =	vst v63  }
0x24a: {  	s18 =	simm.s32 $0x0;
	_ =	swait.ge [sflag:s2], $0x4000  }
0x24b: {  	s14 =	sand.u32 $0x2000, s18;
	[sflag:s2] =	ssyncset.done $0x0  }
0x24c: {  	s19 =	sand.u32 $0x1C00, s4;
	s16 =	simm.s32 $0x0;
	[sflag:s2] =	ssyncadd.s32 $0xFFFFC000  }
0x24d: {  	s14 =	sor.u32 s19, s14;
	s16 =	sand.u32 $0x380, s16;
	_ =	swait.ge [sflag:s6], $0x4000  }
0x24e: {  	s4 =	sand.u32 $0x40, s4;
	s14 =	sor.u32 s16, s14;
	[sflag:s6] =	ssyncset.done $0x0  }
0x24f: {  	s4 =	sor.u32 s4, s14;
	[sflag:s6] =	ssyncadd.s32 $0xFFFFC000  }
0x250: {  	v4 =	vld [tilespmem:s4+$0x230]  }
0x251: {  	v5 =	vld [tilespmem:s4+$0x200]  }
0x252: {  	v6 =	vld [tilespmem:s4+$0x210]  }
0x253: {  	s30 =	simm.s32 $0x200;
	s17 =	simm.s32 $0x40  }
0x254: {  	s18 =	sand.u32 $0x1C00, s30;
	s19 =	simm.s32 $0x8;
	s14 =	sand.u32 $0x2000, s17;
	v3 =	vld [tilespmem:s4+$0x220]  }
0x255: {  	s15 =	simm.s32 $0x40;
	s16 =	sand.u32 $0x380, s19;
	s14 =	sor.u32 s18, s14;
	[tilespmem:s4+$0x14230] =	vst.add.f32.msk $0xffff, v4  }
0x256: {  	s17 =	sand.u32 $0x40, s15;
	s14 =	sor.u32 s16, s14;
	[tilespmem:s4+$0x14200] =	vst.add.f32.msk $0xffff, v5  }
0x257: {  	s14 =	sor.u32 s17, s14;
	[tilespmem:s4+$0x14210] =	vst.add.f32.msk $0xffff, v6  }
0x258: {  	v5 =	vld [tilespmem:s14+$0x230]  }
0x259: {  	s16 =	simm.s32 $0x4;
	v4 =	vld [tilespmem:s14+$0x200]  }
.LBB2_18:
0x25a: {  	s16 =	sadd.s32 $0x4, s16;
	v6 =	vld [tilespmem:s14+$0x210];
	s30 =	sadd.s32 $0x200, s30  }
0x25b: {  	s15 =	sadd.s32 $0x40, s15;
	s17 =	sshll.u32 s16, $0x4;
	p0 =	slt.u32 s16, $0x3FC;
	v7 =	vld [tilespmem:s14+$0x220]  }
0x25c: {  	s18 =	sand.u32 $0x1C00, s30;
	s19 =	sshll.u32 s16, $0x1;
	s17 =	sand.u32 $0x2000, s17;
	[tilespmem:s4+$0x14220] =	vst.add.f32.msk $0xffff, v3  }
.Ltmp8:
0x25d: {  	s4 =	sor.u32 s18, s17;
	s17 =	sand.u32 $0x380, s19;
	[tilespmem:s14+$0x14230] =	vst.add.f32.msk $0xffff, v5;
	(pc) =	sbr.rel @p0 .LBB2_18-.Ltmp8, $4  }
0x25e: {  	s18 =	sand.u32 $0x40, s15;
	s17 =	sor.u32 s17, s4;
	[tilespmem:s14+$0x14200] =	vst.add.f32.msk $0xffff, v4;
	s4 =	smov.u32 s14  }
0x25f: {  	s14 =	sor.u32 s18, s17;
	[tilespmem:s4+$0x14210] =	vst.add.f32.msk $0xffff, v6  }
0x260: {  	v5 =	vld [tilespmem:s14+$0x230];
	v3 =	vmov v7  }
0x261: {  	v4 =	vld [tilespmem:s14+$0x200]  }
0x262: {  	v6 =	vld [tilespmem:s14+$0x210]  }
0x263: {  	v7 =	vld [tilespmem:s14+$0x220]  }
0x264: {  	[tilespmem:s4+$0x14220] =	vst.add.f32.msk $0xffff, v3  }
0x265: {  	[tilespmem:s14+$0x14230] =	vst.add.f32.msk $0xffff, v5  }
0x266: {  	[tilespmem:s14+$0x14200] =	vst.add.f32.msk $0xffff, v4  }
0x267: {  	[tilespmem:s14+$0x14210] =	vst.add.f32.msk $0xffff, v6  }
0x268: {  	[tilespmem:s14+$0x14220] =	vst.add.f32.msk $0xffff, v7  }
0x269: {  	s4 =	simm.s32 $0x0;
	s14 =	rddreg [dreg:$0x14]  }
0x26a: {  	[hbm4b:s14+s4] =	stream.linear.scatter [tilespmem:s23], [sflag:$0xB], $0x4000, $0x38;
	[tilespmem:$0x1C200] =	vst v63  }
0x26b: {  	_ =	swait.ge [sflag:s21], $0x4000  }
0x26c: {  	[sflag:s21] =	ssyncset.done $0x0  }
0x26d: {  	[sflag:s21] =	ssyncadd.s32 $0xFFFFC000  }
0x26e: {  	v3 =	vld [tilespmem:$0x30];
	_ =	sdelay $0x4  }
0x26f: {  	v4 =	vshll.u32 v3, $0x3  }
0x270: {  	v3 =	vand.u32 $0x7, v3;
	v4 =	vand.u32 $0xFFFFFFC0, v4  }
0x271: {  	v3 =	vor.u32 v3, v4  }
0x272: {  	v4 =	vperm.xlane v3, v0;
	_ =	sdelay $0x1  }
0x273: {  	v4 =	vadd.s32 v1, v4;
	_ =	sdelay $0x4  }
0x274: {  	[tilespmem:s29], [sflag:$0x5] =	stream.indirect_vreg.gather [hbm4b:s1+s4], $0x80, v4, vm0, $0xb8;
	[tilespmem:$0x1C200] =	vst v63  }
0x275: {  	s18 =	simm.s32 $0x10A00;
	v3 =	vperm.xlane v3, v2  }
0x276: {  	[tilespmem:s18], [sflag:$0x5] =	stream.indirect_vreg.gather [hbm4b:s10+s4], $0x80, v4, vm0, $0xb8;
	[tilespmem:$0x1C200] =	vst v63  }
0x277: {  	s19 =	simm.s32 $0x11200;
	v3 =	vadd.s32 v1, v3  }
0x278: {  	[tilespmem:s19], [sflag:$0x5] =	stream.indirect_vreg.gather [hbm4b:s11+s4], $0x80, v4, vm0, $0xb8;
	[tilespmem:$0x1C200] =	vst v63  }
0x279: {  	s15 =	simm.s32 $0x11A00  }
0x27a: {  	[tilespmem:s15], [sflag:$0x5] =	stream.indirect_vreg.gather [hbm4b:s12+s4], $0x80, v4, vm0, $0xb8;
	[tilespmem:$0x1C200] =	vst v63  }
0x27b: {  	s16 =	simm.s32 $0x12200  }
0x27c: {  	[tilespmem:s16], [sflag:$0x5] =	stream.indirect_vreg.gather [hbm4b:s1+s4], $0x80, v3, vm0, $0xb8;
	[tilespmem:$0x1C200] =	vst v63  }
0x27d: {  	s17 =	simm.s32 $0x12A00  }
0x27e: {  	[tilespmem:s17], [sflag:$0x5] =	stream.indirect_vreg.gather [hbm4b:s10+s4], $0x80, v3, vm0, $0xb8;
	[tilespmem:$0x1C200] =	vst v63  }
0x27f: {  	s18 =	simm.s32 $0x13200;
	s19 =	simm.s32 $0x13A00;
	s15 =	simm.s32 $0x0  }
0x280: {  	[tilespmem:s18], [sflag:$0x5] =	stream.indirect_vreg.gather [hbm4b:s11+s4], $0x80, v3, vm0, $0xb8;
	[tilespmem:$0x1C200] =	vst v63  }
0x281: {  	s14 =	sand.u32 $0x2000, s15;
	s15 =	sand.u32 $0x1C00, s4;
	s16 =	simm.s32 $0x0  }
0x282: {  	[tilespmem:s19], [sflag:$0x5] =	stream.indirect_vreg.gather [hbm4b:s12+s4], $0x80, v3, vm0, $0xb8;
	[tilespmem:$0x1C200] =	vst v63  }
0x283: {  	s14 =	sor.u32 s15, s14;
	s16 =	sand.u32 $0x380, s16;
	_ =	swait.ge [sflag:s22], $0x4000  }
0x284: {  	s14 =	sor.u32 s16, s14;
	s4 =	sand.u32 $0x40, s4;
	[sflag:s22] =	ssyncset.done $0x0  }
0x285: {  	s4 =	sor.u32 s4, s14;
	[sflag:s22] =	ssyncadd.s32 $0xFFFFC000  }
0x286: {  	v4 =	vld [tilespmem:s4+$0x230]  }
0x287: {  	v5 =	vld [tilespmem:s4+$0x200]  }
0x288: {  	v6 =	vld [tilespmem:s4+$0x210]  }
0x289: {  	s30 =	simm.s32 $0x200;
	s17 =	simm.s32 $0x40  }
0x28a: {  	s18 =	sand.u32 $0x1C00, s30;
	s19 =	simm.s32 $0x8;
	s14 =	sand.u32 $0x2000, s17;
	v3 =	vld [tilespmem:s4+$0x220]  }
0x28b: {  	s15 =	simm.s32 $0x40;
	s16 =	sand.u32 $0x380, s19;
	s14 =	sor.u32 s18, s14;
	[tilespmem:s4+$0x18230] =	vst.add.f32.msk $0xffff, v4  }
0x28c: {  	s17 =	sand.u32 $0x40, s15;
	s14 =	sor.u32 s16, s14;
	[tilespmem:s4+$0x18200] =	vst.add.f32.msk $0xffff, v5  }
0x28d: {  	s14 =	sor.u32 s17, s14;
	[tilespmem:s4+$0x18210] =	vst.add.f32.msk $0xffff, v6  }
0x28e: {  	v5 =	vld [tilespmem:s14+$0x230]  }
0x28f: {  	s16 =	simm.s32 $0x4;
	v4 =	vld [tilespmem:s14+$0x200]  }
.LBB2_20:
0x290: {  	s16 =	sadd.s32 $0x4, s16;
	v6 =	vld [tilespmem:s14+$0x210];
	s30 =	sadd.s32 $0x200, s30  }
0x291: {  	s15 =	sadd.s32 $0x40, s15;
	s17 =	sshll.u32 s16, $0x4;
	p0 =	slt.u32 s16, $0x3FC;
	v7 =	vld [tilespmem:s14+$0x220]  }
0x292: {  	s18 =	sand.u32 $0x1C00, s30;
	s19 =	sshll.u32 s16, $0x1;
	s17 =	sand.u32 $0x2000, s17;
	[tilespmem:s4+$0x18220] =	vst.add.f32.msk $0xffff, v3  }
.Ltmp9:
0x293: {  	s4 =	sor.u32 s18, s17;
	s17 =	sand.u32 $0x380, s19;
	[tilespmem:s14+$0x18230] =	vst.add.f32.msk $0xffff, v5;
	(pc) =	sbr.rel @p0 .LBB2_20-.Ltmp9, $4  }
0x294: {  	s18 =	sand.u32 $0x40, s15;
	s17 =	sor.u32 s17, s4;
	[tilespmem:s14+$0x18200] =	vst.add.f32.msk $0xffff, v4;
	s4 =	smov.u32 s14  }
0x295: {  	s14 =	sor.u32 s18, s17;
	[tilespmem:s4+$0x18210] =	vst.add.f32.msk $0xffff, v6  }
0x296: {  	v5 =	vld [tilespmem:s14+$0x230];
	v3 =	vmov v7  }
0x297: {  	v4 =	vld [tilespmem:s14+$0x200]  }
0x298: {  	v6 =	vld [tilespmem:s14+$0x210]  }
0x299: {  	v7 =	vld [tilespmem:s14+$0x220]  }
0x29a: {  	[tilespmem:s4+$0x18220] =	vst.add.f32.msk $0xffff, v3  }
0x29b: {  	[tilespmem:s14+$0x18230] =	vst.add.f32.msk $0xffff, v5  }
0x29c: {  	[tilespmem:s14+$0x18200] =	vst.add.f32.msk $0xffff, v4  }
0x29d: {  	[tilespmem:s14+$0x18210] =	vst.add.f32.msk $0xffff, v6  }
0x29e: {  	[tilespmem:s14+$0x18220] =	vst.add.f32.msk $0xffff, v7  }
0x29f: {  	s4 =	simm.s32 $0x0;
	s14 =	rddreg [dreg:$0x18]  }
0x2a0: {  	[hbm4b:s14+s4] =	stream.linear.scatter [tilespmem:s13], [sflag:$0xC], $0x4000, $0x38;
	[tilespmem:$0x1C200] =	vst v63  }
0x2a1: {  	_ =	swait.ge [sflag:s25], $0x4000  }
0x2a2: {  	[sflag:s25] =	ssyncset.done $0x0  }
0x2a3: {  	[sflag:s25] =	ssyncadd.s32 $0xFFFFC000  }
0x2a4: {  	v3 =	vld [tilespmem:$0xB0];
	_ =	sdelay $0x4  }
0x2a5: {  	v4 =	vshll.u32 v3, $0x3  }
0x2a6: {  	v3 =	vand.u32 $0x7, v3;
	v4 =	vand.u32 $0xFFFFFFC0, v4  }
0x2a7: {  	v3 =	vor.u32 v3, v4  }
0x2a8: {  	v4 =	vperm.xlane v3, v0;
	_ =	sdelay $0x1  }
0x2a9: {  	v4 =	vadd.s32 v1, v4;
	_ =	sdelay $0x4  }
0x2aa: {  	[tilespmem:s23], [sflag:$0x6] =	stream.indirect_vreg.gather [hbm4b:s1+s4], $0x80, v4, vm0, $0xb8;
	[tilespmem:$0x1C200] =	vst v63  }
0x2ab: {  	s18 =	simm.s32 $0x14A00;
	v3 =	vperm.xlane v3, v2  }
0x2ac: {  	[tilespmem:s18], [sflag:$0x6] =	stream.indirect_vreg.gather [hbm4b:s10+s4], $0x80, v4, vm0, $0xb8;
	[tilespmem:$0x1C200] =	vst v63  }
0x2ad: {  	s19 =	simm.s32 $0x15200;
	v3 =	vadd.s32 v1, v3  }
0x2ae: {  	[tilespmem:s19], [sflag:$0x6] =	stream.indirect_vreg.gather [hbm4b:s11+s4], $0x80, v4, vm0, $0xb8;
	[tilespmem:$0x1C200] =	vst v63  }
0x2af: {  	s15 =	simm.s32 $0x15A00  }
0x2b0: {  	[tilespmem:s15], [sflag:$0x6] =	stream.indirect_vreg.gather [hbm4b:s12+s4], $0x80, v4, vm0, $0xb8;
	[tilespmem:$0x1C200] =	vst v63  }
0x2b1: {  	s16 =	simm.s32 $0x16200  }
0x2b2: {  	[tilespmem:s16], [sflag:$0x6] =	stream.indirect_vreg.gather [hbm4b:s1+s4], $0x80, v3, vm0, $0xb8;
	[tilespmem:$0x1C200] =	vst v63  }
0x2b3: {  	s17 =	simm.s32 $0x16A00  }
0x2b4: {  	[tilespmem:s17], [sflag:$0x6] =	stream.indirect_vreg.gather [hbm4b:s10+s4], $0x80, v3, vm0, $0xb8;
	[tilespmem:$0x1C200] =	vst v63  }
0x2b5: {  	s18 =	simm.s32 $0x17200;
	s19 =	simm.s32 $0x17A00;
	s15 =	simm.s32 $0x0  }
0x2b6: {  	[tilespmem:s18], [sflag:$0x6] =	stream.indirect_vreg.gather [hbm4b:s11+s4], $0x80, v3, vm0, $0xb8;
	[tilespmem:$0x1C200] =	vst v63  }
0x2b7: {  	s14 =	sand.u32 $0x2000, s15;
	s15 =	sand.u32 $0x1C00, s4;
	s16 =	simm.s32 $0x0  }
0x2b8: {  	[tilespmem:s19], [sflag:$0x6] =	stream.indirect_vreg.gather [hbm4b:s12+s4], $0x80, v3, vm0, $0xb8;
	[tilespmem:$0x1C200] =	vst v63  }
0x2b9: {  	s14 =	sor.u32 s15, s14;
	s16 =	sand.u32 $0x380, s16;
	_ =	swait.ge [sflag:s5], $0x4000  }
0x2ba: {  	s14 =	sor.u32 s16, s14;
	s4 =	sand.u32 $0x40, s4;
	[sflag:s5] =	ssyncset.done $0x0  }
0x2bb: {  	s4 =	sor.u32 s4, s14;
	[sflag:s5] =	ssyncadd.s32 $0xFFFFC000  }
0x2bc: {  	v4 =	vld [tilespmem:s4+$0x230]  }
0x2bd: {  	v5 =	vld [tilespmem:s4+$0x200]  }
0x2be: {  	v6 =	vld [tilespmem:s4+$0x210]  }
0x2bf: {  	s30 =	simm.s32 $0x200;
	s17 =	simm.s32 $0x40  }
0x2c0: {  	s18 =	sand.u32 $0x1C00, s30;
	s19 =	simm.s32 $0x8;
	s14 =	sand.u32 $0x2000, s17;
	v3 =	vld [tilespmem:s4+$0x220]  }
0x2c1: {  	s15 =	simm.s32 $0x40;
	s16 =	sand.u32 $0x380, s19;
	s14 =	sor.u32 s18, s14;
	[tilespmem:s4+$0x8230] =	vst.add.f32.msk $0xffff, v4  }
0x2c2: {  	s17 =	sand.u32 $0x40, s15;
	s14 =	sor.u32 s16, s14;
	[tilespmem:s4+$0x8200] =	vst.add.f32.msk $0xffff, v5  }
0x2c3: {  	s14 =	sor.u32 s17, s14;
	[tilespmem:s4+$0x8210] =	vst.add.f32.msk $0xffff, v6  }
0x2c4: {  	v5 =	vld [tilespmem:s14+$0x230]  }
0x2c5: {  	s16 =	simm.s32 $0x4;
	v4 =	vld [tilespmem:s14+$0x200]  }
.LBB2_22:
0x2c6: {  	s16 =	sadd.s32 $0x4, s16;
	v6 =	vld [tilespmem:s14+$0x210];
	s30 =	sadd.s32 $0x200, s30  }
0x2c7: {  	s15 =	sadd.s32 $0x40, s15;
	s17 =	sshll.u32 s16, $0x4;
	p0 =	slt.u32 s16, $0x3FC;
	v7 =	vld [tilespmem:s14+$0x220]  }
0x2c8: {  	s18 =	sand.u32 $0x1C00, s30;
	s19 =	sshll.u32 s16, $0x1;
	s17 =	sand.u32 $0x2000, s17;
	[tilespmem:s4+$0x8220] =	vst.add.f32.msk $0xffff, v3  }
.Ltmp10:
0x2c9: {  	s4 =	sor.u32 s18, s17;
	s17 =	sand.u32 $0x380, s19;
	[tilespmem:s14+$0x8230] =	vst.add.f32.msk $0xffff, v5;
	(pc) =	sbr.rel @p0 .LBB2_22-.Ltmp10, $4  }
0x2ca: {  	s18 =	sand.u32 $0x40, s15;
	s17 =	sor.u32 s17, s4;
	[tilespmem:s14+$0x8200] =	vst.add.f32.msk $0xffff, v4;
	s4 =	smov.u32 s14  }
0x2cb: {  	s14 =	sor.u32 s18, s17;
	[tilespmem:s4+$0x8210] =	vst.add.f32.msk $0xffff, v6  }
0x2cc: {  	v5 =	vld [tilespmem:s14+$0x230];
	v3 =	vmov v7  }
0x2cd: {  	v4 =	vld [tilespmem:s14+$0x200]  }
0x2ce: {  	v6 =	vld [tilespmem:s14+$0x210]  }
0x2cf: {  	v7 =	vld [tilespmem:s14+$0x220]  }
0x2d0: {  	[tilespmem:s4+$0x8220] =	vst.add.f32.msk $0xffff, v3  }
0x2d1: {  	[tilespmem:s14+$0x8230] =	vst.add.f32.msk $0xffff, v5  }
0x2d2: {  	[tilespmem:s14+$0x8200] =	vst.add.f32.msk $0xffff, v4  }
0x2d3: {  	[tilespmem:s14+$0x8210] =	vst.add.f32.msk $0xffff, v6  }
0x2d4: {  	[tilespmem:s14+$0x8220] =	vst.add.f32.msk $0xffff, v7  }
0x2d5: {  	s4 =	simm.s32 $0x0;
	s14 =	rddreg [dreg:$0x19]  }
0x2d6: {  	[hbm4b:s14+s4] =	stream.linear.scatter [tilespmem:s9], [sflag:$0x8], $0x4000, $0x38;
	[tilespmem:$0x1C200] =	vst v63  }
0x2d7: {  	_ =	swait.ge [sflag:s26], $0x4000  }
0x2d8: {  	[sflag:s26] =	ssyncset.done $0x0  }
0x2d9: {  	[sflag:s26] =	ssyncadd.s32 $0xFFFFC000  }
0x2da: {  	v3 =	vld [tilespmem:$0x130];
	_ =	sdelay $0x4  }
0x2db: {  	v4 =	vshll.u32 v3, $0x3  }
0x2dc: {  	v3 =	vand.u32 $0x7, v3;
	v4 =	vand.u32 $0xFFFFFFC0, v4  }
0x2dd: {  	v3 =	vor.u32 v3, v4  }
0x2de: {  	v4 =	vperm.xlane v3, v0;
	_ =	sdelay $0x1  }
0x2df: {  	v4 =	vadd.s32 v1, v4;
	_ =	sdelay $0x4  }
0x2e0: {  	[tilespmem:s13], [sflag:$0x7] =	stream.indirect_vreg.gather [hbm4b:s1+s4], $0x80, v4, vm0, $0xb8;
	[tilespmem:$0x1C200] =	vst v63  }
0x2e1: {  	s18 =	simm.s32 $0x18A00;
	v3 =	vperm.xlane v3, v2  }
0x2e2: {  	[tilespmem:s18], [sflag:$0x7] =	stream.indirect_vreg.gather [hbm4b:s10+s4], $0x80, v4, vm0, $0xb8;
	[tilespmem:$0x1C200] =	vst v63  }
0x2e3: {  	s19 =	simm.s32 $0x19200;
	v3 =	vadd.s32 v1, v3  }
0x2e4: {  	[tilespmem:s19], [sflag:$0x7] =	stream.indirect_vreg.gather [hbm4b:s11+s4], $0x80, v4, vm0, $0xb8;
	[tilespmem:$0x1C200] =	vst v63  }
0x2e5: {  	s15 =	simm.s32 $0x19A00  }
0x2e6: {  	[tilespmem:s15], [sflag:$0x7] =	stream.indirect_vreg.gather [hbm4b:s12+s4], $0x80, v4, vm0, $0xb8;
	[tilespmem:$0x1C200] =	vst v63  }
0x2e7: {  	s16 =	simm.s32 $0x1A200  }
0x2e8: {  	[tilespmem:s16], [sflag:$0x7] =	stream.indirect_vreg.gather [hbm4b:s1+s4], $0x80, v3, vm0, $0xb8;
	[tilespmem:$0x1C200] =	vst v63  }
0x2e9: {  	s17 =	simm.s32 $0x1AA00  }
0x2ea: {  	[tilespmem:s17], [sflag:$0x7] =	stream.indirect_vreg.gather [hbm4b:s10+s4], $0x80, v3, vm0, $0xb8;
	[tilespmem:$0x1C200] =	vst v63  }
0x2eb: {  	s18 =	simm.s32 $0x1B200;
	s19 =	simm.s32 $0x1BA00;
	s15 =	simm.s32 $0x0  }
0x2ec: {  	[tilespmem:s18], [sflag:$0x7] =	stream.indirect_vreg.gather [hbm4b:s11+s4], $0x80, v3, vm0, $0xb8;
	[tilespmem:$0x1C200] =	vst v63  }
0x2ed: {  	s14 =	sand.u32 $0x2000, s15;
	s15 =	sand.u32 $0x1C00, s4;
	s16 =	simm.s32 $0x0  }
0x2ee: {  	[tilespmem:s19], [sflag:$0x7] =	stream.indirect_vreg.gather [hbm4b:s12+s4], $0x80, v3, vm0, $0xb8;
	[tilespmem:$0x1C200] =	vst v63  }
0x2ef: {  	s14 =	sor.u32 s15, s14;
	s16 =	sand.u32 $0x380, s16;
	_ =	swait.ge [sflag:s7], $0x4000  }
0x2f0: {  	s14 =	sor.u32 s16, s14;
	s4 =	sand.u32 $0x40, s4;
	[sflag:s7] =	ssyncset.done $0x0  }
0x2f1: {  	s4 =	sor.u32 s4, s14;
	[sflag:s7] =	ssyncadd.s32 $0xFFFFC000  }
0x2f2: {  	v4 =	vld [tilespmem:s4+$0x230]  }
0x2f3: {  	v5 =	vld [tilespmem:s4+$0x200]  }
0x2f4: {  	v6 =	vld [tilespmem:s4+$0x210]  }
0x2f5: {  	s30 =	simm.s32 $0x200;
	s17 =	simm.s32 $0x40  }
0x2f6: {  	s18 =	sand.u32 $0x1C00, s30;
	s19 =	simm.s32 $0x8;
	s14 =	sand.u32 $0x2000, s17;
	v3 =	vld [tilespmem:s4+$0x220]  }
0x2f7: {  	s15 =	simm.s32 $0x40;
	s16 =	sand.u32 $0x380, s19;
	s14 =	sor.u32 s18, s14;
	[tilespmem:s4+$0xC230] =	vst.add.f32.msk $0xffff, v4  }
0x2f8: {  	s17 =	sand.u32 $0x40, s15;
	s14 =	sor.u32 s16, s14;
	[tilespmem:s4+$0xC200] =	vst.add.f32.msk $0xffff, v5  }
0x2f9: {  	s14 =	sor.u32 s17, s14;
	[tilespmem:s4+$0xC210] =	vst.add.f32.msk $0xffff, v6  }
0x2fa: {  	v5 =	vld [tilespmem:s14+$0x230]  }
0x2fb: {  	s16 =	simm.s32 $0x4;
	v4 =	vld [tilespmem:s14+$0x200]  }
.LBB2_24:
0x2fc: {  	s16 =	sadd.s32 $0x4, s16;
	v6 =	vld [tilespmem:s14+$0x210];
	s30 =	sadd.s32 $0x200, s30  }
0x2fd: {  	s15 =	sadd.s32 $0x40, s15;
	s17 =	sshll.u32 s16, $0x4;
	p0 =	slt.u32 s16, $0x3FC;
	v7 =	vld [tilespmem:s14+$0x220]  }
0x2fe: {  	s18 =	sand.u32 $0x1C00, s30;
	s19 =	sshll.u32 s16, $0x1;
	s17 =	sand.u32 $0x2000, s17;
	[tilespmem:s4+$0xC220] =	vst.add.f32.msk $0xffff, v3  }
.Ltmp11:
0x2ff: {  	s4 =	sor.u32 s18, s17;
	s17 =	sand.u32 $0x380, s19;
	[tilespmem:s14+$0xC230] =	vst.add.f32.msk $0xffff, v5;
	(pc) =	sbr.rel @p0 .LBB2_24-.Ltmp11, $4  }
0x300: {  	s18 =	sand.u32 $0x40, s15;
	s17 =	sor.u32 s17, s4;
	[tilespmem:s14+$0xC200] =	vst.add.f32.msk $0xffff, v4;
	s4 =	smov.u32 s14  }
0x301: {  	s14 =	sor.u32 s18, s17;
	[tilespmem:s4+$0xC210] =	vst.add.f32.msk $0xffff, v6  }
0x302: {  	v5 =	vld [tilespmem:s14+$0x230];
	v3 =	vmov v7  }
0x303: {  	v4 =	vld [tilespmem:s14+$0x200]  }
0x304: {  	v6 =	vld [tilespmem:s14+$0x210]  }
0x305: {  	v7 =	vld [tilespmem:s14+$0x220]  }
0x306: {  	[tilespmem:s4+$0xC220] =	vst.add.f32.msk $0xffff, v3  }
0x307: {  	[tilespmem:s14+$0xC230] =	vst.add.f32.msk $0xffff, v5  }
0x308: {  	[tilespmem:s14+$0xC200] =	vst.add.f32.msk $0xffff, v4  }
0x309: {  	[tilespmem:s14+$0xC210] =	vst.add.f32.msk $0xffff, v6  }
0x30a: {  	[tilespmem:s14+$0xC220] =	vst.add.f32.msk $0xffff, v7  }
0x30b: {  	s4 =	simm.s32 $0x0;
	s14 =	rddreg [dreg:$0x1a]  }
0x30c: {  	[hbm4b:s14+s4] =	stream.linear.scatter [tilespmem:s20], [sflag:$0x9], $0x4000, $0x38;
	[tilespmem:$0x1C200] =	vst v63  }
0x30d: {  	_ =	swait.ge [sflag:s31], $0x4000  }
0x30e: {  	[sflag:s31] =	ssyncset.done $0x0  }
0x30f: {  	[sflag:s31] =	ssyncadd.s32 $0xFFFFC000  }
0x310: {  	v3 =	vld [tilespmem:$0x1B0];
	_ =	sdelay $0x4  }
0x311: {  	v4 =	vshll.u32 v3, $0x3  }
0x312: {  	v3 =	vand.u32 $0x7, v3;
	v4 =	vand.u32 $0xFFFFFFC0, v4  }
0x313: {  	v3 =	vor.u32 v3, v4  }
0x314: {  	v4 =	vperm.xlane v3, v0;
	_ =	sdelay $0x1  }
0x315: {  	v4 =	vadd.s32 v1, v4;
	_ =	sdelay $0x4  }
0x316: {  	[tilespmem:s9], [sflag:$0x3] =	stream.indirect_vreg.gather [hbm4b:s1+s4], $0x80, v4, vm0, $0xb8;
	[tilespmem:$0x1C200] =	vst v63  }
0x317: {  	s18 =	simm.s32 $0x8A00;
	v3 =	vperm.xlane v3, v2  }
0x318: {  	[tilespmem:s18], [sflag:$0x3] =	stream.indirect_vreg.gather [hbm4b:s10+s4], $0x80, v4, vm0, $0xb8;
	[tilespmem:$0x1C200] =	vst v63  }
0x319: {  	s19 =	simm.s32 $0x9200;
	v3 =	vadd.s32 v1, v3  }
0x31a: {  	[tilespmem:s19], [sflag:$0x3] =	stream.indirect_vreg.gather [hbm4b:s11+s4], $0x80, v4, vm0, $0xb8;
	[tilespmem:$0x1C200] =	vst v63  }
0x31b: {  	s15 =	simm.s32 $0x9A00  }
0x31c: {  	[tilespmem:s15], [sflag:$0x3] =	stream.indirect_vreg.gather [hbm4b:s12+s4], $0x80, v4, vm0, $0xb8;
	[tilespmem:$0x1C200] =	vst v63  }
0x31d: {  	s16 =	simm.s32 $0xA200  }
0x31e: {  	[tilespmem:s16], [sflag:$0x3] =	stream.indirect_vreg.gather [hbm4b:s1+s4], $0x80, v3, vm0, $0xb8;
	[tilespmem:$0x1C200] =	vst v63  }
0x31f: {  	s17 =	simm.s32 $0xAA00  }
0x320: {  	[tilespmem:s17], [sflag:$0x3] =	stream.indirect_vreg.gather [hbm4b:s10+s4], $0x80, v3, vm0, $0xb8;
	[tilespmem:$0x1C200] =	vst v63  }
0x321: {  	s18 =	simm.s32 $0xB200  }
0x322: {  	[tilespmem:s18], [sflag:$0x3] =	stream.indirect_vreg.gather [hbm4b:s11+s4], $0x80, v3, vm0, $0xb8;
	[tilespmem:$0x1C200] =	vst v63  }
0x323: {  	s19 =	simm.s32 $0xBA00  }
0x324: {  	[tilespmem:s19], [sflag:$0x3] =	stream.indirect_vreg.gather [hbm4b:s12+s4], $0x80, v3, vm0, $0xb8;
	[tilespmem:$0x1C200] =	vst v63  }
0x325: {  	s15 =	simm.s32 $0x0;
	_ =	swait.ge [sflag:s8], $0x4000  }
0x326: {  	s14 =	sand.u32 $0x2000, s15;
	[sflag:s8] =	ssyncset.done $0x0  }
0x327: {  	s15 =	sand.u32 $0x1C00, s4;
	s16 =	simm.s32 $0x0;
	[sflag:s8] =	ssyncadd.s32 $0xFFFFC000  }
0x328: {  	s14 =	sor.u32 s15, s14;
	s16 =	sand.u32 $0x380, s16;
	_ =	swait.ge [sflag:s24], $0x4000  }
0x329: {  	s14 =	sor.u32 s16, s14;
	s4 =	sand.u32 $0x40, s4;
	[sflag:s24] =	ssyncset.done $0x0  }
0x32a: {  	s4 =	sor.u32 s4, s14;
	[sflag:s24] =	ssyncadd.s32 $0xFFFFC000  }
0x32b: {  	v4 =	vld [tilespmem:s4+$0x4230]  }
0x32c: {  	v5 =	vld [tilespmem:s4+$0x4200]  }
0x32d: {  	v6 =	vld [tilespmem:s4+$0x4210]  }
0x32e: {  	s30 =	simm.s32 $0x200;
	s17 =	simm.s32 $0x40  }
0x32f: {  	s18 =	sand.u32 $0x1C00, s30;
	s19 =	simm.s32 $0x8;
	s14 =	sand.u32 $0x2000, s17;
	v3 =	vld [tilespmem:s4+$0x4220]  }
0x330: {  	s15 =	simm.s32 $0x40;
	s16 =	sand.u32 $0x380, s19;
	s14 =	sor.u32 s18, s14;
	[tilespmem:s4+$0x10230] =	vst.add.f32.msk $0xffff, v4  }
0x331: {  	s17 =	sand.u32 $0x40, s15;
	s14 =	sor.u32 s16, s14;
	[tilespmem:s4+$0x10200] =	vst.add.f32.msk $0xffff, v5  }
0x332: {  	s14 =	sor.u32 s17, s14;
	[tilespmem:s4+$0x10210] =	vst.add.f32.msk $0xffff, v6  }
0x333: {  	v5 =	vld [tilespmem:s14+$0x4230]  }
0x334: {  	s16 =	simm.s32 $0x4;
	v4 =	vld [tilespmem:s14+$0x4200]  }
.LBB2_26:
0x335: {  	s16 =	sadd.s32 $0x4, s16;
	v6 =	vld [tilespmem:s14+$0x4210];
	s30 =	sadd.s32 $0x200, s30  }
0x336: {  	s15 =	sadd.s32 $0x40, s15;
	s17 =	sshll.u32 s16, $0x4;
	p0 =	slt.u32 s16, $0x3FC;
	v7 =	vld [tilespmem:s14+$0x4220]  }
0x337: {  	s18 =	sand.u32 $0x1C00, s30;
	s19 =	sshll.u32 s16, $0x1;
	s17 =	sand.u32 $0x2000, s17;
	[tilespmem:s4+$0x10220] =	vst.add.f32.msk $0xffff, v3  }
.Ltmp12:
0x338: {  	s4 =	sor.u32 s18, s17;
	s17 =	sand.u32 $0x380, s19;
	[tilespmem:s14+$0x10230] =	vst.add.f32.msk $0xffff, v5;
	(pc) =	sbr.rel @p0 .LBB2_26-.Ltmp12, $4  }
0x339: {  	s18 =	sand.u32 $0x40, s15;
	s17 =	sor.u32 s17, s4;
	[tilespmem:s14+$0x10200] =	vst.add.f32.msk $0xffff, v4;
	s4 =	smov.u32 s14  }
0x33a: {  	s14 =	sor.u32 s18, s17;
	[tilespmem:s4+$0x10210] =	vst.add.f32.msk $0xffff, v6  }
0x33b: {  	v5 =	vld [tilespmem:s14+$0x4230];
	v3 =	vmov v7  }
0x33c: {  	v4 =	vld [tilespmem:s14+$0x4200]  }
0x33d: {  	v6 =	vld [tilespmem:s14+$0x4210]  }
0x33e: {  	v7 =	vld [tilespmem:s14+$0x4220]  }
0x33f: {  	[tilespmem:s4+$0x10220] =	vst.add.f32.msk $0xffff, v3  }
0x340: {  	[tilespmem:s14+$0x10230] =	vst.add.f32.msk $0xffff, v5  }
0x341: {  	[tilespmem:s14+$0x10200] =	vst.add.f32.msk $0xffff, v4  }
0x342: {  	[tilespmem:s14+$0x10210] =	vst.add.f32.msk $0xffff, v6  }
0x343: {  	[tilespmem:s14+$0x10220] =	vst.add.f32.msk $0xffff, v7  }
0x344: {  	s19 =	simm.s32 $0x0;
	s15 =	simm.s32 $0x0;
	s14 =	rddreg [dreg:$0x15]  }
0x345: {  	[hbm4b:s14+s19] =	stream.linear.scatter [tilespmem:s29], [sflag:$0xA], $0x4000, $0x38;
	[tilespmem:$0x1C200] =	vst v63  }
0x346: {  	s16 =	simm.s32 $0x0;
	s14 =	sand.u32 $0x2000, s15;
	s15 =	sand.u32 $0x1C00, s19  }
0x347: {  	s16 =	sand.u32 $0x380, s16;
	_ =	swait.ge [sflag:s2], $0x4000;
	s14 =	sor.u32 s15, s14  }
0x348: {  	s4 =	sand.u32 $0x40, s19;
	[sflag:s2] =	ssyncset.done $0x0;
	s14 =	sor.u32 s16, s14  }
0x349: {  	[sflag:s2] =	ssyncadd.s32 $0xFFFFC000;
	s4 =	sor.u32 s4, s14  }
0x34a: {  	v4 =	vld [tilespmem:s4+$0x4230]  }
0x34b: {  	v5 =	vld [tilespmem:s4+$0x4200]  }
0x34c: {  	v6 =	vld [tilespmem:s4+$0x4210]  }
0x34d: {  	s17 =	simm.s32 $0x40;
	s30 =	simm.s32 $0x200  }
0x34e: {  	s18 =	sand.u32 $0x1C00, s30;
	s19 =	simm.s32 $0x8;
	s14 =	sand.u32 $0x2000, s17;
	v3 =	vld [tilespmem:s4+$0x4220]  }
0x34f: {  	s15 =	simm.s32 $0x40;
	s16 =	sand.u32 $0x380, s19;
	s14 =	sor.u32 s18, s14;
	[tilespmem:s4+$0x14230] =	vst.add.f32.msk $0xffff, v4  }
0x350: {  	s17 =	sand.u32 $0x40, s15;
	s14 =	sor.u32 s16, s14;
	[tilespmem:s4+$0x14200] =	vst.add.f32.msk $0xffff, v5  }
0x351: {  	s14 =	sor.u32 s17, s14;
	[tilespmem:s4+$0x14210] =	vst.add.f32.msk $0xffff, v6  }
0x352: {  	v5 =	vld [tilespmem:s14+$0x4230]  }
0x353: {  	s16 =	simm.s32 $0x4;
	v4 =	vld [tilespmem:s14+$0x4200]  }
.LBB2_28:
0x354: {  	s16 =	sadd.s32 $0x4, s16;
	v6 =	vld [tilespmem:s14+$0x4210];
	s30 =	sadd.s32 $0x200, s30  }
0x355: {  	s15 =	sadd.s32 $0x40, s15;
	s17 =	sshll.u32 s16, $0x4;
	p0 =	slt.u32 s16, $0x3FC;
	v7 =	vld [tilespmem:s14+$0x4220]  }
0x356: {  	s18 =	sand.u32 $0x1C00, s30;
	s19 =	sshll.u32 s16, $0x1;
	s17 =	sand.u32 $0x2000, s17;
	[tilespmem:s4+$0x14220] =	vst.add.f32.msk $0xffff, v3  }
.Ltmp13:
0x357: {  	s4 =	sor.u32 s18, s17;
	s17 =	sand.u32 $0x380, s19;
	[tilespmem:s14+$0x14230] =	vst.add.f32.msk $0xffff, v5;
	(pc) =	sbr.rel @p0 .LBB2_28-.Ltmp13, $4  }
0x358: {  	s18 =	sand.u32 $0x40, s15;
	s17 =	sor.u32 s17, s4;
	[tilespmem:s14+$0x14200] =	vst.add.f32.msk $0xffff, v4;
	s4 =	smov.u32 s14  }
0x359: {  	s14 =	sor.u32 s18, s17;
	[tilespmem:s4+$0x14210] =	vst.add.f32.msk $0xffff, v6  }
0x35a: {  	v5 =	vld [tilespmem:s14+$0x4230];
	v3 =	vmov v7  }
0x35b: {  	v4 =	vld [tilespmem:s14+$0x4200]  }
0x35c: {  	v6 =	vld [tilespmem:s14+$0x4210]  }
0x35d: {  	v7 =	vld [tilespmem:s14+$0x4220]  }
0x35e: {  	[tilespmem:s4+$0x14220] =	vst.add.f32.msk $0xffff, v3  }
0x35f: {  	[tilespmem:s14+$0x14230] =	vst.add.f32.msk $0xffff, v5  }
0x360: {  	[tilespmem:s14+$0x14200] =	vst.add.f32.msk $0xffff, v4  }
0x361: {  	[tilespmem:s14+$0x14210] =	vst.add.f32.msk $0xffff, v6  }
0x362: {  	[tilespmem:s14+$0x14220] =	vst.add.f32.msk $0xffff, v7  }
0x363: {  	s19 =	simm.s32 $0x0;
	s15 =	simm.s32 $0x0;
	s14 =	rddreg [dreg:$0x1b]  }
0x364: {  	[hbm4b:s14+s19] =	stream.linear.scatter [tilespmem:s23], [sflag:$0xB], $0x4000, $0x38;
	[tilespmem:$0x1C200] =	vst v63  }
0x365: {  	s16 =	simm.s32 $0x0;
	s14 =	sand.u32 $0x2000, s15;
	s15 =	sand.u32 $0x1C00, s19  }
0x366: {  	s16 =	sand.u32 $0x380, s16;
	_ =	swait.ge [sflag:s22], $0x4000;
	s14 =	sor.u32 s15, s14  }
0x367: {  	s4 =	sand.u32 $0x40, s19;
	[sflag:s22] =	ssyncset.done $0x0;
	s14 =	sor.u32 s16, s14  }
0x368: {  	[sflag:s22] =	ssyncadd.s32 $0xFFFFC000;
	s4 =	sor.u32 s4, s14  }
0x369: {  	v4 =	vld [tilespmem:s4+$0x4230]  }
0x36a: {  	v5 =	vld [tilespmem:s4+$0x4200]  }
0x36b: {  	v6 =	vld [tilespmem:s4+$0x4210]  }
0x36c: {  	s17 =	simm.s32 $0x40;
	s30 =	simm.s32 $0x200  }
0x36d: {  	s18 =	sand.u32 $0x1C00, s30;
	s19 =	simm.s32 $0x8;
	s14 =	sand.u32 $0x2000, s17;
	v3 =	vld [tilespmem:s4+$0x4220]  }
0x36e: {  	s15 =	simm.s32 $0x40;
	s16 =	sand.u32 $0x380, s19;
	s14 =	sor.u32 s18, s14;
	[tilespmem:s4+$0x18230] =	vst.add.f32.msk $0xffff, v4  }
0x36f: {  	s17 =	sand.u32 $0x40, s15;
	s14 =	sor.u32 s16, s14;
	[tilespmem:s4+$0x18200] =	vst.add.f32.msk $0xffff, v5  }
0x370: {  	s14 =	sor.u32 s17, s14;
	[tilespmem:s4+$0x18210] =	vst.add.f32.msk $0xffff, v6  }
0x371: {  	v5 =	vld [tilespmem:s14+$0x4230]  }
0x372: {  	s16 =	simm.s32 $0x4;
	v4 =	vld [tilespmem:s14+$0x4200]  }
.LBB2_30:
0x373: {  	s16 =	sadd.s32 $0x4, s16;
	v6 =	vld [tilespmem:s14+$0x4210];
	s30 =	sadd.s32 $0x200, s30  }
0x374: {  	s15 =	sadd.s32 $0x40, s15;
	s17 =	sshll.u32 s16, $0x4;
	p0 =	slt.u32 s16, $0x3FC;
	v7 =	vld [tilespmem:s14+$0x4220]  }
0x375: {  	s18 =	sand.u32 $0x1C00, s30;
	s19 =	sshll.u32 s16, $0x1;
	s17 =	sand.u32 $0x2000, s17;
	[tilespmem:s4+$0x18220] =	vst.add.f32.msk $0xffff, v3  }
.Ltmp14:
0x376: {  	s4 =	sor.u32 s18, s17;
	s17 =	sand.u32 $0x380, s19;
	[tilespmem:s14+$0x18230] =	vst.add.f32.msk $0xffff, v5;
	(pc) =	sbr.rel @p0 .LBB2_30-.Ltmp14, $4  }
0x377: {  	s18 =	sand.u32 $0x40, s15;
	s17 =	sor.u32 s17, s4;
	[tilespmem:s14+$0x18200] =	vst.add.f32.msk $0xffff, v4;
	s4 =	smov.u32 s14  }
0x378: {  	s14 =	sor.u32 s18, s17;
	[tilespmem:s4+$0x18210] =	vst.add.f32.msk $0xffff, v6  }
0x379: {  	v5 =	vld [tilespmem:s14+$0x4230];
	v3 =	vmov v7  }
0x37a: {  	v4 =	vld [tilespmem:s14+$0x4200]  }
0x37b: {  	v6 =	vld [tilespmem:s14+$0x4210]  }
0x37c: {  	v7 =	vld [tilespmem:s14+$0x4220]  }
0x37d: {  	[tilespmem:s4+$0x18220] =	vst.add.f32.msk $0xffff, v3  }
0x37e: {  	[tilespmem:s14+$0x18230] =	vst.add.f32.msk $0xffff, v5  }
0x37f: {  	[tilespmem:s14+$0x18200] =	vst.add.f32.msk $0xffff, v4  }
0x380: {  	[tilespmem:s14+$0x18210] =	vst.add.f32.msk $0xffff, v6  }
0x381: {  	[tilespmem:s14+$0x18220] =	vst.add.f32.msk $0xffff, v7  }
0x382: {  	s19 =	simm.s32 $0x0;
	s15 =	simm.s32 $0x0;
	s14 =	rddreg [dreg:$0x1c]  }
0x383: {  	[hbm4b:s14+s19] =	stream.linear.scatter [tilespmem:s13], [sflag:$0xC], $0x4000, $0x38;
	[tilespmem:$0x1C200] =	vst v63  }
0x384: {  	s16 =	simm.s32 $0x0;
	s14 =	sand.u32 $0x2000, s15;
	s15 =	sand.u32 $0x1C00, s19  }
0x385: {  	s16 =	sand.u32 $0x380, s16;
	_ =	swait.ge [sflag:s5], $0x4000;
	s14 =	sor.u32 s15, s14  }
0x386: {  	s4 =	sand.u32 $0x40, s19;
	[sflag:s5] =	ssyncset.done $0x0;
	s14 =	sor.u32 s16, s14  }
0x387: {  	[sflag:s5] =	ssyncadd.s32 $0xFFFFC000;
	s4 =	sor.u32 s4, s14  }
0x388: {  	v4 =	vld [tilespmem:s4+$0x4230]  }
0x389: {  	v5 =	vld [tilespmem:s4+$0x4200]  }
0x38a: {  	v6 =	vld [tilespmem:s4+$0x4210]  }
0x38b: {  	s17 =	simm.s32 $0x40;
	s30 =	simm.s32 $0x200  }
0x38c: {  	s18 =	sand.u32 $0x1C00, s30;
	s19 =	simm.s32 $0x8;
	s14 =	sand.u32 $0x2000, s17;
	v3 =	vld [tilespmem:s4+$0x4220]  }
0x38d: {  	s15 =	simm.s32 $0x40;
	s16 =	sand.u32 $0x380, s19;
	s14 =	sor.u32 s18, s14;
	[tilespmem:s4+$0x8230] =	vst.add.f32.msk $0xffff, v4  }
0x38e: {  	s17 =	sand.u32 $0x40, s15;
	s14 =	sor.u32 s16, s14;
	[tilespmem:s4+$0x8200] =	vst.add.f32.msk $0xffff, v5  }
0x38f: {  	s14 =	sor.u32 s17, s14;
	[tilespmem:s4+$0x8210] =	vst.add.f32.msk $0xffff, v6  }
0x390: {  	v5 =	vld [tilespmem:s14+$0x4230]  }
0x391: {  	s16 =	simm.s32 $0x4;
	v4 =	vld [tilespmem:s14+$0x4200]  }
.LBB2_32:
0x392: {  	s16 =	sadd.s32 $0x4, s16;
	v6 =	vld [tilespmem:s14+$0x4210];
	s30 =	sadd.s32 $0x200, s30  }
0x393: {  	s15 =	sadd.s32 $0x40, s15;
	s17 =	sshll.u32 s16, $0x4;
	p0 =	slt.u32 s16, $0x3FC;
	v7 =	vld [tilespmem:s14+$0x4220]  }
0x394: {  	s18 =	sand.u32 $0x1C00, s30;
	s19 =	sshll.u32 s16, $0x1;
	s17 =	sand.u32 $0x2000, s17;
	[tilespmem:s4+$0x8220] =	vst.add.f32.msk $0xffff, v3  }
.Ltmp15:
0x395: {  	s4 =	sor.u32 s18, s17;
	s17 =	sand.u32 $0x380, s19;
	[tilespmem:s14+$0x8230] =	vst.add.f32.msk $0xffff, v5;
	(pc) =	sbr.rel @p0 .LBB2_32-.Ltmp15, $4  }
0x396: {  	s18 =	sand.u32 $0x40, s15;
	s17 =	sor.u32 s17, s4;
	[tilespmem:s14+$0x8200] =	vst.add.f32.msk $0xffff, v4;
	s4 =	smov.u32 s14  }
0x397: {  	s14 =	sor.u32 s18, s17;
	[tilespmem:s4+$0x8210] =	vst.add.f32.msk $0xffff, v6  }
0x398: {  	v5 =	vld [tilespmem:s14+$0x4230];
	v3 =	vmov v7  }
0x399: {  	v4 =	vld [tilespmem:s14+$0x4200]  }
0x39a: {  	v6 =	vld [tilespmem:s14+$0x4210]  }
0x39b: {  	v7 =	vld [tilespmem:s14+$0x4220]  }
0x39c: {  	[tilespmem:s4+$0x8220] =	vst.add.f32.msk $0xffff, v3  }
0x39d: {  	[tilespmem:s14+$0x8230] =	vst.add.f32.msk $0xffff, v5  }
0x39e: {  	[tilespmem:s14+$0x8200] =	vst.add.f32.msk $0xffff, v4  }
0x39f: {  	[tilespmem:s14+$0x8210] =	vst.add.f32.msk $0xffff, v6  }
0x3a0: {  	[tilespmem:s14+$0x8220] =	vst.add.f32.msk $0xffff, v7  }
0x3a1: {  	s4 =	rddreg [dreg:$0x1d]  }
0x3a2: {  	[hbm4b:s4+s3] =	stream.linear.scatter [tilespmem:s9], [sflag:$0x8], $0x4000, $0x38;
	[tilespmem:$0x1C200] =	vst v63  }
0x3a3: {  	_ =	swait.ge [sflag:s0], $0x4000  }
0x3a4: {  	[sflag:s0] =	ssyncset.done $0x0  }
0x3a5: {  	[sflag:s0] =	ssyncadd.s32 $0xFFFFC000  }
0x3a6: {  	_ =	swait.ge [sflag:s21], $0x4000  }
0x3a7: {  	[sflag:s21] =	ssyncset.done $0x0  }
0x3a8: {  	[sflag:s21] =	ssyncadd.s32 $0xFFFFC000  }
0x3a9: {  	_ =	swait.ge [sflag:s25], $0x4000  }
0x3aa: {  	[sflag:s25] =	ssyncset.done $0x0  }
0x3ab: {  	[sflag:s25] =	ssyncadd.s32 $0xFFFFC000  }
0x3ac: {  	_ =	swait.ge [sflag:s26], $0x4000  }
0x3ad: {  	[sflag:s26] =	ssyncset.done $0x0  }
0x3ae: {  	[sflag:s26] =	ssyncadd.s32 $0xFFFFC000  }
0x3af: {  	_ =	swait.ge [sflag:s31], $0x4000  }
0x3b0: {  	s28 =	sadd.s32 $0x1, s28;
	s30 =	rddreg [dreg:$0x17]  }
0x3b1: {  	p0 =	sne.s32 s28, s30  }
.Ltmp16:
0x3b2: {  	_ = 	snop;
	(pc) =	sbr.rel @p0 .LBB2_1-.Ltmp16, $3  }
0x3b3: {  	_ =	sdelay $0x1  }
0x3b4: {  	[sflag:s31] =	ssyncset.done $0x0  }
0x3b5: {  	[sflag:s31] =	ssyncadd.s32 $0xFFFFC000  }
0x3b6: {  	_ =	sfence.sel $0x180000  }
0x3b7: {  	[bflag:$0x0] =	sbarrier.arrive $0xFFFF  }
0x3b8: {  	_ =	strace $0x90000047  }
0x3b9: {  	s0 =	stileid.u32;
	[bflag:$0x2] =	sbarrier.arrive $0xFFFF  }
0x3ba: {  	p0 =	sne.s32 s0, $0x0;
	s0 =	rddreg [dreg:$0x4]  }
0x3bb: {  	s0 =	sadd.s32 @!p0 $0x100000, s0  }
0x3bc: {  	[sflag:s0] =	ssyncadd.tile.s32 @!p0 $0x1;
	_ =	shalt  }
.Lfunc_end2:
_tile_overlayer_lowered:
.L_overlay_start_2:
0x3bd: {  	(tag) =	ssettag $0x2  }
0x3be: {  	s0 =	rddreg [dreg:$0x0];
	s2 =	stileid.u32  }
0x3bf: {  	s1 =	rddreg [dreg:$0x1];
	p0 =	sne.s32 s2, $0x0  }
0x3c0: {  	s3 =	rddreg [dreg:$0x2];
	[bflag:$0x3] =	sbarrier.arrive $0xFFFF;
	s2 =	simm.s32 @!p0 $0x1C0D  }
0x3c1: {  	[timem:s3], [sflag:s2] =	dma.local @!p0 [hbm:s0], s1  }
0x3c2: {  	s0 =	simm.s32 @!p0 $0xD  }
0x3c3: {  	_ =	swait.ge @!p0 [sflag:s0], s1  }
0x3c4: {  	s1 =	ssub.s32 @!p0 $0x0, s1;
	[sflag:s0] =	ssyncset.done @!p0 $0x0  }
0x3c5: {  	[sflag:s0] =	ssyncadd.s32 @!p0 s1  }
0x3c6: {  	[bflag:$0x3] =	sbarrier.arrive $0xFFFF  }
0x3c7: {  	_ =	shalt  }

</sc_bundles>
